<compile_context>
chip_gen: v7x
topology: tpu7x:2x2x1
jax: 0.10.2.dev20260603
libtpu: 0.0.44.dev20260713+nightly
codegen_flags: <defaults>
</compile_context>

<pallas_src>
import functools

import jax
import jax.numpy as jnp
from jax import lax
from jax.experimental import pallas as pl
from jax.experimental.pallas import tpu as pltpu
from jax.experimental.pallas import tpu_sc as plsc

N = 10000
E = 320000
D = 128
H = 128
O = 64
B = 128
L = 3

NC = 2
NS = 16
NW = NC * NS
CHUNK = 120
NCH0 = 112
NCH1 = 56
NCHT = NCH0 + 2
E0 = NS * NCH0 * CHUNK
E_PAD = NS * (NCH0 + NCH1) * CHUNK
NPAD = 10240
ZSUB = 10
ZROWS = N // ZSUB
ZCH = 40


def _segsum_body(h_hbm, idx_hbm, out_hbm,
                 ib0, ib1, rows0_v, rows1_v, agg_sh,
                 isem0, isem1, gsem0, gsem1):
    cid = lax.axis_index("c")
    sid = lax.axis_index("s")
    wid = cid * NS + sid

    @pl.when(sid < ZSUB)
    def _():
        def zero_body(i, _):
            r = i // (D // 16)
            c = (i % (D // 16)) * 16
            rows1_v[r, pl.ds(c, 16)] = jnp.zeros((16,), jnp.float32)
            return 0
        lax.fori_loop(0, ZCH * (D // 16), zero_body, 0)

        def zcopy_body(i, _):
            pltpu.sync_copy(rows1_v.at[pl.ds(0, ZCH)],
                            agg_sh.at[pl.ds(sid * ZROWS + i * ZCH, ZCH)])
            return 0
        lax.fori_loop(0, ZROWS // ZCH, zcopy_body, 0)
    plsc.subcore_barrier()

    @pl.when(cid == 0)
    def _():
        pltpu.async_copy(idx_hbm.at[wid, 0], ib0, isem0)
        pltpu.async_copy(idx_hbm.at[wid, 1], ib1, isem1)
        pltpu.make_async_copy(idx_hbm.at[wid, 0], ib0, isem0).wait()
        pltpu.async_copy(h_hbm.at[ib0.at[0]], rows0_v, gsem0)

        def pair_body(j, _):
            i0 = 2 * j
            pltpu.make_async_copy(idx_hbm.at[wid, i0 + 1], ib1, isem1).wait()
            pltpu.make_async_copy(h_hbm.at[ib0.at[0]], rows0_v, gsem0).wait()
            pltpu.async_copy(h_hbm.at[ib1.at[0]], rows1_v, gsem1)
            pltpu.sync_copy(rows0_v, agg_sh.at[ib0.at[1]], add=True)

            @pl.when(i0 + 2 < NCH0)
            def _():
                pltpu.async_copy(idx_hbm.at[wid, i0 + 2], ib0, isem0)
            pltpu.make_async_copy(h_hbm.at[ib1.at[0]], rows1_v, gsem1).wait()

            @pl.when(i0 + 2 < NCH0)
            def _():
                pltpu.make_async_copy(idx_hbm.at[wid, i0 + 2], ib0,
                                      isem0).wait()
                pltpu.async_copy(h_hbm.at[ib0.at[0]], rows0_v, gsem0)
            pltpu.sync_copy(rows1_v, agg_sh.at[ib1.at[1]], add=True)

            @pl.when(i0 + 3 < NCH0)
            def _():
                pltpu.async_copy(idx_hbm.at[wid, i0 + 3], ib1, isem1)
            return 0
        lax.fori_loop(0, NCH0 // 2, pair_body, 0)

    @pl.when(cid == 1)
    def _():
        pltpu.async_copy(idx_hbm.at[wid, 0], ib0, isem0)

        def sync_body(j, _):
            c0 = 2 * j
            pltpu.async_copy(idx_hbm.at[wid, c0 + 1], ib1, isem1)
            pltpu.make_async_copy(idx_hbm.at[wid, c0], ib0, isem0).wait()
            pltpu.async_copy(h_hbm.at[ib0.at[0]], rows0_v, gsem0).wait()
            pltpu.sync_copy(rows0_v, agg_sh.at[ib0.at[1]], add=True)
            pltpu.async_copy(idx_hbm.at[wid, c0 + 2], ib0, isem0)
            pltpu.make_async_copy(idx_hbm.at[wid, c0 + 1], ib1, isem1).wait()
            pltpu.async_copy(h_hbm.at[ib1.at[0]], rows0_v, gsem0).wait()
            pltpu.sync_copy(rows0_v, agg_sh.at[ib1.at[1]], add=True)
            return 0
        lax.fori_loop(0, NCH1 // 2, sync_body, 0)
        pltpu.make_async_copy(idx_hbm.at[wid, NCH1], ib0, isem0).wait()
    plsc.subcore_barrier()

    @pl.when(sid < ZSUB)
    def _():
        pltpu.sync_copy(agg_sh.at[pl.ds(sid * ZROWS, ZROWS)],
                        out_hbm.at[cid].at[pl.ds(sid * ZROWS, ZROWS)])


@functools.cache
def _get_segsum():
    return pl.kernel(
        _segsum_body,
        out_type=jax.ShapeDtypeStruct((NC, N, D), jnp.float32),
        mesh=plsc.VectorSubcoreMesh(core_axis_name="c", subcore_axis_name="s",
                                    num_cores=NC, num_subcores=NS),
        scratch_types=(
            [pltpu.VMEM((2, CHUNK), jnp.int32)] * 2
            + [pltpu.VMEM((CHUNK, D), jnp.float32)] * 2
            + [pltpu.VMEM_SHARED((N, D), jnp.float32)]
            + [pltpu.SemaphoreType.DMA] * 4
        ),
    )


def _segsum(h, idx):
    return _get_segsum()(h, idx)


def _mlp_block(h, p0, p1, W1, b1, g, be, W2, b2):
    z = h[:N] + p0 + p1
    u = jnp.dot(z, W1, preferred_element_type=jnp.float32) + b1
    mean = jnp.mean(u, axis=0, keepdims=True)
    var = jnp.mean(jnp.square(u - mean), axis=0, keepdims=True)
    u = (u - mean) / jnp.sqrt(var + 1e-5) * g + be
    u = jnp.maximum(u, 0.0)
    v = jnp.dot(u, W2, preferred_element_type=jnp.float32) + b2
    return jnp.maximum(v, 0.0)


def _tc_layer_body(h_ref, p_ref, W1_ref, b1_ref, g_ref, be_ref, W2_ref,
                   b2_ref, o_ref):
    o_ref[:N] = _mlp_block(h_ref[...], p_ref[0], p_ref[1], W1_ref[...],
                           b1_ref[...], g_ref[...], be_ref[...], W2_ref[...],
                           b2_ref[...])
    o_ref[N:] = jnp.zeros((NPAD - N, H), jnp.float32)


_tc_layer = pl.pallas_call(
    _tc_layer_body,
    out_shape=jax.ShapeDtypeStruct((NPAD, H), jnp.float32),
)


def _tc_final_body(h_ref, p_ref, W1_ref, b1_ref, g_ref, be_ref, W2_ref,
                   b2_ref, batch_ref, mW1_ref, mb1_ref, mW2_ref, mb2_ref,
                   o_ref):
    h3 = _mlp_block(h_ref[...], p_ref[0], p_ref[1], W1_ref[...], b1_ref[...],
                    g_ref[...], be_ref[...], W2_ref[...], b2_ref[...])
    onehot = (batch_ref[...] == lax.broadcasted_iota(jnp.int32, (N, B), 1))
    onehot = onehot.astype(jnp.float32)
    pooled = lax.dot_general(onehot, h3, (((0,), (0,)), ((), ())),
                             preferred_element_type=jnp.float32)
    t = jnp.maximum(
        jnp.dot(pooled, mW1_ref[...], preferred_element_type=jnp.float32)
        + mb1_ref[...], 0.0)
    o_ref[...] = (jnp.dot(t, mW2_ref[...], preferred_element_type=jnp.float32)
                  + mb2_ref[...])


_tc_final = pl.pallas_call(
    _tc_final_body,
    out_shape=jax.ShapeDtypeStruct((B, O), jnp.float32),
)


@jax.jit
def _run(x, edge_index, batch, W1, b1, gamma, beta, W2, b2, mW1, mb1, mW2,
         mb2):
    def _split(v, fill):
        pad = jnp.full((E_PAD - E,), fill, jnp.int32)
        flat = jnp.concatenate([v, pad])
        c0 = flat[:E0].reshape(NS, NCH0, CHUNK)
        c1 = flat[E0:].reshape(NS, NCH1, CHUNK)
        c0 = jnp.concatenate(
            [c0, jnp.full((NS, NCHT - NCH0, CHUNK), fill, jnp.int32)], axis=1)
        c1 = jnp.concatenate(
            [c1, jnp.full((NS, NCHT - NCH1, CHUNK), fill, jnp.int32)], axis=1)
        return jnp.concatenate([c0, c1], axis=0)

    src = _split(edge_index[0], N)
    dst = _split(edge_index[1], 0)
    idx = jnp.stack([src, dst], axis=2)

    batch2d = batch.reshape(N, 1)
    h = jnp.concatenate([x, jnp.zeros((NPAD - N, D), jnp.float32)])
    for i in range(L - 1):
        p = _segsum(h, idx)
        h = _tc_layer(h, p, W1[i], b1[i].reshape(1, H), gamma[i].reshape(1, H),
                      beta[i].reshape(1, H), W2[i], b2[i].reshape(1, H))
    p = _segsum(h, idx)
    i = L - 1
    return _tc_final(h, p, W1[i], b1[i].reshape(1, H), gamma[i].reshape(1, H),
                     beta[i].reshape(1, H), W2[i], b2[i].reshape(1, H),
                     batch2d, mW1, mb1.reshape(1, H), mW2, mb2.reshape(1, O))


def kernel(x, edge_index, batch, batch_size, W1, b1, gamma, beta, W2, b2,
           mW1, mb1, mW2, mb2):
    return _run(x, edge_index, batch, W1, b1, gamma, beta, W2, b2, mW1, mb1,
                mW2, mb2)

# --- scband reference (transcript-rebuilt; emitter-appended) ---
"""Pipeline reference for scband-gin-73126113181760 (READ-ONLY COPY).

The authoritative reference and input builder live on the scoring server;
editing this copy changes nothing except your own understanding.
"""

import jax, jax.numpy as jnp
import numpy as np

N = 10000
E = 320000
D = 128
H = 128
O = 64
B = 128
L = 3

def setup_inputs(seed: int = 0):
    key = jax.random.key(seed)
    ks = jax.random.split(key, 12)
    inp = {}
    inp['x'] = jax.random.normal(ks[0], (N, D), dtype=jnp.float32)
    inp['edge_index'] = jax.random.randint(ks[1], (2, E), 0, N, dtype=jnp.int32)
    inp['batch'] = jnp.sort(jax.random.randint(ks[2], (N,), 0, B, dtype=jnp.int32))
    inp['batch_size'] = B
    inp['W1'] = jax.random.normal(ks[3], (L, D, H), dtype=jnp.float32) * 0.05
    inp['b1'] = jnp.zeros((L, H), dtype=jnp.float32)
    inp['gamma'] = jnp.ones((L, H), dtype=jnp.float32)
    inp['beta'] = jnp.zeros((L, H), dtype=jnp.float32)
    inp['W2'] = jax.random.normal(ks[4], (L, H, H), dtype=jnp.float32) * 0.05
    inp['b2'] = jnp.zeros((L, H), dtype=jnp.float32)
    inp['mW1'] = jax.random.normal(ks[5], (H, H), dtype=jnp.float32) * 0.05
    inp['mb1'] = jnp.zeros((H,), dtype=jnp.float32)
    inp['mW2'] = jax.random.normal(ks[6], (H, O), dtype=jnp.float32) * 0.05
    inp['mb2'] = jnp.zeros((O,), dtype=jnp.float32)
    return inp

def _batchnorm(h, g, b):
    mean = jnp.mean(h, axis=0, keepdims=True)
    var = jnp.var(h, axis=0, keepdims=True)
    return (h - mean) / jnp.sqrt(var + 1e-5) * g + b

def reference(x, edge_index, batch, batch_size, W1, b1, gamma, beta, W2, b2, mW1, mb1, mW2, mb2):
    src = edge_index[0]
    dst = edge_index[1]
    h = x
    for i in range(L):
        # GINConv (eps=0, train_eps=False): (1+eps)*x_i + sum_{j in N(i)} x_j
        agg = jax.ops.segment_sum(h[src], dst, num_segments=N)
        z = h + agg
        # MLP([in, hidden, hidden]) with default batch_norm + relu, plain last layer
        z = z @ W1[i] + b1[i]
        z = _batchnorm(z, gamma[i], beta[i])
        z = jax.nn.relu(z)
        z = z @ W2[i] + b2[i]
        h = jax.nn.relu(z)  # .relu() in GIN.forward
    pooled = jax.ops.segment_sum(h, batch, num_segments=B)
    pooled = pooled + (jnp.asarray(batch_size, dtype=pooled.dtype) - B) * 0
    # final MLP([hidden, hidden, out], norm=None, dropout=0.5) -- dropout identity in eval
    out = jax.nn.relu(pooled @ mW1 + mb1) @ mW2 + mb2
    return out

if __name__ == "__main__":
    import jax
    _d = setup_inputs()
    print(jax.jit(kernel)(*tuple(_d.values())))

</pallas_src>

<mosaic_0001>
#map = affine_map<(d0, d1) -> (0, 0)>
#map1 = affine_map<(d0, d1) -> (0, 0, 0, 0)>
#map2 = affine_map<(d0, d1) -> (0, 0, 0)>
module attributes {stable_mosaic.version = 14 : i64} {
  func.func @_segsum_body(%arg0: i32, %arg1: i32, %arg2: memref<10240x128xf32, #tpu.memory_space<hbm>>, %arg3: memref<32x114x2x120xi32, #tpu.memory_space<hbm>>, %arg4: memref<2x10000x128xf32, #tpu.memory_space<hbm>>, %arg5: memref<2x120xi32, #tpu.memory_space<vmem>>, %arg6: memref<2x120xi32, #tpu.memory_space<vmem>>, %arg7: memref<120x128xf32, #tpu.memory_space<vmem>>, %arg8: memref<120x128xf32, #tpu.memory_space<vmem>>, %arg9: memref<10000x128xf32, #tpu.memory_space<vmem_shared>>, %arg10: memref<!tpu.dma_semaphore, #tpu.memory_space<semaphore_mem>>, %arg11: memref<!tpu.dma_semaphore, #tpu.memory_space<semaphore_mem>>, %arg12: memref<!tpu.dma_semaphore, #tpu.memory_space<semaphore_mem>>, %arg13: memref<!tpu.dma_semaphore, #tpu.memory_space<semaphore_mem>>) attributes {dimension_semantics = [#tpu.dimension_semantics<core_parallel>, #tpu.dimension_semantics<subcore_parallel>], iteration_bounds = array<i64: 2, 16>, scalar_prefetch = 0 : i64, scratch_operands = 9 : i64, tpu.core_type = #tpu.core_type<sc_vector_subcore>, window_params = [{transform_indices = #map}, {transform_indices = #map1}, {transform_indices = #map2}]} {
    %mul3A = arith.constant 16 : i32
    %mul3A_0 = arith.muli %arg0, %mul3A : i32
    %add3A = arith.addi %mul3A_0, %arg1 : i32
    %lt3A = arith.constant 10 : i32
    %lt3A_1 = arith.cmpi slt, %arg1, %lt3A : i32
    %convert_element_type3A = arith.extui %lt3A_1 : i1 to i32
    %cond3A = arith.constant 0 : i32
    %cond3A_2 = arith.cmpi ne, %convert_element_type3A, %cond3A : i32
    scf.if %cond3A_2 {
      %scan3A = arith.constant 0 : i32
      %scan3A_18 = arith.constant 0 : i32
      %scan3A_19 = arith.constant 320 : i32
      %scan3A_20 = arith.addi %scan3A_18, %scan3A_19 : i32
      %scan3A_21 = arith.constant 1 : i32
      %scan3A_22 = scf.for %scan3A_31 = %scan3A_18 to %scan3A_20 step %scan3A_21 iter_args(%scan3A_32 = %scan3A) -> (i32)  : i32 {
        %jit3A = arith.constant 8 : i32
        %div3A = arith.divsi %scan3A_31, %jit3A : i32
        %sign3A = arith.constant 0 : i32
        %sign3A_33 = arith.cmpi sgt, %scan3A_31, %sign3A : i32
        %sign3A_34 = arith.extui %sign3A_33 : i1 to i32
        %sign3A_35 = arith.constant 0 : i32
        %sign3A_36 = arith.cmpi slt, %scan3A_31, %sign3A_35 : i32
        %sign3A_37 = arith.extui %sign3A_36 : i1 to i32
        %sign3A_38 = arith.subi %sign3A_34, %sign3A_37 : i32
        %sign3A_39 = arith.constant 0 : i32
        %sign3A_40 = arith.cmpi sgt, %jit3A, %sign3A_39 : i32
        %sign3A_41 = arith.extui %sign3A_40 : i1 to i32
        %sign3A_42 = arith.constant 0 : i32
        %sign3A_43 = arith.cmpi slt, %jit3A, %sign3A_42 : i32
        %sign3A_44 = arith.extui %sign3A_43 : i1 to i32
        %sign3A_45 = arith.subi %sign3A_41, %sign3A_44 : i32
        %ne3A = arith.cmpi ne, %sign3A_38, %sign3A_45 : i32
        %rem3A = arith.remsi %scan3A_31, %jit3A : i32
        %ne3A_46 = arith.constant 0 : i32
        %ne3A_47 = arith.cmpi ne, %rem3A, %ne3A_46 : i32
        %and3A = arith.andi %ne3A, %ne3A_47 : i1
        %sub3A = arith.constant 1 : i32
        %sub3A_48 = arith.subi %div3A, %sub3A : i32
        %select_n3A = arith.select %and3A, %sub3A_48, %div3A : i32
        %jit3A_49 = arith.constant 8 : i32
        %eq3A_50 = arith.constant 0 : i32
        %eq3A_51 = arith.cmpi eq, %jit3A_49, %eq3A_50 : i32
        %jit3A_52 = arith.constant 1 : i32
        %select_n3A_53 = arith.select %eq3A_51, %jit3A_52, %jit3A_49 : i32
        %rem3A_54 = arith.remsi %scan3A_31, %select_n3A_53 : i32
        %ne3A_55 = arith.constant 0 : i32
        %ne3A_56 = arith.cmpi ne, %rem3A_54, %ne3A_55 : i32
        %lt3A_57 = arith.constant 0 : i32
        %lt3A_58 = arith.cmpi slt, %rem3A_54, %lt3A_57 : i32
        %lt3A_59 = arith.constant 0 : i32
        %lt3A_60 = arith.cmpi slt, %select_n3A_53, %lt3A_59 : i32
        %ne3A_61 = arith.xori %lt3A_58, %lt3A_60 : i1
        %and3A_62 = arith.andi %ne3A_61, %ne3A_56 : i1
        %add3A_63 = arith.addi %rem3A_54, %select_n3A_53 : i32
        %select_n3A_64 = arith.select %and3A_62, %add3A_63, %rem3A_54 : i32
        %mul3A_65 = arith.constant 16 : i32
        %mul3A_66 = arith.muli %select_n3A_64, %mul3A_65 : i32
        %broadcast_in_dim3A = arith.constant 0.000000e+00 : f32
        %broadcast_in_dim3A_67 = vector.broadcast %broadcast_in_dim3A : f32 to vector<16xf32>
        %swap3A = arith.index_cast %select_n3A : i32 to index
        %swap3A_68 = arith.index_cast %mul3A_66 : i32 to index
        %swap3A_69 = tpu.vector_load %arg8[%swap3A, %swap3A_68] {strides = array<i32>} : memref<120x128xf32, #tpu.memory_space<vmem>>, vector<1x16xf32>,
        %swap3A_70 = vector.shape_cast %swap3A_69 : vector<1x16xf32> to vector<16xf32>
        %swap3A_71 = vector.shape_cast %broadcast_in_dim3A_67 : vector<16xf32> to vector<1x16xf32>
        tpu.vector_store %arg8[%swap3A, %swap3A_68], %swap3A_71 {strides = array<i32>} : memref<120x128xf32, #tpu.memory_space<vmem>>, vector<1x16xf32>,
        %scan3A_72 = arith.constant 0 : i32
        scf.yield %scan3A_72 : i32
      }
      %scan3A_23 = arith.constant 320 : i32
      %scan3A_24 = arith.constant 0 : i32
      %scan3A_25 = arith.constant 0 : i32
      %scan3A_26 = arith.constant 25 : i32
      %scan3A_27 = arith.addi %scan3A_25, %scan3A_26 : i32
      %scan3A_28 = arith.constant 1 : i32
      %scan3A_29 = scf.for %scan3A_31 = %scan3A_25 to %scan3A_27 step %scan3A_28 iter_args(%scan3A_32 = %scan3A_24) -> (i32)  : i32 {
        %mul3A_33 = arith.constant 1000 : i32
        %mul3A_34 = arith.muli %arg1, %mul3A_33 : i32
        %mul3A_35 = arith.constant 40 : i32
        %mul3A_36 = arith.muli %scan3A_31, %mul3A_35 : i32
        %add3A_37 = arith.addi %mul3A_34, %mul3A_36 : i32
        "tpu.region"() ({
          %run_scoped3A = tpu.sem_alloc : memref<!tpu.dma_semaphore, #tpu.memory_space<semaphore_mem>>
          %dma_start3A = arith.constant 0 : i32
          %dma_start3A_39 = arith.constant 0 : i32
          %dma_start3A_40 = tpu.memref_slice %arg8[%dma_start3A, %dma_start3A_39] : memref<120x128xf32, #tpu.memory_space<vmem>> -> memref<40x128xf32, #tpu.memory_space<vmem>>
          %dma_start3A_41 = arith.constant 0 : i32
          %dma_start3A_42 = tpu.memref_slice %arg9[%add3A_37, %dma_start3A_41] : memref<10000x128xf32, #tpu.memory_space<vmem_shared>> -> memref<40x128xf32, #tpu.memory_space<vmem_shared>>
          %dma_start3A_43 = arith.constant 0 : i32
          %dma_start3A_44 = tpu.memref_slice %arg9[%add3A_37, %dma_start3A_43] : memref<10000x128xf32, #tpu.memory_space<vmem_shared>> -> memref<40x128xf32, #tpu.memory_space<vmem_shared>>
          %dma_start3A_45 = arith.constant 0 : i32
          %dma_start3A_46 = arith.constant 0 : i32
          %dma_start3A_47 = tpu.memref_slice %arg8[%dma_start3A_45, %dma_start3A_46] : memref<120x128xf32, #tpu.memory_space<vmem>> -> memref<40x128xf32, #tpu.memory_space<vmem>>
          tpu.enqueue_dma source(%dma_start3A_47 : memref<40x128xf32, #tpu.memory_space<vmem>>) target(%dma_start3A_44 : memref<40x128xf32, #tpu.memory_space<vmem_shared>>) target_semaphore(%run_scoped3A : memref<!tpu.dma_semaphore, #tpu.memory_space<semaphore_mem>>)
          %dma_wait3A = arith.constant 0 : i32
          %dma_wait3A_48 = arith.constant 0 : i32
          %dma_wait3A_49 = tpu.memref_slice %arg8[%dma_wait3A, %dma_wait3A_48] : memref<120x128xf32, #tpu.memory_space<vmem>> -> memref<40x128xf32, #tpu.memory_space<vmem>>
          %dma_wait3A_50 = arith.constant 0 : i32
          %dma_wait3A_51 = tpu.memref_slice %arg9[%add3A_37, %dma_wait3A_50] : memref<10000x128xf32, #tpu.memory_space<vmem_shared>> -> memref<40x128xf32, #tpu.memory_space<vmem_shared>>
          %dma_wait3A_52 = arith.constant 0 : i32
          %dma_wait3A_53 = tpu.memref_slice %arg9[%add3A_37, %dma_wait3A_52] : memref<10000x128xf32, #tpu.memory_space<vmem_shared>> -> memref<40x128xf32, #tpu.memory_space<vmem_shared>>
          %dma_wait3A_54 = arith.constant 0 : i32
          %dma_wait3A_55 = arith.constant 0 : i32
          %dma_wait3A_56 = tpu.memref_slice %arg8[%dma_wait3A_54, %dma_wait3A_55] : memref<120x128xf32, #tpu.memory_space<vmem>> -> memref<40x128xf32, #tpu.memory_space<vmem>>
          tpu.wait_dma2 semaphore(%run_scoped3A : memref<!tpu.dma_semaphore, #tpu.memory_space<semaphore_mem>>) src(%dma_wait3A_56 : memref<40x128xf32, #tpu.memory_space<vmem>>) dst(%dma_wait3A_53 : memref<40x128xf32, #tpu.memory_space<vmem_shared>>)
          tpu.yield
        }) : () -> ()
        %scan3A_38 = arith.constant 0 : i32
        scf.yield %scan3A_38 : i32
      }
      %scan3A_30 = arith.constant 25 : i32
    } else {
    }
    %barrier3A = arith.constant 0 : index
    tpu.barrier barrier_id(%barrier3A)
    %eq3A = arith.constant 0 : i32
    %eq3A_3 = arith.cmpi eq, %arg0, %eq3A : i32
    %convert_element_type3A_4 = arith.extui %eq3A_3 : i1 to i32
    %cond3A_5 = arith.constant 0 : i32
    %cond3A_6 = arith.cmpi ne, %convert_element_type3A_4, %cond3A_5 : i32
    scf.if %cond3A_6 {
      %dma_start3A = arith.constant 0 : i32
      %dma_start3A_18 = arith.constant 0 : i32
      %dma_start3A_19 = arith.constant 0 : i32
      %dma_start3A_20 = tpu.memref_slice %arg3[%add3A, %dma_start3A, %dma_start3A_18, %dma_start3A_19] : memref<32x114x2x120xi32, #tpu.memory_space<hbm>> -> memref<1x1x2x120xi32, #tpu.memory_space<hbm>>
      %dma_start3A_21 = tpu.memref_squeeze %dma_start3A_20 : memref<1x1x2x120xi32, #tpu.memory_space<hbm>> -> memref<2x120xi32, #tpu.memory_space<hbm>>
      %dma_start3A_22 = arith.constant 0 : i32
      %dma_start3A_23 = arith.constant 0 : i32
      %dma_start3A_24 = tpu.memref_slice %arg3[%add3A, %dma_start3A, %dma_start3A_22, %dma_start3A_23] : memref<32x114x2x120xi32, #tpu.memory_space<hbm>> -> memref<1x1x2x120xi32, #tpu.memory_space<hbm>>
      %dma_start3A_25 = tpu.memref_squeeze %dma_start3A_24 : memref<1x1x2x120xi32, #tpu.memory_space<hbm>> -> memref<2x120xi32, #tpu.memory_space<hbm>>
      tpu.enqueue_dma source(%dma_start3A_25 : memref<2x120xi32, #tpu.memory_space<hbm>>) target(%arg5 : memref<2x120xi32, #tpu.memory_space<vmem>>) target_semaphore(%arg10 : memref<!tpu.dma_semaphore, #tpu.memory_space<semaphore_mem>>)
      %dma_start3A_26 = arith.constant 1 : i32
      %dma_start3A_27 = arith.constant 0 : i32
      %dma_start3A_28 = arith.constant 0 : i32
      %dma_start3A_29 = tpu.memref_slice %arg3[%add3A, %dma_start3A_26, %dma_start3A_27, %dma_start3A_28] : memref<32x114x2x120xi32, #tpu.memory_space<hbm>> -> memref<1x1x2x120xi32, #tpu.memory_space<hbm>>
      %dma_start3A_30 = tpu.memref_squeeze %dma_start3A_29 : memref<1x1x2x120xi32, #tpu.memory_space<hbm>> -> memref<2x120xi32, #tpu.memory_space<hbm>>
      %dma_start3A_31 = arith.constant 0 : i32
      %dma_start3A_32 = arith.constant 0 : i32
      %dma_start3A_33 = tpu.memref_slice %arg3[%add3A, %dma_start3A_26, %dma_start3A_31, %dma_start3A_32] : memref<32x114x2x120xi32, #tpu.memory_space<hbm>> -> memref<1x1x2x120xi32, #tpu.memory_space<hbm>>
      %dma_start3A_34 = tpu.memref_squeeze %dma_start3A_33 : memref<1x1x2x120xi32, #tpu.memory_space<hbm>> -> memref<2x120xi32, #tpu.memory_space<hbm>>
      tpu.enqueue_dma source(%dma_start3A_34 : memref<2x120xi32, #tpu.memory_space<hbm>>) target(%arg6 : memref<2x120xi32, #tpu.memory_space<vmem>>) target_semaphore(%arg11 : memref<!tpu.dma_semaphore, #tpu.memory_space<semaphore_mem>>)
      %dma_wait3A = arith.constant 0 : i32
      %dma_wait3A_35 = arith.constant 0 : i32
      %dma_wait3A_36 = arith.constant 0 : i32
      %dma_wait3A_37 = tpu.memref_slice %arg3[%add3A, %dma_wait3A, %dma_wait3A_35, %dma_wait3A_36] : memref<32x114x2x120xi32, #tpu.memory_space<hbm>> -> memref<1x1x2x120xi32, #tpu.memory_space<hbm>>
      %dma_wait3A_38 = tpu.memref_squeeze %dma_wait3A_37 : memref<1x1x2x120xi32, #tpu.memory_space<hbm>> -> memref<2x120xi32, #tpu.memory_space<hbm>>
      %dma_wait3A_39 = arith.constant 0 : i32
      %dma_wait3A_40 = arith.constant 0 : i32
      %dma_wait3A_41 = tpu.memref_slice %arg3[%add3A, %dma_wait3A, %dma_wait3A_39, %dma_wait3A_40] : memref<32x114x2x120xi32, #tpu.memory_space<hbm>> -> memref<1x1x2x120xi32, #tpu.memory_space<hbm>>
      %dma_wait3A_42 = tpu.memref_squeeze %dma_wait3A_41 : memref<1x1x2x120xi32, #tpu.memory_space<hbm>> -> memref<2x120xi32, #tpu.memory_space<hbm>>
      tpu.wait_dma2 semaphore(%arg10 : memref<!tpu.dma_semaphore, #tpu.memory_space<semaphore_mem>>) src(%dma_wait3A_42 : memref<2x120xi32, #tpu.memory_space<hbm>>) dst(%arg5 : memref<2x120xi32, #tpu.memory_space<vmem>>)
      %dma_start3A_43 = arith.constant 0 : i32
      %dma_start3A_44 = arith.constant 0 : i32
      %dma_start3A_45 = tpu.memref_slice %arg5[%dma_start3A_43, %dma_start3A_44] : memref<2x120xi32, #tpu.memory_space<vmem>> -> memref<1x120xi32, #tpu.memory_space<vmem>>
      %dma_start3A_46 = tpu.memref_squeeze %dma_start3A_45 : memref<1x120xi32, #tpu.memory_space<vmem>> -> memref<120xi32, #tpu.memory_space<vmem>>
      %dma_start3A_47 = arith.constant 0 : i32
      %dma_start3A_48 = arith.constant 0 : i32
      %dma_start3A_49 = tpu.memref_slice %arg2[%dma_start3A_47, %dma_start3A_48] : memref<10240x128xf32, #tpu.memory_space<hbm>> -> memref<10240x128xf32, #tpu.memory_space<hbm>>
      tpu.enqueue_indirect_dma source(%dma_start3A_49 : memref<10240x128xf32, #tpu.memory_space<hbm>>) target(%arg7 : memref<120x128xf32, #tpu.memory_space<vmem>>) offsets(%dma_start3A_46 : memref<120xi32, #tpu.memory_space<vmem>>) semaphore(%arg12 : memref<!tpu.dma_semaphore, #tpu.memory_space<semaphore_mem>>)
      %scan3A = arith.constant 0 : i32
      %scan3A_50 = arith.constant 0 : i32
      %scan3A_51 = arith.constant 56 : i32
      %scan3A_52 = arith.addi %scan3A_50, %scan3A_51 : i32
      %scan3A_53 = arith.constant 1 : i32
      %scan3A_54 = scf.for %scan3A_56 = %scan3A_50 to %scan3A_52 step %scan3A_53 iter_args(%scan3A_57 = %scan3A) -> (i32)  : i32 {
        %mul3A_58 = arith.constant 2 : i32
        %mul3A_59 = arith.muli %mul3A_58, %scan3A_56 : i32
        %add3A_60 = arith.constant 1 : i32
        %add3A_61 = arith.addi %mul3A_59, %add3A_60 : i32
        %dma_wait3A_62 = arith.constant 0 : i32
        %dma_wait3A_63 = arith.constant 0 : i32
        %dma_wait3A_64 = tpu.memref_slice %arg3[%add3A, %add3A_61, %dma_wait3A_62, %dma_wait3A_63] : memref<32x114x2x120xi32, #tpu.memory_space<hbm>> -> memref<1x1x2x120xi32, #tpu.memory_space<hbm>>
        %dma_wait3A_65 = tpu.memref_squeeze %dma_wait3A_64 : memref<1x1x2x120xi32, #tpu.memory_space<hbm>> -> memref<2x120xi32, #tpu.memory_space<hbm>>
        %dma_wait3A_66 = arith.constant 0 : i32
        %dma_wait3A_67 = arith.constant 0 : i32
        %dma_wait3A_68 = tpu.memref_slice %arg3[%add3A, %add3A_61, %dma_wait3A_66, %dma_wait3A_67] : memref<32x114x2x120xi32, #tpu.memory_space<hbm>> -> memref<1x1x2x120xi32, #tpu.memory_space<hbm>>
        %dma_wait3A_69 = tpu.memref_squeeze %dma_wait3A_68 : memref<1x1x2x120xi32, #tpu.memory_space<hbm>> -> memref<2x120xi32, #tpu.memory_space<hbm>>
        tpu.wait_dma2 semaphore(%arg11 : memref<!tpu.dma_semaphore, #tpu.memory_space<semaphore_mem>>) src(%dma_wait3A_69 : memref<2x120xi32, #tpu.memory_space<hbm>>) dst(%arg6 : memref<2x120xi32, #tpu.memory_space<vmem>>)
        %dma_wait3A_70 = arith.constant 0 : i32
        %dma_wait3A_71 = arith.constant 0 : i32
        %dma_wait3A_72 = tpu.memref_slice %arg5[%dma_wait3A_70, %dma_wait3A_71] : memref<2x120xi32, #tpu.memory_space<vmem>> -> memref<1x120xi32, #tpu.memory_space<vmem>>
        %dma_wait3A_73 = tpu.memref_squeeze %dma_wait3A_72 : memref<1x120xi32, #tpu.memory_space<vmem>> -> memref<120xi32, #tpu.memory_space<vmem>>
        %dma_wait3A_74 = arith.constant 0 : i32
        %dma_wait3A_75 = arith.constant 0 : i32
        %dma_wait3A_76 = tpu.memref_slice %arg2[%dma_wait3A_74, %dma_wait3A_75] : memref<10240x128xf32, #tpu.memory_space<hbm>> -> memref<10240x128xf32, #tpu.memory_space<hbm>>
        tpu.wait_indirect_dma semaphore(%arg12 : memref<!tpu.dma_semaphore, #tpu.memory_space<semaphore_mem>>) src(%dma_wait3A_76 : memref<10240x128xf32, #tpu.memory_space<hbm>>) dst(%arg7 : memref<120x128xf32, #tpu.memory_space<vmem>>)
        %dma_start3A_77 = arith.constant 0 : i32
        %dma_start3A_78 = arith.constant 0 : i32
        %dma_start3A_79 = tpu.memref_slice %arg6[%dma_start3A_77, %dma_start3A_78] : memref<2x120xi32, #tpu.memory_space<vmem>> -> memref<1x120xi32, #tpu.memory_space<vmem>>
        %dma_start3A_80 = tpu.memref_squeeze %dma_start3A_79 : memref<1x120xi32, #tpu.memory_space<vmem>> -> memref<120xi32, #tpu.memory_space<vmem>>
        %dma_start3A_81 = arith.constant 0 : i32
        %dma_start3A_82 = arith.constant 0 : i32
        %dma_start3A_83 = tpu.memref_slice %arg2[%dma_start3A_81, %dma_start3A_82] : memref<10240x128xf32, #tpu.memory_space<hbm>> -> memref<10240x128xf32, #tpu.memory_space<hbm>>
        tpu.enqueue_indirect_dma source(%dma_start3A_83 : memref<10240x128xf32, #tpu.memory_space<hbm>>) target(%arg8 : memref<120x128xf32, #tpu.memory_space<vmem>>) offsets(%dma_start3A_80 : memref<120xi32, #tpu.memory_space<vmem>>) semaphore(%arg13 : memref<!tpu.dma_semaphore, #tpu.memory_space<semaphore_mem>>)
        %run_scoped3A = arith.constant 1 : i32
        "tpu.region"() ({
          %run_scoped3A_114 = tpu.sem_alloc : memref<!tpu.dma_semaphore, #tpu.memory_space<semaphore_mem>>
          %dma_start3A_115 = arith.constant 0 : i32
          %dma_start3A_116 = tpu.memref_slice %arg5[%run_scoped3A, %dma_start3A_115] : memref<2x120xi32, #tpu.memory_space<vmem>> -> memref<1x120xi32, #tpu.memory_space<vmem>>
          %dma_start3A_117 = tpu.memref_squeeze %dma_start3A_116 : memref<1x120xi32, #tpu.memory_space<vmem>> -> memref<120xi32, #tpu.memory_space<vmem>>
          %dma_start3A_118 = arith.constant 0 : i32
          %dma_start3A_119 = arith.constant 0 : i32
          %dma_start3A_120 = tpu.memref_slice %arg9[%dma_start3A_118, %dma_start3A_119] : memref<10000x128xf32, #tpu.memory_space<vmem_shared>> -> memref<10000x128xf32, #tpu.memory_space<vmem_shared>>
          tpu.enqueue_indirect_dma source(%arg7 : memref<120x128xf32, #tpu.memory_space<vmem>>) target(%dma_start3A_120 : memref<10000x128xf32, #tpu.memory_space<vmem_shared>>) offsets(%dma_start3A_117 : memref<120xi32, #tpu.memory_space<vmem>>) semaphore(%run_scoped3A_114 : memref<!tpu.dma_semaphore, #tpu.memory_space<semaphore_mem>>) {add = true}
          %dma_wait3A_121 = arith.constant 0 : i32
          %dma_wait3A_122 = tpu.memref_slice %arg5[%run_scoped3A, %dma_wait3A_121] : memref<2x120xi32, #tpu.memory_space<vmem>> -> memref<1x120xi32, #tpu.memory_space<vmem>>
          %dma_wait3A_123 = tpu.memref_squeeze %dma_wait3A_122 : memref<1x120xi32, #tpu.memory_space<vmem>> -> memref<120xi32, #tpu.memory_space<vmem>>
          %dma_wait3A_124 = arith.constant 0 : i32
          %dma_wait3A_125 = arith.constant 0 : i32
          %dma_wait3A_126 = tpu.memref_slice %arg9[%dma_wait3A_124, %dma_wait3A_125] : memref<10000x128xf32, #tpu.memory_space<vmem_shared>> -> memref<10000x128xf32, #tpu.memory_space<vmem_shared>>
          tpu.wait_indirect_dma semaphore(%run_scoped3A_114 : memref<!tpu.dma_semaphore, #tpu.memory_space<semaphore_mem>>) src(%arg7 : memref<120x128xf32, #tpu.memory_space<vmem>>) dst(%dma_wait3A_126 : memref<10000x128xf32, #tpu.memory_space<vmem_shared>>)
          tpu.yield
        }) : () -> ()
        %add3A_84 = arith.constant 2 : i32
        %add3A_85 = arith.addi %mul3A_59, %add3A_84 : i32
        %lt3A_86 = arith.constant 112 : i32
        %lt3A_87 = arith.cmpi slt, %add3A_85, %lt3A_86 : i32
        %convert_element_type3A_88 = arith.extui %lt3A_87 : i1 to i32
        %cond3A_89 = arith.constant 0 : i32
        %cond3A_90 = arith.cmpi ne, %convert_element_type3A_88, %cond3A_89 : i32
        scf.if %cond3A_90 {
          %add3A_114 = arith.constant 2 : i32
          %add3A_115 = arith.addi %mul3A_59, %add3A_114 : i32
          %dma_start3A_116 = arith.constant 0 : i32
          %dma_start3A_117 = arith.constant 0 : i32
          %dma_start3A_118 = tpu.memref_slice %arg3[%add3A, %add3A_115, %dma_start3A_116, %dma_start3A_117] : memref<32x114x2x120xi32, #tpu.memory_space<hbm>> -> memref<1x1x2x120xi32, #tpu.memory_space<hbm>>
          %dma_start3A_119 = tpu.memref_squeeze %dma_start3A_118 : memref<1x1x2x120xi32, #tpu.memory_space<hbm>> -> memref<2x120xi32, #tpu.memory_space<hbm>>
          %dma_start3A_120 = arith.constant 0 : i32
          %dma_start3A_121 = arith.constant 0 : i32
          %dma_start3A_122 = tpu.memref_slice %arg3[%add3A, %add3A_115, %dma_start3A_120, %dma_start3A_121] : memref<32x114x2x120xi32, #tpu.memory_space<hbm>> -> memref<1x1x2x120xi32, #tpu.memory_space<hbm>>
          %dma_start3A_123 = tpu.memref_squeeze %dma_start3A_122 : memref<1x1x2x120xi32, #tpu.memory_space<hbm>> -> memref<2x120xi32, #tpu.memory_space<hbm>>
          tpu.enqueue_dma source(%dma_start3A_123 : memref<2x120xi32, #tpu.memory_space<hbm>>) target(%arg5 : memref<2x120xi32, #tpu.memory_space<vmem>>) target_semaphore(%arg10 : memref<!tpu.dma_semaphore, #tpu.memory_space<semaphore_mem>>)
        } else {
        }
        %dma_wait3A_91 = arith.constant 0 : i32
        %dma_wait3A_92 = arith.constant 0 : i32
        %dma_wait3A_93 = tpu.memref_slice %arg6[%dma_wait3A_91, %dma_wait3A_92] : memref<2x120xi32, #tpu.memory_space<vmem>> -> memref<1x120xi32, #tpu.memory_space<vmem>>
        %dma_wait3A_94 = tpu.memref_squeeze %dma_wait3A_93 : memref<1x120xi32, #tpu.memory_space<vmem>> -> memref<120xi32, #tpu.memory_space<vmem>>
        %dma_wait3A_95 = arith.constant 0 : i32
        %dma_wait3A_96 = arith.constant 0 : i32
        %dma_wait3A_97 = tpu.memref_slice %arg2[%dma_wait3A_95, %dma_wait3A_96] : memref<10240x128xf32, #tpu.memory_space<hbm>> -> memref<10240x128xf32, #tpu.memory_space<hbm>>
        tpu.wait_indirect_dma semaphore(%arg13 : memref<!tpu.dma_semaphore, #tpu.memory_space<semaphore_mem>>) src(%dma_wait3A_97 : memref<10240x128xf32, #tpu.memory_space<hbm>>) dst(%arg8 : memref<120x128xf32, #tpu.memory_space<vmem>>)
        %add3A_98 = arith.constant 2 : i32
        %add3A_99 = arith.addi %mul3A_59, %add3A_98 : i32
        %lt3A_100 = arith.constant 112 : i32
        %lt3A_101 = arith.cmpi slt, %add3A_99, %lt3A_100 : i32
        %convert_element_type3A_102 = arith.extui %lt3A_101 : i1 to i32
        %cond3A_103 = arith.constant 0 : i32
        %cond3A_104 = arith.cmpi ne, %convert_element_type3A_102, %cond3A_103 : i32
        scf.if %cond3A_104 {
          %add3A_114 = arith.constant 2 : i32
          %add3A_115 = arith.addi %mul3A_59, %add3A_114 : i32
          %dma_wait3A_116 = arith.constant 0 : i32
          %dma_wait3A_117 = arith.constant 0 : i32
          %dma_wait3A_118 = tpu.memref_slice %arg3[%add3A, %add3A_115, %dma_wait3A_116, %dma_wait3A_117] : memref<32x114x2x120xi32, #tpu.memory_space<hbm>> -> memref<1x1x2x120xi32, #tpu.memory_space<hbm>>
          %dma_wait3A_119 = tpu.memref_squeeze %dma_wait3A_118 : memref<1x1x2x120xi32, #tpu.memory_space<hbm>> -> memref<2x120xi32, #tpu.memory_space<hbm>>
          %dma_wait3A_120 = arith.constant 0 : i32
          %dma_wait3A_121 = arith.constant 0 : i32
          %dma_wait3A_122 = tpu.memref_slice %arg3[%add3A, %add3A_115, %dma_wait3A_120, %dma_wait3A_121] : memref<32x114x2x120xi32, #tpu.memory_space<hbm>> -> memref<1x1x2x120xi32, #tpu.memory_space<hbm>>
          %dma_wait3A_123 = tpu.memref_squeeze %dma_wait3A_122 : memref<1x1x2x120xi32, #tpu.memory_space<hbm>> -> memref<2x120xi32, #tpu.memory_space<hbm>>
          tpu.wait_dma2 semaphore(%arg10 : memref<!tpu.dma_semaphore, #tpu.memory_space<semaphore_mem>>) src(%dma_wait3A_123 : memref<2x120xi32, #tpu.memory_space<hbm>>) dst(%arg5 : memref<2x120xi32, #tpu.memory_space<vmem>>)
          %dma_start3A_124 = arith.constant 0 : i32
          %dma_start3A_125 = arith.constant 0 : i32
          %dma_start3A_126 = tpu.memref_slice %arg5[%dma_start3A_124, %dma_start3A_125] : memref<2x120xi32, #tpu.memory_space<vmem>> -> memref<1x120xi32, #tpu.memory_space<vmem>>
          %dma_start3A_127 = tpu.memref_squeeze %dma_start3A_126 : memref<1x120xi32, #tpu.memory_space<vmem>> -> memref<120xi32, #tpu.memory_space<vmem>>
          %dma_start3A_128 = arith.constant 0 : i32
          %dma_start3A_129 = arith.constant 0 : i32
          %dma_start3A_130 = tpu.memref_slice %arg2[%dma_start3A_128, %dma_start3A_129] : memref<10240x128xf32, #tpu.memory_space<hbm>> -> memref<10240x128xf32, #tpu.memory_space<hbm>>
          tpu.enqueue_indirect_dma source(%dma_start3A_130 : memref<10240x128xf32, #tpu.memory_space<hbm>>) target(%arg7 : memref<120x128xf32, #tpu.memory_space<vmem>>) offsets(%dma_start3A_127 : memref<120xi32, #tpu.memory_space<vmem>>) semaphore(%arg12 : memref<!tpu.dma_semaphore, #tpu.memory_space<semaphore_mem>>)
        } else {
        }
        %run_scoped3A_105 = arith.constant 1 : i32
        "tpu.region"() ({
          %run_scoped3A_114 = tpu.sem_alloc : memref<!tpu.dma_semaphore, #tpu.memory_space<semaphore_mem>>
          %dma_start3A_115 = arith.constant 0 : i32
          %dma_start3A_116 = tpu.memref_slice %arg6[%run_scoped3A_105, %dma_start3A_115] : memref<2x120xi32, #tpu.memory_space<vmem>> -> memref<1x120xi32, #tpu.memory_space<vmem>>
          %dma_start3A_117 = tpu.memref_squeeze %dma_start3A_116 : memref<1x120xi32, #tpu.memory_space<vmem>> -> memref<120xi32, #tpu.memory_space<vmem>>
          %dma_start3A_118 = arith.constant 0 : i32
          %dma_start3A_119 = arith.constant 0 : i32
          %dma_start3A_120 = tpu.memref_slice %arg9[%dma_start3A_118, %dma_start3A_119] : memref<10000x128xf32, #tpu.memory_space<vmem_shared>> -> memref<10000x128xf32, #tpu.memory_space<vmem_shared>>
          tpu.enqueue_indirect_dma source(%arg8 : memref<120x128xf32, #tpu.memory_space<vmem>>) target(%dma_start3A_120 : memref<10000x128xf32, #tpu.memory_space<vmem_shared>>) offsets(%dma_start3A_117 : memref<120xi32, #tpu.memory_space<vmem>>) semaphore(%run_scoped3A_114 : memref<!tpu.dma_semaphore, #tpu.memory_space<semaphore_mem>>) {add = true}
          %dma_wait3A_121 = arith.constant 0 : i32
          %dma_wait3A_122 = tpu.memref_slice %arg6[%run_scoped3A_105, %dma_wait3A_121] : memref<2x120xi32, #tpu.memory_space<vmem>> -> memref<1x120xi32, #tpu.memory_space<vmem>>
          %dma_wait3A_123 = tpu.memref_squeeze %dma_wait3A_122 : memref<1x120xi32, #tpu.memory_space<vmem>> -> memref<120xi32, #tpu.memory_space<vmem>>
          %dma_wait3A_124 = arith.constant 0 : i32
          %dma_wait3A_125 = arith.constant 0 : i32
          %dma_wait3A_126 = tpu.memref_slice %arg9[%dma_wait3A_124, %dma_wait3A_125] : memref<10000x128xf32, #tpu.memory_space<vmem_shared>> -> memref<10000x128xf32, #tpu.memory_space<vmem_shared>>
          tpu.wait_indirect_dma semaphore(%run_scoped3A_114 : memref<!tpu.dma_semaphore, #tpu.memory_space<semaphore_mem>>) src(%arg8 : memref<120x128xf32, #tpu.memory_space<vmem>>) dst(%dma_wait3A_126 : memref<10000x128xf32, #tpu.memory_space<vmem_shared>>)
          tpu.yield
        }) : () -> ()
        %add3A_106 = arith.constant 3 : i32
        %add3A_107 = arith.addi %mul3A_59, %add3A_106 : i32
        %lt3A_108 = arith.constant 112 : i32
        %lt3A_109 = arith.cmpi slt, %add3A_107, %lt3A_108 : i32
        %convert_element_type3A_110 = arith.extui %lt3A_109 : i1 to i32
        %cond3A_111 = arith.constant 0 : i32
        %cond3A_112 = arith.cmpi ne, %convert_element_type3A_110, %cond3A_111 : i32
        scf.if %cond3A_112 {
          %add3A_114 = arith.constant 3 : i32
          %add3A_115 = arith.addi %mul3A_59, %add3A_114 : i32
          %dma_start3A_116 = arith.constant 0 : i32
          %dma_start3A_117 = arith.constant 0 : i32
          %dma_start3A_118 = tpu.memref_slice %arg3[%add3A, %add3A_115, %dma_start3A_116, %dma_start3A_117] : memref<32x114x2x120xi32, #tpu.memory_space<hbm>> -> memref<1x1x2x120xi32, #tpu.memory_space<hbm>>
          %dma_start3A_119 = tpu.memref_squeeze %dma_start3A_118 : memref<1x1x2x120xi32, #tpu.memory_space<hbm>> -> memref<2x120xi32, #tpu.memory_space<hbm>>
          %dma_start3A_120 = arith.constant 0 : i32
          %dma_start3A_121 = arith.constant 0 : i32
          %dma_start3A_122 = tpu.memref_slice %arg3[%add3A, %add3A_115, %dma_start3A_120, %dma_start3A_121] : memref<32x114x2x120xi32, #tpu.memory_space<hbm>> -> memref<1x1x2x120xi32, #tpu.memory_space<hbm>>
          %dma_start3A_123 = tpu.memref_squeeze %dma_start3A_122 : memref<1x1x2x120xi32, #tpu.memory_space<hbm>> -> memref<2x120xi32, #tpu.memory_space<hbm>>
          tpu.enqueue_dma source(%dma_start3A_123 : memref<2x120xi32, #tpu.memory_space<hbm>>) target(%arg6 : memref<2x120xi32, #tpu.memory_space<vmem>>) target_semaphore(%arg11 : memref<!tpu.dma_semaphore, #tpu.memory_space<semaphore_mem>>)
        } else {
        }
        %scan3A_113 = arith.constant 0 : i32
        scf.yield %scan3A_113 : i32
      }
      %scan3A_55 = arith.constant 56 : i32
    } else {
    }
    %eq3A_7 = arith.constant 1 : i32
    %eq3A_8 = arith.cmpi eq, %arg0, %eq3A_7 : i32
    %convert_element_type3A_9 = arith.extui %eq3A_8 : i1 to i32
    %cond3A_10 = arith.constant 0 : i32
    %cond3A_11 = arith.cmpi ne, %convert_element_type3A_9, %cond3A_10 : i32
    scf.if %cond3A_11 {
      %dma_start3A = arith.constant 0 : i32
      %dma_start3A_18 = arith.constant 0 : i32
      %dma_start3A_19 = arith.constant 0 : i32
      %dma_start3A_20 = tpu.memref_slice %arg3[%add3A, %dma_start3A, %dma_start3A_18, %dma_start3A_19] : memref<32x114x2x120xi32, #tpu.memory_space<hbm>> -> memref<1x1x2x120xi32, #tpu.memory_space<hbm>>
      %dma_start3A_21 = tpu.memref_squeeze %dma_start3A_20 : memref<1x1x2x120xi32, #tpu.memory_space<hbm>> -> memref<2x120xi32, #tpu.memory_space<hbm>>
      %dma_start3A_22 = arith.constant 0 : i32
      %dma_start3A_23 = arith.constant 0 : i32
      %dma_start3A_24 = tpu.memref_slice %arg3[%add3A, %dma_start3A, %dma_start3A_22, %dma_start3A_23] : memref<32x114x2x120xi32, #tpu.memory_space<hbm>> -> memref<1x1x2x120xi32, #tpu.memory_space<hbm>>
      %dma_start3A_25 = tpu.memref_squeeze %dma_start3A_24 : memref<1x1x2x120xi32, #tpu.memory_space<hbm>> -> memref<2x120xi32, #tpu.memory_space<hbm>>
      tpu.enqueue_dma source(%dma_start3A_25 : memref<2x120xi32, #tpu.memory_space<hbm>>) target(%arg5 : memref<2x120xi32, #tpu.memory_space<vmem>>) target_semaphore(%arg10 : memref<!tpu.dma_semaphore, #tpu.memory_space<semaphore_mem>>)
      %scan3A = arith.constant 0 : i32
      %scan3A_26 = arith.constant 0 : i32
      %scan3A_27 = arith.constant 28 : i32
      %scan3A_28 = arith.addi %scan3A_26, %scan3A_27 : i32
      %scan3A_29 = arith.constant 1 : i32
      %scan3A_30 = scf.for %scan3A_40 = %scan3A_26 to %scan3A_28 step %scan3A_29 iter_args(%scan3A_41 = %scan3A) -> (i32)  : i32 {
        %mul3A_42 = arith.constant 2 : i32
        %mul3A_43 = arith.muli %mul3A_42, %scan3A_40 : i32
        %add3A_44 = arith.constant 1 : i32
        %add3A_45 = arith.addi %mul3A_43, %add3A_44 : i32
        %dma_start3A_46 = arith.constant 0 : i32
        %dma_start3A_47 = arith.constant 0 : i32
        %dma_start3A_48 = tpu.memref_slice %arg3[%add3A, %add3A_45, %dma_start3A_46, %dma_start3A_47] : memref<32x114x2x120xi32, #tpu.memory_space<hbm>> -> memref<1x1x2x120xi32, #tpu.memory_space<hbm>>
        %dma_start3A_49 = tpu.memref_squeeze %dma_start3A_48 : memref<1x1x2x120xi32, #tpu.memory_space<hbm>> -> memref<2x120xi32, #tpu.memory_space<hbm>>
        %dma_start3A_50 = arith.constant 0 : i32
        %dma_start3A_51 = arith.constant 0 : i32
        %dma_start3A_52 = tpu.memref_slice %arg3[%add3A, %add3A_45, %dma_start3A_50, %dma_start3A_51] : memref<32x114x2x120xi32, #tpu.memory_space<hbm>> -> memref<1x1x2x120xi32, #tpu.memory_space<hbm>>
        %dma_start3A_53 = tpu.memref_squeeze %dma_start3A_52 : memref<1x1x2x120xi32, #tpu.memory_space<hbm>> -> memref<2x120xi32, #tpu.memory_space<hbm>>
        tpu.enqueue_dma source(%dma_start3A_53 : memref<2x120xi32, #tpu.memory_space<hbm>>) target(%arg6 : memref<2x120xi32, #tpu.memory_space<vmem>>) target_semaphore(%arg11 : memref<!tpu.dma_semaphore, #tpu.memory_space<semaphore_mem>>)
        %dma_wait3A_54 = arith.constant 0 : i32
        %dma_wait3A_55 = arith.constant 0 : i32
        %dma_wait3A_56 = tpu.memref_slice %arg3[%add3A, %mul3A_43, %dma_wait3A_54, %dma_wait3A_55] : memref<32x114x2x120xi32, #tpu.memory_space<hbm>> -> memref<1x1x2x120xi32, #tpu.memory_space<hbm>>
        %dma_wait3A_57 = tpu.memref_squeeze %dma_wait3A_56 : memref<1x1x2x120xi32, #tpu.memory_space<hbm>> -> memref<2x120xi32, #tpu.memory_space<hbm>>
        %dma_wait3A_58 = arith.constant 0 : i32
        %dma_wait3A_59 = arith.constant 0 : i32
        %dma_wait3A_60 = tpu.memref_slice %arg3[%add3A, %mul3A_43, %dma_wait3A_58, %dma_wait3A_59] : memref<32x114x2x120xi32, #tpu.memory_space<hbm>> -> memref<1x1x2x120xi32, #tpu.memory_space<hbm>>
        %dma_wait3A_61 = tpu.memref_squeeze %dma_wait3A_60 : memref<1x1x2x120xi32, #tpu.memory_space<hbm>> -> memref<2x120xi32, #tpu.memory_space<hbm>>
        tpu.wait_dma2 semaphore(%arg10 : memref<!tpu.dma_semaphore, #tpu.memory_space<semaphore_mem>>) src(%dma_wait3A_61 : memref<2x120xi32, #tpu.memory_space<hbm>>) dst(%arg5 : memref<2x120xi32, #tpu.memory_space<vmem>>)
        %dma_start3A_62 = arith.constant 0 : i32
        %dma_start3A_63 = arith.constant 0 : i32
        %dma_start3A_64 = tpu.memref_slice %arg5[%dma_start3A_62, %dma_start3A_63] : memref<2x120xi32, #tpu.memory_space<vmem>> -> memref<1x120xi32, #tpu.memory_space<vmem>>
        %dma_start3A_65 = tpu.memref_squeeze %dma_start3A_64 : memref<1x120xi32, #tpu.memory_space<vmem>> -> memref<120xi32, #tpu.memory_space<vmem>>
        %dma_start3A_66 = arith.constant 0 : i32
        %dma_start3A_67 = arith.constant 0 : i32
        %dma_start3A_68 = tpu.memref_slice %arg2[%dma_start3A_66, %dma_start3A_67] : memref<10240x128xf32, #tpu.memory_space<hbm>> -> memref<10240x128xf32, #tpu.memory_space<hbm>>
        tpu.enqueue_indirect_dma source(%dma_start3A_68 : memref<10240x128xf32, #tpu.memory_space<hbm>>) target(%arg7 : memref<120x128xf32, #tpu.memory_space<vmem>>) offsets(%dma_start3A_65 : memref<120xi32, #tpu.memory_space<vmem>>) semaphore(%arg12 : memref<!tpu.dma_semaphore, #tpu.memory_space<semaphore_mem>>)
        %dma_wait3A_69 = arith.constant 0 : i32
        %dma_wait3A_70 = arith.constant 0 : i32
        %dma_wait3A_71 = tpu.memref_slice %arg5[%dma_wait3A_69, %dma_wait3A_70] : memref<2x120xi32, #tpu.memory_space<vmem>> -> memref<1x120xi32, #tpu.memory_space<vmem>>
        %dma_wait3A_72 = tpu.memref_squeeze %dma_wait3A_71 : memref<1x120xi32, #tpu.memory_space<vmem>> -> memref<120xi32, #tpu.memory_space<vmem>>
        %dma_wait3A_73 = arith.constant 0 : i32
        %dma_wait3A_74 = arith.constant 0 : i32
        %dma_wait3A_75 = tpu.memref_slice %arg2[%dma_wait3A_73, %dma_wait3A_74] : memref<10240x128xf32, #tpu.memory_space<hbm>> -> memref<10240x128xf32, #tpu.memory_space<hbm>>
        tpu.wait_indirect_dma semaphore(%arg12 : memref<!tpu.dma_semaphore, #tpu.memory_space<semaphore_mem>>) src(%dma_wait3A_75 : memref<10240x128xf32, #tpu.memory_space<hbm>>) dst(%arg7 : memref<120x128xf32, #tpu.memory_space<vmem>>)
        %run_scoped3A = arith.constant 1 : i32
        "tpu.region"() ({
          %run_scoped3A_112 = tpu.sem_alloc : memref<!tpu.dma_semaphore, #tpu.memory_space<semaphore_mem>>
          %dma_start3A_113 = arith.constant 0 : i32
          %dma_start3A_114 = tpu.memref_slice %arg5[%run_scoped3A, %dma_start3A_113] : memref<2x120xi32, #tpu.memory_space<vmem>> -> memref<1x120xi32, #tpu.memory_space<vmem>>
          %dma_start3A_115 = tpu.memref_squeeze %dma_start3A_114 : memref<1x120xi32, #tpu.memory_space<vmem>> -> memref<120xi32, #tpu.memory_space<vmem>>
          %dma_start3A_116 = arith.constant 0 : i32
          %dma_start3A_117 = arith.constant 0 : i32
          %dma_start3A_118 = tpu.memref_slice %arg9[%dma_start3A_116, %dma_start3A_117] : memref<10000x128xf32, #tpu.memory_space<vmem_shared>> -> memref<10000x128xf32, #tpu.memory_space<vmem_shared>>
          tpu.enqueue_indirect_dma source(%arg7 : memref<120x128xf32, #tpu.memory_space<vmem>>) target(%dma_start3A_118 : memref<10000x128xf32, #tpu.memory_space<vmem_shared>>) offsets(%dma_start3A_115 : memref<120xi32, #tpu.memory_space<vmem>>) semaphore(%run_scoped3A_112 : memref<!tpu.dma_semaphore, #tpu.memory_space<semaphore_mem>>) {add = true}
          %dma_wait3A_119 = arith.constant 0 : i32
          %dma_wait3A_120 = tpu.memref_slice %arg5[%run_scoped3A, %dma_wait3A_119] : memref<2x120xi32, #tpu.memory_space<vmem>> -> memref<1x120xi32, #tpu.memory_space<vmem>>
          %dma_wait3A_121 = tpu.memref_squeeze %dma_wait3A_120 : memref<1x120xi32, #tpu.memory_space<vmem>> -> memref<120xi32, #tpu.memory_space<vmem>>
          %dma_wait3A_122 = arith.constant 0 : i32
          %dma_wait3A_123 = arith.constant 0 : i32
          %dma_wait3A_124 = tpu.memref_slice %arg9[%dma_wait3A_122, %dma_wait3A_123] : memref<10000x128xf32, #tpu.memory_space<vmem_shared>> -> memref<10000x128xf32, #tpu.memory_space<vmem_shared>>
          tpu.wait_indirect_dma semaphore(%run_scoped3A_112 : memref<!tpu.dma_semaphore, #tpu.memory_space<semaphore_mem>>) src(%arg7 : memref<120x128xf32, #tpu.memory_space<vmem>>) dst(%dma_wait3A_124 : memref<10000x128xf32, #tpu.memory_space<vmem_shared>>)
          tpu.yield
        }) : () -> ()
        %add3A_76 = arith.constant 2 : i32
        %add3A_77 = arith.addi %mul3A_43, %add3A_76 : i32
        %dma_start3A_78 = arith.constant 0 : i32
        %dma_start3A_79 = arith.constant 0 : i32
        %dma_start3A_80 = tpu.memref_slice %arg3[%add3A, %add3A_77, %dma_start3A_78, %dma_start3A_79] : memref<32x114x2x120xi32, #tpu.memory_space<hbm>> -> memref<1x1x2x120xi32, #tpu.memory_space<hbm>>
        %dma_start3A_81 = tpu.memref_squeeze %dma_start3A_80 : memref<1x1x2x120xi32, #tpu.memory_space<hbm>> -> memref<2x120xi32, #tpu.memory_space<hbm>>
        %dma_start3A_82 = arith.constant 0 : i32
        %dma_start3A_83 = arith.constant 0 : i32
        %dma_start3A_84 = tpu.memref_slice %arg3[%add3A, %add3A_77, %dma_start3A_82, %dma_start3A_83] : memref<32x114x2x120xi32, #tpu.memory_space<hbm>> -> memref<1x1x2x120xi32, #tpu.memory_space<hbm>>
        %dma_start3A_85 = tpu.memref_squeeze %dma_start3A_84 : memref<1x1x2x120xi32, #tpu.memory_space<hbm>> -> memref<2x120xi32, #tpu.memory_space<hbm>>
        tpu.enqueue_dma source(%dma_start3A_85 : memref<2x120xi32, #tpu.memory_space<hbm>>) target(%arg5 : memref<2x120xi32, #tpu.memory_space<vmem>>) target_semaphore(%arg10 : memref<!tpu.dma_semaphore, #tpu.memory_space<semaphore_mem>>)
        %add3A_86 = arith.constant 1 : i32
        %add3A_87 = arith.addi %mul3A_43, %add3A_86 : i32
        %dma_wait3A_88 = arith.constant 0 : i32
        %dma_wait3A_89 = arith.constant 0 : i32
        %dma_wait3A_90 = tpu.memref_slice %arg3[%add3A, %add3A_87, %dma_wait3A_88, %dma_wait3A_89] : memref<32x114x2x120xi32, #tpu.memory_space<hbm>> -> memref<1x1x2x120xi32, #tpu.memory_space<hbm>>
        %dma_wait3A_91 = tpu.memref_squeeze %dma_wait3A_90 : memref<1x1x2x120xi32, #tpu.memory_space<hbm>> -> memref<2x120xi32, #tpu.memory_space<hbm>>
        %dma_wait3A_92 = arith.constant 0 : i32
        %dma_wait3A_93 = arith.constant 0 : i32
        %dma_wait3A_94 = tpu.memref_slice %arg3[%add3A, %add3A_87, %dma_wait3A_92, %dma_wait3A_93] : memref<32x114x2x120xi32, #tpu.memory_space<hbm>> -> memref<1x1x2x120xi32, #tpu.memory_space<hbm>>
        %dma_wait3A_95 = tpu.memref_squeeze %dma_wait3A_94 : memref<1x1x2x120xi32, #tpu.memory_space<hbm>> -> memref<2x120xi32, #tpu.memory_space<hbm>>
        tpu.wait_dma2 semaphore(%arg11 : memref<!tpu.dma_semaphore, #tpu.memory_space<semaphore_mem>>) src(%dma_wait3A_95 : memref<2x120xi32, #tpu.memory_space<hbm>>) dst(%arg6 : memref<2x120xi32, #tpu.memory_space<vmem>>)
        %dma_start3A_96 = arith.constant 0 : i32
        %dma_start3A_97 = arith.constant 0 : i32
        %dma_start3A_98 = tpu.memref_slice %arg6[%dma_start3A_96, %dma_start3A_97] : memref<2x120xi32, #tpu.memory_space<vmem>> -> memref<1x120xi32, #tpu.memory_space<vmem>>
        %dma_start3A_99 = tpu.memref_squeeze %dma_start3A_98 : memref<1x120xi32, #tpu.memory_space<vmem>> -> memref<120xi32, #tpu.memory_space<vmem>>
        %dma_start3A_100 = arith.constant 0 : i32
        %dma_start3A_101 = arith.constant 0 : i32
        %dma_start3A_102 = tpu.memref_slice %arg2[%dma_start3A_100, %dma_start3A_101] : memref<10240x128xf32, #tpu.memory_space<hbm>> -> memref<10240x128xf32, #tpu.memory_space<hbm>>
        tpu.enqueue_indirect_dma source(%dma_start3A_102 : memref<10240x128xf32, #tpu.memory_space<hbm>>) target(%arg7 : memref<120x128xf32, #tpu.memory_space<vmem>>) offsets(%dma_start3A_99 : memref<120xi32, #tpu.memory_space<vmem>>) semaphore(%arg12 : memref<!tpu.dma_semaphore, #tpu.memory_space<semaphore_mem>>)
        %dma_wait3A_103 = arith.constant 0 : i32
        %dma_wait3A_104 = arith.constant 0 : i32
        %dma_wait3A_105 = tpu.memref_slice %arg6[%dma_wait3A_103, %dma_wait3A_104] : memref<2x120xi32, #tpu.memory_space<vmem>> -> memref<1x120xi32, #tpu.memory_space<vmem>>
        %dma_wait3A_106 = tpu.memref_squeeze %dma_wait3A_105 : memref<1x120xi32, #tpu.memory_space<vmem>> -> memref<120xi32, #tpu.memory_space<vmem>>
        %dma_wait3A_107 = arith.constant 0 : i32
        %dma_wait3A_108 = arith.constant 0 : i32
        %dma_wait3A_109 = tpu.memref_slice %arg2[%dma_wait3A_107, %dma_wait3A_108] : memref<10240x128xf32, #tpu.memory_space<hbm>> -> memref<10240x128xf32, #tpu.memory_space<hbm>>
        tpu.wait_indirect_dma semaphore(%arg12 : memref<!tpu.dma_semaphore, #tpu.memory_space<semaphore_mem>>) src(%dma_wait3A_109 : memref<10240x128xf32, #tpu.memory_space<hbm>>) dst(%arg7 : memref<120x128xf32, #tpu.memory_space<vmem>>)
        %run_scoped3A_110 = arith.constant 1 : i32
        "tpu.region"() ({
          %run_scoped3A_112 = tpu.sem_alloc : memref<!tpu.dma_semaphore, #tpu.memory_space<semaphore_mem>>
          %dma_start3A_113 = arith.constant 0 : i32
          %dma_start3A_114 = tpu.memref_slice %arg6[%run_scoped3A_110, %dma_start3A_113] : memref<2x120xi32, #tpu.memory_space<vmem>> -> memref<1x120xi32, #tpu.memory_space<vmem>>
          %dma_start3A_115 = tpu.memref_squeeze %dma_start3A_114 : memref<1x120xi32, #tpu.memory_space<vmem>> -> memref<120xi32, #tpu.memory_space<vmem>>
          %dma_start3A_116 = arith.constant 0 : i32
          %dma_start3A_117 = arith.constant 0 : i32
          %dma_start3A_118 = tpu.memref_slice %arg9[%dma_start3A_116, %dma_start3A_117] : memref<10000x128xf32, #tpu.memory_space<vmem_shared>> -> memref<10000x128xf32, #tpu.memory_space<vmem_shared>>
          tpu.enqueue_indirect_dma source(%arg7 : memref<120x128xf32, #tpu.memory_space<vmem>>) target(%dma_start3A_118 : memref<10000x128xf32, #tpu.memory_space<vmem_shared>>) offsets(%dma_start3A_115 : memref<120xi32, #tpu.memory_space<vmem>>) semaphore(%run_scoped3A_112 : memref<!tpu.dma_semaphore, #tpu.memory_space<semaphore_mem>>) {add = true}
          %dma_wait3A_119 = arith.constant 0 : i32
          %dma_wait3A_120 = tpu.memref_slice %arg6[%run_scoped3A_110, %dma_wait3A_119] : memref<2x120xi32, #tpu.memory_space<vmem>> -> memref<1x120xi32, #tpu.memory_space<vmem>>
          %dma_wait3A_121 = tpu.memref_squeeze %dma_wait3A_120 : memref<1x120xi32, #tpu.memory_space<vmem>> -> memref<120xi32, #tpu.memory_space<vmem>>
          %dma_wait3A_122 = arith.constant 0 : i32
          %dma_wait3A_123 = arith.constant 0 : i32
          %dma_wait3A_124 = tpu.memref_slice %arg9[%dma_wait3A_122, %dma_wait3A_123] : memref<10000x128xf32, #tpu.memory_space<vmem_shared>> -> memref<10000x128xf32, #tpu.memory_space<vmem_shared>>
          tpu.wait_indirect_dma semaphore(%run_scoped3A_112 : memref<!tpu.dma_semaphore, #tpu.memory_space<semaphore_mem>>) src(%arg7 : memref<120x128xf32, #tpu.memory_space<vmem>>) dst(%dma_wait3A_124 : memref<10000x128xf32, #tpu.memory_space<vmem_shared>>)
          tpu.yield
        }) : () -> ()
        %scan3A_111 = arith.constant 0 : i32
        scf.yield %scan3A_111 : i32
      }
      %scan3A_31 = arith.constant 28 : i32
      %dma_wait3A = arith.constant 56 : i32
      %dma_wait3A_32 = arith.constant 0 : i32
      %dma_wait3A_33 = arith.constant 0 : i32
      %dma_wait3A_34 = tpu.memref_slice %arg3[%add3A, %dma_wait3A, %dma_wait3A_32, %dma_wait3A_33] : memref<32x114x2x120xi32, #tpu.memory_space<hbm>> -> memref<1x1x2x120xi32, #tpu.memory_space<hbm>>
      %dma_wait3A_35 = tpu.memref_squeeze %dma_wait3A_34 : memref<1x1x2x120xi32, #tpu.memory_space<hbm>> -> memref<2x120xi32, #tpu.memory_space<hbm>>
      %dma_wait3A_36 = arith.constant 0 : i32
      %dma_wait3A_37 = arith.constant 0 : i32
      %dma_wait3A_38 = tpu.memref_slice %arg3[%add3A, %dma_wait3A, %dma_wait3A_36, %dma_wait3A_37] : memref<32x114x2x120xi32, #tpu.memory_space<hbm>> -> memref<1x1x2x120xi32, #tpu.memory_space<hbm>>
      %dma_wait3A_39 = tpu.memref_squeeze %dma_wait3A_38 : memref<1x1x2x120xi32, #tpu.memory_space<hbm>> -> memref<2x120xi32, #tpu.memory_space<hbm>>
      tpu.wait_dma2 semaphore(%arg10 : memref<!tpu.dma_semaphore, #tpu.memory_space<semaphore_mem>>) src(%dma_wait3A_39 : memref<2x120xi32, #tpu.memory_space<hbm>>) dst(%arg5 : memref<2x120xi32, #tpu.memory_space<vmem>>)
    } else {
    }
    %barrier3A_12 = arith.constant 0 : index
    tpu.barrier barrier_id(%barrier3A_12)
    %lt3A_13 = arith.constant 10 : i32
    %lt3A_14 = arith.cmpi slt, %arg1, %lt3A_13 : i32
    %convert_element_type3A_15 = arith.extui %lt3A_14 : i1 to i32
    %cond3A_16 = arith.constant 0 : i32
    %cond3A_17 = arith.cmpi ne, %convert_element_type3A_15, %cond3A_16 : i32
    scf.if %cond3A_17 {
      %mul3A_18 = arith.constant 1000 : i32
      %mul3A_19 = arith.muli %arg1, %mul3A_18 : i32
      %mul3A_20 = arith.constant 1000 : i32
      %mul3A_21 = arith.muli %arg1, %mul3A_20 : i32
      "tpu.region"() ({
        %run_scoped3A = tpu.sem_alloc : memref<!tpu.dma_semaphore, #tpu.memory_space<semaphore_mem>>
        %dma_start3A = arith.constant 0 : i32
        %dma_start3A_22 = arith.constant 0 : i32
        %dma_start3A_23 = tpu.memref_slice %arg4[%arg0, %dma_start3A, %dma_start3A_22] : memref<2x10000x128xf32, #tpu.memory_space<hbm>> -> memref<1x10000x128xf32, #tpu.memory_space<hbm>>
        %dma_start3A_24 = tpu.memref_squeeze %dma_start3A_23 : memref<1x10000x128xf32, #tpu.memory_space<hbm>> -> memref<10000x128xf32, #tpu.memory_space<hbm>>
        %dma_start3A_25 = arith.constant 0 : i32
        %dma_start3A_26 = tpu.memref_slice %dma_start3A_24[%mul3A_21, %dma_start3A_25] : memref<10000x128xf32, #tpu.memory_space<hbm>> -> memref<1000x128xf32, #tpu.memory_space<hbm>>
        %dma_start3A_27 = arith.constant 0 : i32
        %dma_start3A_28 = tpu.memref_slice %arg9[%mul3A_19, %dma_start3A_27] : memref<10000x128xf32, #tpu.memory_space<vmem_shared>> -> memref<1000x128xf32, #tpu.memory_space<vmem_shared>>
        tpu.enqueue_dma source(%dma_start3A_28 : memref<1000x128xf32, #tpu.memory_space<vmem_shared>>) target(%dma_start3A_26 : memref<1000x128xf32, #tpu.memory_space<hbm>>) target_semaphore(%run_scoped3A : memref<!tpu.dma_semaphore, #tpu.memory_space<semaphore_mem>>)
        %dma_wait3A = arith.constant 0 : i32
        %dma_wait3A_29 = arith.constant 0 : i32
        %dma_wait3A_30 = tpu.memref_slice %arg4[%arg0, %dma_wait3A, %dma_wait3A_29] : memref<2x10000x128xf32, #tpu.memory_space<hbm>> -> memref<1x10000x128xf32, #tpu.memory_space<hbm>>
        %dma_wait3A_31 = tpu.memref_squeeze %dma_wait3A_30 : memref<1x10000x128xf32, #tpu.memory_space<hbm>> -> memref<10000x128xf32, #tpu.memory_space<hbm>>
        %dma_wait3A_32 = arith.constant 0 : i32
        %dma_wait3A_33 = tpu.memref_slice %dma_wait3A_31[%mul3A_21, %dma_wait3A_32] : memref<10000x128xf32, #tpu.memory_space<hbm>> -> memref<1000x128xf32, #tpu.memory_space<hbm>>
        %dma_wait3A_34 = arith.constant 0 : i32
        %dma_wait3A_35 = tpu.memref_slice %arg9[%mul3A_19, %dma_wait3A_34] : memref<10000x128xf32, #tpu.memory_space<vmem_shared>> -> memref<1000x128xf32, #tpu.memory_space<vmem_shared>>
        tpu.wait_dma2 semaphore(%run_scoped3A : memref<!tpu.dma_semaphore, #tpu.memory_space<semaphore_mem>>) src(%dma_wait3A_35 : memref<1000x128xf32, #tpu.memory_space<vmem_shared>>) dst(%dma_wait3A_33 : memref<1000x128xf32, #tpu.memory_space<hbm>>)
        tpu.yield
      }) : () -> ()
    } else {
    }
    return
  }
}

#map = affine_map<(d0, d1) -> (0, 0)>
#map1 = affine_map<(d0, d1) -> (0, 0, 0, 0)>
#map2 = affine_map<(d0, d1) -> (0, 0, 0)>
module attributes {stable_mosaic.version = 14 : i64} {
  func.func @_segsum_body(%arg0: i32, %arg1: i32, %arg2: memref<10240x128xf32, #tpu.memory_space<hbm>>, %arg3: memref<32x114x2x120xi32, #tpu.memory_space<hbm>>, %arg4: memref<2x10000x128xf32, #tpu.memory_space<hbm>>, %arg5: memref<2x120xi32, #tpu.memory_space<vmem>>, %arg6: memref<2x120xi32, #tpu.memory_space<vmem>>, %arg7: memref<120x128xf32, #tpu.memory_space<vmem>>, %arg8: memref<120x128xf32, #tpu.memory_space<vmem>>, %arg9: memref<10000x128xf32, #tpu.memory_space<vmem_shared>>, %arg10: memref<!tpu.dma_semaphore, #tpu.memory_space<semaphore_mem>>, %arg11: memref<!tpu.dma_semaphore, #tpu.memory_space<semaphore_mem>>, %arg12: memref<!tpu.dma_semaphore, #tpu.memory_space<semaphore_mem>>, %arg13: memref<!tpu.dma_semaphore, #tpu.memory_space<semaphore_mem>>) attributes {dimension_semantics = [#tpu.dimension_semantics<core_parallel>, #tpu.dimension_semantics<subcore_parallel>], iteration_bounds = array<i64: 2, 16>, scalar_prefetch = 0 : i64, scratch_operands = 9 : i64, tpu.core_type = #tpu.core_type<sc_vector_subcore>, window_params = [{transform_indices = #map}, {transform_indices = #map1}, {transform_indices = #map2}]} {
    %mul3A = arith.constant 16 : i32
    %mul3A_0 = arith.muli %arg0, %mul3A : i32
    %add3A = arith.addi %mul3A_0, %arg1 : i32
    %lt3A = arith.constant 10 : i32
    %lt3A_1 = arith.cmpi slt, %arg1, %lt3A : i32
    %convert_element_type3A = arith.extui %lt3A_1 : i1 to i32
    %cond3A = arith.constant 0 : i32
    %cond3A_2 = arith.cmpi ne, %convert_element_type3A, %cond3A : i32
    scf.if %cond3A_2 {
      %scan3A = arith.constant 0 : i32
      %scan3A_18 = arith.constant 0 : i32
      %scan3A_19 = arith.constant 320 : i32
      %scan3A_20 = arith.addi %scan3A_18, %scan3A_19 : i32
      %scan3A_21 = arith.constant 1 : i32
      %scan3A_22 = scf.for %scan3A_31 = %scan3A_18 to %scan3A_20 step %scan3A_21 iter_args(%scan3A_32 = %scan3A) -> (i32)  : i32 {
        %jit3A = arith.constant 8 : i32
        %div3A = arith.divsi %scan3A_31, %jit3A : i32
        %sign3A = arith.constant 0 : i32
        %sign3A_33 = arith.cmpi sgt, %scan3A_31, %sign3A : i32
        %sign3A_34 = arith.extui %sign3A_33 : i1 to i32
        %sign3A_35 = arith.constant 0 : i32
        %sign3A_36 = arith.cmpi slt, %scan3A_31, %sign3A_35 : i32
        %sign3A_37 = arith.extui %sign3A_36 : i1 to i32
        %sign3A_38 = arith.subi %sign3A_34, %sign3A_37 : i32
        %sign3A_39 = arith.constant 0 : i32
        %sign3A_40 = arith.cmpi sgt, %jit3A, %sign3A_39 : i32
        %sign3A_41 = arith.extui %sign3A_40 : i1 to i32
        %sign3A_42 = arith.constant 0 : i32
        %sign3A_43 = arith.cmpi slt, %jit3A, %sign3A_42 : i32
        %sign3A_44 = arith.extui %sign3A_43 : i1 to i32
        %sign3A_45 = arith.subi %sign3A_41, %sign3A_44 : i32
        %ne3A = arith.cmpi ne, %sign3A_38, %sign3A_45 : i32
        %rem3A = arith.remsi %scan3A_31, %jit3A : i32
        %ne3A_46 = arith.constant 0 : i32
        %ne3A_47 = arith.cmpi ne, %rem3A, %ne3A_46 : i32
        %and3A = arith.andi %ne3A, %ne3A_47 : i1
        %sub3A = arith.constant 1 : i32
        %sub3A_48 = arith.subi %div3A, %sub3A : i32
        %select_n3A = arith.select %and3A, %sub3A_48, %div3A : i32
        %jit3A_49 = arith.constant 8 : i32
        %eq3A_50 = arith.constant 0 : i32
        %eq3A_51 = arith.cmpi eq, %jit3A_49, %eq3A_50 : i32
        %jit3A_52 = arith.constant 1 : i32
        %select_n3A_53 = arith.select %eq3A_51, %jit3A_52, %jit3A_49 : i32
        %rem3A_54 = arith.remsi %scan3A_31, %select_n3A_53 : i32
        %ne3A_55 = arith.constant 0 : i32
        %ne3A_56 = arith.cmpi ne, %rem3A_54, %ne3A_55 : i32
        %lt3A_57 = arith.constant 0 : i32
        %lt3A_58 = arith.cmpi slt, %rem3A_54, %lt3A_57 : i32
        %lt3A_59 = arith.constant 0 : i32
        %lt3A_60 = arith.cmpi slt, %select_n3A_53, %lt3A_59 : i32
        %ne3A_61 = arith.xori %lt3A_58, %lt3A_60 : i1
        %and3A_62 = arith.andi %ne3A_61, %ne3A_56 : i1
        %add3A_63 = arith.addi %rem3A_54, %select_n3A_53 : i32
        %select_n3A_64 = arith.select %and3A_62, %add3A_63, %rem3A_54 : i32
        %mul3A_65 = arith.constant 16 : i32
        %mul3A_66 = arith.muli %select_n3A_64, %mul3A_65 : i32
        %broadcast_in_dim3A = arith.constant 0.000000e+00 : f32
        %broadcast_in_dim3A_67 = vector.broadcast %broadcast_in_dim3A : f32 to vector<16xf32>
        %swap3A = arith.index_cast %select_n3A : i32 to index
        %swap3A_68 = arith.index_cast %mul3A_66 : i32 to index
        %swap3A_69 = tpu.vector_load %arg8[%swap3A, %swap3A_68] {strides = array<i32>} : memref<120x128xf32, #tpu.memory_space<vmem>>, vector<1x16xf32>,
        %swap3A_70 = vector.shape_cast %swap3A_69 : vector<1x16xf32> to vector<16xf32>
        %swap3A_71 = vector.shape_cast %broadcast_in_dim3A_67 : vector<16xf32> to vector<1x16xf32>
        tpu.vector_store %arg8[%swap3A, %swap3A_68], %swap3A_71 {strides = array<i32>} : memref<120x128xf32, #tpu.memory_space<vmem>>, vector<1x16xf32>,
        %scan3A_72 = arith.constant 0 : i32
        scf.yield %scan3A_72 : i32
      }
      %scan3A_23 = arith.constant 320 : i32
      %scan3A_24 = arith.constant 0 : i32
      %scan3A_25 = arith.constant 0 : i32
      %scan3A_26 = arith.constant 25 : i32
      %scan3A_27 = arith.addi %scan3A_25, %scan3A_26 : i32
      %scan3A_28 = arith.constant 1 : i32
      %scan3A_29 = scf.for %scan3A_31 = %scan3A_25 to %scan3A_27 step %scan3A_28 iter_args(%scan3A_32 = %scan3A_24) -> (i32)  : i32 {
        %mul3A_33 = arith.constant 1000 : i32
        %mul3A_34 = arith.muli %arg1, %mul3A_33 : i32
        %mul3A_35 = arith.constant 40 : i32
        %mul3A_36 = arith.muli %scan3A_31, %mul3A_35 : i32
        %add3A_37 = arith.addi %mul3A_34, %mul3A_36 : i32
        "tpu.region"() ({
          %run_scoped3A = tpu.sem_alloc : memref<!tpu.dma_semaphore, #tpu.memory_space<semaphore_mem>>
          %dma_start3A = arith.constant 0 : i32
          %dma_start3A_39 = arith.constant 0 : i32
          %dma_start3A_40 = tpu.memref_slice %arg8[%dma_start3A, %dma_start3A_39] : memref<120x128xf32, #tpu.memory_space<vmem>> -> memref<40x128xf32, #tpu.memory_space<vmem>>
          %dma_start3A_41 = arith.constant 0 : i32
          %dma_start3A_42 = tpu.memref_slice %arg9[%add3A_37, %dma_start3A_41] : memref<10000x128xf32, #tpu.memory_space<vmem_shared>> -> memref<40x128xf32, #tpu.memory_space<vmem_shared>>
          %dma_start3A_43 = arith.constant 0 : i32
          %dma_start3A_44 = tpu.memref_slice %arg9[%add3A_37, %dma_start3A_43] : memref<10000x128xf32, #tpu.memory_space<vmem_shared>> -> memref<40x128xf32, #tpu.memory_space<vmem_shared>>
          %dma_start3A_45 = arith.constant 0 : i32
          %dma_start3A_46 = arith.constant 0 : i32
          %dma_start3A_47 = tpu.memref_slice %arg8[%dma_start3A_45, %dma_start3A_46] : memref<120x128xf32, #tpu.memory_space<vmem>> -> memref<40x128xf32, #tpu.memory_space<vmem>>
          tpu.enqueue_dma source(%dma_start3A_47 : memref<40x128xf32, #tpu.memory_space<vmem>>) target(%dma_start3A_44 : memref<40x128xf32, #tpu.memory_space<vmem_shared>>) target_semaphore(%run_scoped3A : memref<!tpu.dma_semaphore, #tpu.memory_space<semaphore_mem>>)
          %dma_wait3A = arith.constant 0 : i32
          %dma_wait3A_48 = arith.constant 0 : i32
          %dma_wait3A_49 = tpu.memref_slice %arg8[%dma_wait3A, %dma_wait3A_48] : memref<120x128xf32, #tpu.memory_space<vmem>> -> memref<40x128xf32, #tpu.memory_space<vmem>>
          %dma_wait3A_50 = arith.constant 0 : i32
          %dma_wait3A_51 = tpu.memref_slice %arg9[%add3A_37, %dma_wait3A_50] : memref<10000x128xf32, #tpu.memory_space<vmem_shared>> -> memref<40x128xf32, #tpu.memory_space<vmem_shared>>
          %dma_wait3A_52 = arith.constant 0 : i32
          %dma_wait3A_53 = tpu.memref_slice %arg9[%add3A_37, %dma_wait3A_52] : memref<10000x128xf32, #tpu.memory_space<vmem_shared>> -> memref<40x128xf32, #tpu.memory_space<vmem_shared>>
          %dma_wait3A_54 = arith.constant 0 : i32
          %dma_wait3A_55 = arith.constant 0 : i32
          %dma_wait3A_56 = tpu.memref_slice %arg8[%dma_wait3A_54, %dma_wait3A_55] : memref<120x128xf32, #tpu.memory_space<vmem>> -> memref<40x128xf32, #tpu.memory_space<vmem>>
          tpu.wait_dma2 semaphore(%run_scoped3A : memref<!tpu.dma_semaphore, #tpu.memory_space<semaphore_mem>>) src(%dma_wait3A_56 : memref<40x128xf32, #tpu.memory_space<vmem>>) dst(%dma_wait3A_53 : memref<40x128xf32, #tpu.memory_space<vmem_shared>>)
          tpu.yield
        }) : () -> ()
        %scan3A_38 = arith.constant 0 : i32
        scf.yield %scan3A_38 : i32
      }
      %scan3A_30 = arith.constant 25 : i32
    } else {
    }
    %barrier3A = arith.constant 0 : index
    tpu.barrier barrier_id(%barrier3A)
    %eq3A = arith.constant 0 : i32
    %eq3A_3 = arith.cmpi eq, %arg0, %eq3A : i32
    %convert_element_type3A_4 = arith.extui %eq3A_3 : i1 to i32
    %cond3A_5 = arith.constant 0 : i32
    %cond3A_6 = arith.cmpi ne, %convert_element_type3A_4, %cond3A_5 : i32
    scf.if %cond3A_6 {
      %dma_start3A = arith.constant 0 : i32
      %dma_start3A_18 = arith.constant 0 : i32
      %dma_start3A_19 = arith.constant 0 : i32
      %dma_start3A_20 = tpu.memref_slice %arg3[%add3A, %dma_start3A, %dma_start3A_18, %dma_start3A_19] : memref<32x114x2x120xi32, #tpu.memory_space<hbm>> -> memref<1x1x2x120xi32, #tpu.memory_space<hbm>>
      %dma_start3A_21 = tpu.memref_squeeze %dma_start3A_20 : memref<1x1x2x120xi32, #tpu.memory_space<hbm>> -> memref<2x120xi32, #tpu.memory_space<hbm>>
      %dma_start3A_22 = arith.constant 0 : i32
      %dma_start3A_23 = arith.constant 0 : i32
      %dma_start3A_24 = tpu.memref_slice %arg3[%add3A, %dma_start3A, %dma_start3A_22, %dma_start3A_23] : memref<32x114x2x120xi32, #tpu.memory_space<hbm>> -> memref<1x1x2x120xi32, #tpu.memory_space<hbm>>
      %dma_start3A_25 = tpu.memref_squeeze %dma_start3A_24 : memref<1x1x2x120xi32, #tpu.memory_space<hbm>> -> memref<2x120xi32, #tpu.memory_space<hbm>>
      tpu.enqueue_dma source(%dma_start3A_25 : memref<2x120xi32, #tpu.memory_space<hbm>>) target(%arg5 : memref<2x120xi32, #tpu.memory_space<vmem>>) target_semaphore(%arg10 : memref<!tpu.dma_semaphore, #tpu.memory_space<semaphore_mem>>)
      %dma_start3A_26 = arith.constant 1 : i32
      %dma_start3A_27 = arith.constant 0 : i32
      %dma_start3A_28 = arith.constant 0 : i32
      %dma_start3A_29 = tpu.memref_slice %arg3[%add3A, %dma_start3A_26, %dma_start3A_27, %dma_start3A_28] : memref<32x114x2x120xi32, #tpu.memory_space<hbm>> -> memref<1x1x2x120xi32, #tpu.memory_space<hbm>>
      %dma_start3A_30 = tpu.memref_squeeze %dma_start3A_29 : memref<1x1x2x120xi32, #tpu.memory_space<hbm>> -> memref<2x120xi32, #tpu.memory_space<hbm>>
      %dma_start3A_31 = arith.constant 0 : i32
      %dma_start3A_32 = arith.constant 0 : i32
      %dma_start3A_33 = tpu.memref_slice %arg3[%add3A, %dma_start3A_26, %dma_start3A_31, %dma_start3A_32] : memref<32x114x2x120xi32, #tpu.memory_space<hbm>> -> memref<1x1x2x120xi32, #tpu.memory_space<hbm>>
      %dma_start3A_34 = tpu.memref_squeeze %dma_start3A_33 : memref<1x1x2x120xi32, #tpu.memory_space<hbm>> -> memref<2x120xi32, #tpu.memory_space<hbm>>
      tpu.enqueue_dma source(%dma_start3A_34 : memref<2x120xi32, #tpu.memory_space<hbm>>) target(%arg6 : memref<2x120xi32, #tpu.memory_space<vmem>>) target_semaphore(%arg11 : memref<!tpu.dma_semaphore, #tpu.memory_space<semaphore_mem>>)
      %dma_wait3A = arith.constant 0 : i32
      %dma_wait3A_35 = arith.constant 0 : i32
      %dma_wait3A_36 = arith.constant 0 : i32
      %dma_wait3A_37 = tpu.memref_slice %arg3[%add3A, %dma_wait3A, %dma_wait3A_35, %dma_wait3A_36] : memref<32x114x2x120xi32, #tpu.memory_space<hbm>> -> memref<1x1x2x120xi32, #tpu.memory_space<hbm>>
      %dma_wait3A_38 = tpu.memref_squeeze %dma_wait3A_37 : memref<1x1x2x120xi32, #tpu.memory_space<hbm>> -> memref<2x120xi32, #tpu.memory_space<hbm>>
      %dma_wait3A_39 = arith.constant 0 : i32
      %dma_wait3A_40 = arith.constant 0 : i32
      %dma_wait3A_41 = tpu.memref_slice %arg3[%add3A, %dma_wait3A, %dma_wait3A_39, %dma_wait3A_40] : memref<32x114x2x120xi32, #tpu.memory_space<hbm>> -> memref<1x1x2x120xi32, #tpu.memory_space<hbm>>
      %dma_wait3A_42 = tpu.memref_squeeze %dma_wait3A_41 : memref<1x1x2x120xi32, #tpu.memory_space<hbm>> -> memref<2x120xi32, #tpu.memory_space<hbm>>
      tpu.wait_dma2 semaphore(%arg10 : memref<!tpu.dma_semaphore, #tpu.memory_space<semaphore_mem>>) src(%dma_wait3A_42 : memref<2x120xi32, #tpu.memory_space<hbm>>) dst(%arg5 : memref<2x120xi32, #tpu.memory_space<vmem>>)
      %dma_start3A_43 = arith.constant 0 : i32
      %dma_start3A_44 = arith.constant 0 : i32
      %dma_start3A_45 = tpu.memref_slice %arg5[%dma_start3A_43, %dma_start3A_44] : memref<2x120xi32, #tpu.memory_space<vmem>> -> memref<1x120xi32, #tpu.memory_space<vmem>>
      %dma_start3A_46 = tpu.memref_squeeze %dma_start3A_45 : memref<1x120xi32, #tpu.memory_space<vmem>> -> memref<120xi32, #tpu.memory_space<vmem>>
      %dma_start3A_47 = arith.constant 0 : i32
      %dma_start3A_48 = arith.constant 0 : i32
      %dma_start3A_49 = tpu.memref_slice %arg2[%dma_start3A_47, %dma_start3A_48] : memref<10240x128xf32, #tpu.memory_space<hbm>> -> memref<10240x128xf32, #tpu.memory_space<hbm>>
      tpu.enqueue_indirect_dma source(%dma_start3A_49 : memref<10240x128xf32, #tpu.memory_space<hbm>>) target(%arg7 : memref<120x128xf32, #tpu.memory_space<vmem>>) offsets(%dma_start3A_46 : memref<120xi32, #tpu.memory_space<vmem>>) semaphore(%arg12 : memref<!tpu.dma_semaphore, #tpu.memory_space<semaphore_mem>>)
      %scan3A = arith.constant 0 : i32
      %scan3A_50 = arith.constant 0 : i32
      %scan3A_51 = arith.constant 56 : i32
      %scan3A_52 = arith.addi %scan3A_50, %scan3A_51 : i32
      %scan3A_53 = arith.constant 1 : i32
      %scan3A_54 = scf.for %scan3A_56 = %scan3A_50 to %scan3A_52 step %scan3A_53 iter_args(%scan3A_57 = %scan3A) -> (i32)  : i32 {
        %mul3A_58 = arith.constant 2 : i32
        %mul3A_59 = arith.muli %mul3A_58, %scan3A_56 : i32
        %add3A_60 = arith.constant 1 : i32
        %add3A_61 = arith.addi %mul3A_59, %add3A_60 : i32
        %dma_wait3A_62 = arith.constant 0 : i32
        %dma_wait3A_63 = arith.constant 0 : i32
        %dma_wait3A_64 = tpu.memref_slice %arg3[%add3A, %add3A_61, %dma_wait3A_62, %dma_wait3A_63] : memref<32x114x2x120xi32, #tpu.memory_space<hbm>> -> memref<1x1x2x120xi32, #tpu.memory_space<hbm>>
        %dma_wait3A_65 = tpu.memref_squeeze %dma_wait3A_64 : memref<1x1x2x120xi32, #tpu.memory_space<hbm>> -> memref<2x120xi32, #tpu.memory_space<hbm>>
        %dma_wait3A_66 = arith.constant 0 : i32
        %dma_wait3A_67 = arith.constant 0 : i32
        %dma_wait3A_68 = tpu.memref_slice %arg3[%add3A, %add3A_61, %dma_wait3A_66, %dma_wait3A_67] : memref<32x114x2x120xi32, #tpu.memory_space<hbm>> -> memref<1x1x2x120xi32, #tpu.memory_space<hbm>>
        %dma_wait3A_69 = tpu.memref_squeeze %dma_wait3A_68 : memref<1x1x2x120xi32, #tpu.memory_space<hbm>> -> memref<2x120xi32, #tpu.memory_space<hbm>>
        tpu.wait_dma2 semaphore(%arg11 : memref<!tpu.dma_semaphore, #tpu.memory_space<semaphore_mem>>) src(%dma_wait3A_69 : memref<2x120xi32, #tpu.memory_space<hbm>>) dst(%arg6 : memref<2x120xi32, #tpu.memory_space<vmem>>)
        %dma_wait3A_70 = arith.constant 0 : i32
        %dma_wait3A_71 = arith.constant 0 : i32
        %dma_wait3A_72 = tpu.memref_slice %arg5[%dma_wait3A_70, %dma_wait3A_71] : memref<2x120xi32, #tpu.memory_space<vmem>> -> memref<1x120xi32, #tpu.memory_space<vmem>>
        %dma_wait3A_73 = tpu.memref_squeeze %dma_wait3A_72 : memref<1x120xi32, #tpu.memory_space<vmem>> -> memref<120xi32, #tpu.memory_space<vmem>>
        %dma_wait3A_74 = arith.constant 0 : i32
        %dma_wait3A_75 = arith.constant 0 : i32
        %dma_wait3A_76 = tpu.memref_slice %arg2[%dma_wait3A_74, %dma_wait3A_75] : memref<10240x128xf32, #tpu.memory_space<hbm>> -> memref<10240x128xf32, #tpu.memory_space<hbm>>
        tpu.wait_indirect_dma semaphore(%arg12 : memref<!tpu.dma_semaphore, #tpu.memory_space<semaphore_mem>>) src(%dma_wait3A_76 : memref<10240x128xf32, #tpu.memory_space<hbm>>) dst(%arg7 : memref<120x128xf32, #tpu.memory_space<vmem>>)
        %dma_start3A_77 = arith.constant 0 : i32
        %dma_start3A_78 = arith.constant 0 : i32
        %dma_start3A_79 = tpu.memref_slice %arg6[%dma_start3A_77, %dma_start3A_78] : memref<2x120xi32, #tpu.memory_space<vmem>> -> memref<1x120xi32, #tpu.memory_space<vmem>>
        %dma_start3A_80 = tpu.memref_squeeze %dma_start3A_79 : memref<1x120xi32, #tpu.memory_space<vmem>> -> memref<120xi32, #tpu.memory_space<vmem>>
        %dma_start3A_81 = arith.constant 0 : i32
        %dma_start3A_82 = arith.constant 0 : i32
        %dma_start3A_83 = tpu.memref_slice %arg2[%dma_start3A_81, %dma_start3A_82] : memref<10240x128xf32, #tpu.memory_space<hbm>> -> memref<10240x128xf32, #tpu.memory_space<hbm>>
        tpu.enqueue_indirect_dma source(%dma_start3A_83 : memref<10240x128xf32, #tpu.memory_space<hbm>>) target(%arg8 : memref<120x128xf32, #tpu.memory_space<vmem>>) offsets(%dma_start3A_80 : memref<120xi32, #tpu.memory_space<vmem>>) semaphore(%arg13 : memref<!tpu.dma_semaphore, #tpu.memory_space<semaphore_mem>>)
        %run_scoped3A = arith.constant 1 : i32
        "tpu.region"() ({
          %run_scoped3A_114 = tpu.sem_alloc : memref<!tpu.dma_semaphore, #tpu.memory_space<semaphore_mem>>
          %dma_start3A_115 = arith.constant 0 : i32
          %dma_start3A_116 = tpu.memref_slice %arg5[%run_scoped3A, %dma_start3A_115] : memref<2x120xi32, #tpu.memory_space<vmem>> -> memref<1x120xi32, #tpu.memory_space<vmem>>
          %dma_start3A_117 = tpu.memref_squeeze %dma_start3A_116 : memref<1x120xi32, #tpu.memory_space<vmem>> -> memref<120xi32, #tpu.memory_space<vmem>>
          %dma_start3A_118 = arith.constant 0 : i32
          %dma_start3A_119 = arith.constant 0 : i32
          %dma_start3A_120 = tpu.memref_slice %arg9[%dma_start3A_118, %dma_start3A_119] : memref<10000x128xf32, #tpu.memory_space<vmem_shared>> -> memref<10000x128xf32, #tpu.memory_space<vmem_shared>>
          tpu.enqueue_indirect_dma source(%arg7 : memref<120x128xf32, #tpu.memory_space<vmem>>) target(%dma_start3A_120 : memref<10000x128xf32, #tpu.memory_space<vmem_shared>>) offsets(%dma_start3A_117 : memref<120xi32, #tpu.memory_space<vmem>>) semaphore(%run_scoped3A_114 : memref<!tpu.dma_semaphore, #tpu.memory_space<semaphore_mem>>) {add = true}
          %dma_wait3A_121 = arith.constant 0 : i32
          %dma_wait3A_122 = tpu.memref_slice %arg5[%run_scoped3A, %dma_wait3A_121] : memref<2x120xi32, #tpu.memory_space<vmem>> -> memref<1x120xi32, #tpu.memory_space<vmem>>
          %dma_wait3A_123 = tpu.memref_squeeze %dma_wait3A_122 : memref<1x120xi32, #tpu.memory_space<vmem>> -> memref<120xi32, #tpu.memory_space<vmem>>
          %dma_wait3A_124 = arith.constant 0 : i32
          %dma_wait3A_125 = arith.constant 0 : i32
          %dma_wait3A_126 = tpu.memref_slice %arg9[%dma_wait3A_124, %dma_wait3A_125] : memref<10000x128xf32, #tpu.memory_space<vmem_shared>> -> memref<10000x128xf32, #tpu.memory_space<vmem_shared>>
          tpu.wait_indirect_dma semaphore(%run_scoped3A_114 : memref<!tpu.dma_semaphore, #tpu.memory_space<semaphore_mem>>) src(%arg7 : memref<120x128xf32, #tpu.memory_space<vmem>>) dst(%dma_wait3A_126 : memref<10000x128xf32, #tpu.memory_space<vmem_shared>>)
          tpu.yield
        }) : () -> ()
        %add3A_84 = arith.constant 2 : i32
        %add3A_85 = arith.addi %mul3A_59, %add3A_84 : i32
        %lt3A_86 = arith.constant 112 : i32
        %lt3A_87 = arith.cmpi slt, %add3A_85, %lt3A_86 : i32
        %convert_element_type3A_88 = arith.extui %lt3A_87 : i1 to i32
        %cond3A_89 = arith.constant 0 : i32
        %cond3A_90 = arith.cmpi ne, %convert_element_type3A_88, %cond3A_89 : i32
        scf.if %cond3A_90 {
          %add3A_114 = arith.constant 2 : i32
          %add3A_115 = arith.addi %mul3A_59, %add3A_114 : i32
          %dma_start3A_116 = arith.constant 0 : i32
          %dma_start3A_117 = arith.constant 0 : i32
          %dma_start3A_118 = tpu.memref_slice %arg3[%add3A, %add3A_115, %dma_start3A_116, %dma_start3A_117] : memref<32x114x2x120xi32, #tpu.memory_space<hbm>> -> memref<1x1x2x120xi32, #tpu.memory_space<hbm>>
          %dma_start3A_119 = tpu.memref_squeeze %dma_start3A_118 : memref<1x1x2x120xi32, #tpu.memory_space<hbm>> -> memref<2x120xi32, #tpu.memory_space<hbm>>
          %dma_start3A_120 = arith.constant 0 : i32
          %dma_start3A_121 = arith.constant 0 : i32
          %dma_start3A_122 = tpu.memref_slice %arg3[%add3A, %add3A_115, %dma_start3A_120, %dma_start3A_121] : memref<32x114x2x120xi32, #tpu.memory_space<hbm>> -> memref<1x1x2x120xi32, #tpu.memory_space<hbm>>
          %dma_start3A_123 = tpu.memref_squeeze %dma_start3A_122 : memref<1x1x2x120xi32, #tpu.memory_space<hbm>> -> memref<2x120xi32, #tpu.memory_space<hbm>>
          tpu.enqueue_dma source(%dma_start3A_123 : memref<2x120xi32, #tpu.memory_space<hbm>>) target(%arg5 : memref<2x120xi32, #tpu.memory_space<vmem>>) target_semaphore(%arg10 : memref<!tpu.dma_semaphore, #tpu.memory_space<semaphore_mem>>)
        } else {
        }
        %dma_wait3A_91 = arith.constant 0 : i32
        %dma_wait3A_92 = arith.constant 0 : i32
        %dma_wait3A_93 = tpu.memref_slice %arg6[%dma_wait3A_91, %dma_wait3A_92] : memref<2x120xi32, #tpu.memory_space<vmem>> -> memref<1x120xi32, #tpu.memory_space<vmem>>
        %dma_wait3A_94 = tpu.memref_squeeze %dma_wait3A_93 : memref<1x120xi32, #tpu.memory_space<vmem>> -> memref<120xi32, #tpu.memory_space<vmem>>
        %dma_wait3A_95 = arith.constant 0 : i32
        %dma_wait3A_96 = arith.constant 0 : i32
        %dma_wait3A_97 = tpu.memref_slice %arg2[%dma_wait3A_95, %dma_wait3A_96] : memref<10240x128xf32, #tpu.memory_space<hbm>> -> memref<10240x128xf32, #tpu.memory_space<hbm>>
        tpu.wait_indirect_dma semaphore(%arg13 : memref<!tpu.dma_semaphore, #tpu.memory_space<semaphore_mem>>) src(%dma_wait3A_97 : memref<10240x128xf32, #tpu.memory_space<hbm>>) dst(%arg8 : memref<120x128xf32, #tpu.memory_space<vmem>>)
        %add3A_98 = arith.constant 2 : i32
        %add3A_99 = arith.addi %mul3A_59, %add3A_98 : i32
        %lt3A_100 = arith.constant 112 : i32
        %lt3A_101 = arith.cmpi slt, %add3A_99, %lt3A_100 : i32
        %convert_element_type3A_102 = arith.extui %lt3A_101 : i1 to i32
        %cond3A_103 = arith.constant 0 : i32
        %cond3A_104 = arith.cmpi ne, %convert_element_type3A_102, %cond3A_103 : i32
        scf.if %cond3A_104 {
          %add3A_114 = arith.constant 2 : i32
          %add3A_115 = arith.addi %mul3A_59, %add3A_114 : i32
          %dma_wait3A_116 = arith.constant 0 : i32
          %dma_wait3A_117 = arith.constant 0 : i32
          %dma_wait3A_118 = tpu.memref_slice %arg3[%add3A, %add3A_115, %dma_wait3A_116, %dma_wait3A_117] : memref<32x114x2x120xi32, #tpu.memory_space<hbm>> -> memref<1x1x2x120xi32, #tpu.memory_space<hbm>>
          %dma_wait3A_119 = tpu.memref_squeeze %dma_wait3A_118 : memref<1x1x2x120xi32, #tpu.memory_space<hbm>> -> memref<2x120xi32, #tpu.memory_space<hbm>>
          %dma_wait3A_120 = arith.constant 0 : i32
          %dma_wait3A_121 = arith.constant 0 : i32
          %dma_wait3A_122 = tpu.memref_slice %arg3[%add3A, %add3A_115, %dma_wait3A_120, %dma_wait3A_121] : memref<32x114x2x120xi32, #tpu.memory_space<hbm>> -> memref<1x1x2x120xi32, #tpu.memory_space<hbm>>
          %dma_wait3A_123 = tpu.memref_squeeze %dma_wait3A_122 : memref<1x1x2x120xi32, #tpu.memory_space<hbm>> -> memref<2x120xi32, #tpu.memory_space<hbm>>
          tpu.wait_dma2 semaphore(%arg10 : memref<!tpu.dma_semaphore, #tpu.memory_space<semaphore_mem>>) src(%dma_wait3A_123 : memref<2x120xi32, #tpu.memory_space<hbm>>) dst(%arg5 : memref<2x120xi32, #tpu.memory_space<vmem>>)
          %dma_start3A_124 = arith.constant 0 : i32
          %dma_start3A_125 = arith.constant 0 : i32
          %dma_start3A_126 = tpu.memref_slice %arg5[%dma_start3A_124, %dma_start3A_125] : memref<2x120xi32, #tpu.memory_space<vmem>> -> memref<1x120xi32, #tpu.memory_space<vmem>>
          %dma_start3A_127 = tpu.memref_squeeze %dma_start3A_126 : memref<1x120xi32, #tpu.memory_space<vmem>> -> memref<120xi32, #tpu.memory_space<vmem>>
          %dma_start3A_128 = arith.constant 0 : i32
          %dma_start3A_129 = arith.constant 0 : i32
          %dma_start3A_130 = tpu.memref_slice %arg2[%dma_start3A_128, %dma_start3A_129] : memref<10240x128xf32, #tpu.memory_space<hbm>> -> memref<10240x128xf32, #tpu.memory_space<hbm>>
          tpu.enqueue_indirect_dma source(%dma_start3A_130 : memref<10240x128xf32, #tpu.memory_space<hbm>>) target(%arg7 : memref<120x128xf32, #tpu.memory_space<vmem>>) offsets(%dma_start3A_127 : memref<120xi32, #tpu.memory_space<vmem>>) semaphore(%arg12 : memref<!tpu.dma_semaphore, #tpu.memory_space<semaphore_mem>>)
        } else {
        }
        %run_scoped3A_105 = arith.constant 1 : i32
        "tpu.region"() ({
          %run_scoped3A_114 = tpu.sem_alloc : memref<!tpu.dma_semaphore, #tpu.memory_space<semaphore_mem>>
          %dma_start3A_115 = arith.constant 0 : i32
          %dma_start3A_116 = tpu.memref_slice %arg6[%run_scoped3A_105, %dma_start3A_115] : memref<2x120xi32, #tpu.memory_space<vmem>> -> memref<1x120xi32, #tpu.memory_space<vmem>>
          %dma_start3A_117 = tpu.memref_squeeze %dma_start3A_116 : memref<1x120xi32, #tpu.memory_space<vmem>> -> memref<120xi32, #tpu.memory_space<vmem>>
          %dma_start3A_118 = arith.constant 0 : i32
          %dma_start3A_119 = arith.constant 0 : i32
          %dma_start3A_120 = tpu.memref_slice %arg9[%dma_start3A_118, %dma_start3A_119] : memref<10000x128xf32, #tpu.memory_space<vmem_shared>> -> memref<10000x128xf32, #tpu.memory_space<vmem_shared>>
          tpu.enqueue_indirect_dma source(%arg8 : memref<120x128xf32, #tpu.memory_space<vmem>>) target(%dma_start3A_120 : memref<10000x128xf32, #tpu.memory_space<vmem_shared>>) offsets(%dma_start3A_117 : memref<120xi32, #tpu.memory_space<vmem>>) semaphore(%run_scoped3A_114 : memref<!tpu.dma_semaphore, #tpu.memory_space<semaphore_mem>>) {add = true}
          %dma_wait3A_121 = arith.constant 0 : i32
          %dma_wait3A_122 = tpu.memref_slice %arg6[%run_scoped3A_105, %dma_wait3A_121] : memref<2x120xi32, #tpu.memory_space<vmem>> -> memref<1x120xi32, #tpu.memory_space<vmem>>
          %dma_wait3A_123 = tpu.memref_squeeze %dma_wait3A_122 : memref<1x120xi32, #tpu.memory_space<vmem>> -> memref<120xi32, #tpu.memory_space<vmem>>
          %dma_wait3A_124 = arith.constant 0 : i32
          %dma_wait3A_125 = arith.constant 0 : i32
          %dma_wait3A_126 = tpu.memref_slice %arg9[%dma_wait3A_124, %dma_wait3A_125] : memref<10000x128xf32, #tpu.memory_space<vmem_shared>> -> memref<10000x128xf32, #tpu.memory_space<vmem_shared>>
          tpu.wait_indirect_dma semaphore(%run_scoped3A_114 : memref<!tpu.dma_semaphore, #tpu.memory_space<semaphore_mem>>) src(%arg8 : memref<120x128xf32, #tpu.memory_space<vmem>>) dst(%dma_wait3A_126 : memref<10000x128xf32, #tpu.memory_space<vmem_shared>>)
          tpu.yield
        }) : () -> ()
        %add3A_106 = arith.constant 3 : i32
        %add3A_107 = arith.addi %mul3A_59, %add3A_106 : i32
        %lt3A_108 = arith.constant 112 : i32
        %lt3A_109 = arith.cmpi slt, %add3A_107, %lt3A_108 : i32
        %convert_element_type3A_110 = arith.extui %lt3A_109 : i1 to i32
        %cond3A_111 = arith.constant 0 : i32
        %cond3A_112 = arith.cmpi ne, %convert_element_type3A_110, %cond3A_111 : i32
        scf.if %cond3A_112 {
          %add3A_114 = arith.constant 3 : i32
          %add3A_115 = arith.addi %mul3A_59, %add3A_114 : i32
          %dma_start3A_116 = arith.constant 0 : i32
          %dma_start3A_117 = arith.constant 0 : i32
          %dma_start3A_118 = tpu.memref_slice %arg3[%add3A, %add3A_115, %dma_start3A_116, %dma_start3A_117] : memref<32x114x2x120xi32, #tpu.memory_space<hbm>> -> memref<1x1x2x120xi32, #tpu.memory_space<hbm>>
          %dma_start3A_119 = tpu.memref_squeeze %dma_start3A_118 : memref<1x1x2x120xi32, #tpu.memory_space<hbm>> -> memref<2x120xi32, #tpu.memory_space<hbm>>
          %dma_start3A_120 = arith.constant 0 : i32
          %dma_start3A_121 = arith.constant 0 : i32
          %dma_start3A_122 = tpu.memref_slice %arg3[%add3A, %add3A_115, %dma_start3A_120, %dma_start3A_121] : memref<32x114x2x120xi32, #tpu.memory_space<hbm>> -> memref<1x1x2x120xi32, #tpu.memory_space<hbm>>
          %dma_start3A_123 = tpu.memref_squeeze %dma_start3A_122 : memref<1x1x2x120xi32, #tpu.memory_space<hbm>> -> memref<2x120xi32, #tpu.memory_space<hbm>>
          tpu.enqueue_dma source(%dma_start3A_123 : memref<2x120xi32, #tpu.memory_space<hbm>>) target(%arg6 : memref<2x120xi32, #tpu.memory_space<vmem>>) target_semaphore(%arg11 : memref<!tpu.dma_semaphore, #tpu.memory_space<semaphore_mem>>)
        } else {
        }
        %scan3A_113 = arith.constant 0 : i32
        scf.yield %scan3A_113 : i32
      }
      %scan3A_55 = arith.constant 56 : i32
    } else {
    }
    %eq3A_7 = arith.constant 1 : i32
    %eq3A_8 = arith.cmpi eq, %arg0, %eq3A_7 : i32
    %convert_element_type3A_9 = arith.extui %eq3A_8 : i1 to i32
    %cond3A_10 = arith.constant 0 : i32
    %cond3A_11 = arith.cmpi ne, %convert_element_type3A_9, %cond3A_10 : i32
    scf.if %cond3A_11 {
      %dma_start3A = arith.constant 0 : i32
      %dma_start3A_18 = arith.constant 0 : i32
      %dma_start3A_19 = arith.constant 0 : i32
      %dma_start3A_20 = tpu.memref_slice %arg3[%add3A, %dma_start3A, %dma_start3A_18, %dma_start3A_19] : memref<32x114x2x120xi32, #tpu.memory_space<hbm>> -> memref<1x1x2x120xi32, #tpu.memory_space<hbm>>
      %dma_start3A_21 = tpu.memref_squeeze %dma_start3A_20 : memref<1x1x2x120xi32, #tpu.memory_space<hbm>> -> memref<2x120xi32, #tpu.memory_space<hbm>>
      %dma_start3A_22 = arith.constant 0 : i32
      %dma_start3A_23 = arith.constant 0 : i32
      %dma_start3A_24 = tpu.memref_slice %arg3[%add3A, %dma_start3A, %dma_start3A_22, %dma_start3A_23] : memref<32x114x2x120xi32, #tpu.memory_space<hbm>> -> memref<1x1x2x120xi32, #tpu.memory_space<hbm>>
      %dma_start3A_25 = tpu.memref_squeeze %dma_start3A_24 : memref<1x1x2x120xi32, #tpu.memory_space<hbm>> -> memref<2x120xi32, #tpu.memory_space<hbm>>
      tpu.enqueue_dma source(%dma_start3A_25 : memref<2x120xi32, #tpu.memory_space<hbm>>) target(%arg5 : memref<2x120xi32, #tpu.memory_space<vmem>>) target_semaphore(%arg10 : memref<!tpu.dma_semaphore, #tpu.memory_space<semaphore_mem>>)
      %scan3A = arith.constant 0 : i32
      %scan3A_26 = arith.constant 0 : i32
      %scan3A_27 = arith.constant 28 : i32
      %scan3A_28 = arith.addi %scan3A_26, %scan3A_27 : i32
      %scan3A_29 = arith.constant 1 : i32
      %scan3A_30 = scf.for %scan3A_40 = %scan3A_26 to %scan3A_28 step %scan3A_29 iter_args(%scan3A_41 = %scan3A) -> (i32)  : i32 {
        %mul3A_42 = arith.constant 2 : i32
        %mul3A_43 = arith.muli %mul3A_42, %scan3A_40 : i32
        %add3A_44 = arith.constant 1 : i32
        %add3A_45 = arith.addi %mul3A_43, %add3A_44 : i32
        %dma_start3A_46 = arith.constant 0 : i32
        %dma_start3A_47 = arith.constant 0 : i32
        %dma_start3A_48 = tpu.memref_slice %arg3[%add3A, %add3A_45, %dma_start3A_46, %dma_start3A_47] : memref<32x114x2x120xi32, #tpu.memory_space<hbm>> -> memref<1x1x2x120xi32, #tpu.memory_space<hbm>>
        %dma_start3A_49 = tpu.memref_squeeze %dma_start3A_48 : memref<1x1x2x120xi32, #tpu.memory_space<hbm>> -> memref<2x120xi32, #tpu.memory_space<hbm>>
        %dma_start3A_50 = arith.constant 0 : i32
        %dma_start3A_51 = arith.constant 0 : i32
        %dma_start3A_52 = tpu.memref_slice %arg3[%add3A, %add3A_45, %dma_start3A_50, %dma_start3A_51] : memref<32x114x2x120xi32, #tpu.memory_space<hbm>> -> memref<1x1x2x120xi32, #tpu.memory_space<hbm>>
        %dma_start3A_53 = tpu.memref_squeeze %dma_start3A_52 : memref<1x1x2x120xi32, #tpu.memory_space<hbm>> -> memref<2x120xi32, #tpu.memory_space<hbm>>
        tpu.enqueue_dma source(%dma_start3A_53 : memref<2x120xi32, #tpu.memory_space<hbm>>) target(%arg6 : memref<2x120xi32, #tpu.memory_space<vmem>>) target_semaphore(%arg11 : memref<!tpu.dma_semaphore, #tpu.memory_space<semaphore_mem>>)
        %dma_wait3A_54 = arith.constant 0 : i32
        %dma_wait3A_55 = arith.constant 0 : i32
        %dma_wait3A_56 = tpu.memref_slice %arg3[%add3A, %mul3A_43, %dma_wait3A_54, %dma_wait3A_55] : memref<32x114x2x120xi32, #tpu.memory_space<hbm>> -> memref<1x1x2x120xi32, #tpu.memory_space<hbm>>
        %dma_wait3A_57 = tpu.memref_squeeze %dma_wait3A_56 : memref<1x1x2x120xi32, #tpu.memory_space<hbm>> -> memref<2x120xi32, #tpu.memory_space<hbm>>
        %dma_wait3A_58 = arith.constant 0 : i32
        %dma_wait3A_59 = arith.constant 0 : i32
        %dma_wait3A_60 = tpu.memref_slice %arg3[%add3A, %mul3A_43, %dma_wait3A_58, %dma_wait3A_59] : memref<32x114x2x120xi32, #tpu.memory_space<hbm>> -> memref<1x1x2x120xi32, #tpu.memory_space<hbm>>
        %dma_wait3A_61 = tpu.memref_squeeze %dma_wait3A_60 : memref<1x1x2x120xi32, #tpu.memory_space<hbm>> -> memref<2x120xi32, #tpu.memory_space<hbm>>
        tpu.wait_dma2 semaphore(%arg10 : memref<!tpu.dma_semaphore, #tpu.memory_space<semaphore_mem>>) src(%dma_wait3A_61 : memref<2x120xi32, #tpu.memory_space<hbm>>) dst(%arg5 : memref<2x120xi32, #tpu.memory_space<vmem>>)
        %dma_start3A_62 = arith.constant 0 : i32
        %dma_start3A_63 = arith.constant 0 : i32
        %dma_start3A_64 = tpu.memref_slice %arg5[%dma_start3A_62, %dma_start3A_63] : memref<2x120xi32, #tpu.memory_space<vmem>> -> memref<1x120xi32, #tpu.memory_space<vmem>>
        %dma_start3A_65 = tpu.memref_squeeze %dma_start3A_64 : memref<1x120xi32, #tpu.memory_space<vmem>> -> memref<120xi32, #tpu.memory_space<vmem>>
        %dma_start3A_66 = arith.constant 0 : i32
        %dma_start3A_67 = arith.constant 0 : i32
        %dma_start3A_68 = tpu.memref_slice %arg2[%dma_start3A_66, %dma_start3A_67] : memref<10240x128xf32, #tpu.memory_space<hbm>> -> memref<10240x128xf32, #tpu.memory_space<hbm>>
        tpu.enqueue_indirect_dma source(%dma_start3A_68 : memref<10240x128xf32, #tpu.memory_space<hbm>>) target(%arg7 : memref<120x128xf32, #tpu.memory_space<vmem>>) offsets(%dma_start3A_65 : memref<120xi32, #tpu.memory_space<vmem>>) semaphore(%arg12 : memref<!tpu.dma_semaphore, #tpu.memory_space<semaphore_mem>>)
        %dma_wait3A_69 = arith.constant 0 : i32
        %dma_wait3A_70 = arith.constant 0 : i32
        %dma_wait3A_71 = tpu.memref_slice %arg5[%dma_wait3A_69, %dma_wait3A_70] : memref<2x120xi32, #tpu.memory_space<vmem>> -> memref<1x120xi32, #tpu.memory_space<vmem>>
        %dma_wait3A_72 = tpu.memref_squeeze %dma_wait3A_71 : memref<1x120xi32, #tpu.memory_space<vmem>> -> memref<120xi32, #tpu.memory_space<vmem>>
        %dma_wait3A_73 = arith.constant 0 : i32
        %dma_wait3A_74 = arith.constant 0 : i32
        %dma_wait3A_75 = tpu.memref_slice %arg2[%dma_wait3A_73, %dma_wait3A_74] : memref<10240x128xf32, #tpu.memory_space<hbm>> -> memref<10240x128xf32, #tpu.memory_space<hbm>>
        tpu.wait_indirect_dma semaphore(%arg12 : memref<!tpu.dma_semaphore, #tpu.memory_space<semaphore_mem>>) src(%dma_wait3A_75 : memref<10240x128xf32, #tpu.memory_space<hbm>>) dst(%arg7 : memref<120x128xf32, #tpu.memory_space<vmem>>)
        %run_scoped3A = arith.constant 1 : i32
        "tpu.region"() ({
          %run_scoped3A_112 = tpu.sem_alloc : memref<!tpu.dma_semaphore, #tpu.memory_space<semaphore_mem>>
          %dma_start3A_113 = arith.constant 0 : i32
          %dma_start3A_114 = tpu.memref_slice %arg5[%run_scoped3A, %dma_start3A_113] : memref<2x120xi32, #tpu.memory_space<vmem>> -> memref<1x120xi32, #tpu.memory_space<vmem>>
          %dma_start3A_115 = tpu.memref_squeeze %dma_start3A_114 : memref<1x120xi32, #tpu.memory_space<vmem>> -> memref<120xi32, #tpu.memory_space<vmem>>
          %dma_start3A_116 = arith.constant 0 : i32
          %dma_start3A_117 = arith.constant 0 : i32
          %dma_start3A_118 = tpu.memref_slice %arg9[%dma_start3A_116, %dma_start3A_117] : memref<10000x128xf32, #tpu.memory_space<vmem_shared>> -> memref<10000x128xf32, #tpu.memory_space<vmem_shared>>
          tpu.enqueue_indirect_dma source(%arg7 : memref<120x128xf32, #tpu.memory_space<vmem>>) target(%dma_start3A_118 : memref<10000x128xf32, #tpu.memory_space<vmem_shared>>) offsets(%dma_start3A_115 : memref<120xi32, #tpu.memory_space<vmem>>) semaphore(%run_scoped3A_112 : memref<!tpu.dma_semaphore, #tpu.memory_space<semaphore_mem>>) {add = true}
          %dma_wait3A_119 = arith.constant 0 : i32
          %dma_wait3A_120 = tpu.memref_slice %arg5[%run_scoped3A, %dma_wait3A_119] : memref<2x120xi32, #tpu.memory_space<vmem>> -> memref<1x120xi32, #tpu.memory_space<vmem>>
          %dma_wait3A_121 = tpu.memref_squeeze %dma_wait3A_120 : memref<1x120xi32, #tpu.memory_space<vmem>> -> memref<120xi32, #tpu.memory_space<vmem>>
          %dma_wait3A_122 = arith.constant 0 : i32
          %dma_wait3A_123 = arith.constant 0 : i32
          %dma_wait3A_124 = tpu.memref_slice %arg9[%dma_wait3A_122, %dma_wait3A_123] : memref<10000x128xf32, #tpu.memory_space<vmem_shared>> -> memref<10000x128xf32, #tpu.memory_space<vmem_shared>>
          tpu.wait_indirect_dma semaphore(%run_scoped3A_112 : memref<!tpu.dma_semaphore, #tpu.memory_space<semaphore_mem>>) src(%arg7 : memref<120x128xf32, #tpu.memory_space<vmem>>) dst(%dma_wait3A_124 : memref<10000x128xf32, #tpu.memory_space<vmem_shared>>)
          tpu.yield
        }) : () -> ()
        %add3A_76 = arith.constant 2 : i32
        %add3A_77 = arith.addi %mul3A_43, %add3A_76 : i32
        %dma_start3A_78 = arith.constant 0 : i32
        %dma_start3A_79 = arith.constant 0 : i32
        %dma_start3A_80 = tpu.memref_slice %arg3[%add3A, %add3A_77, %dma_start3A_78, %dma_start3A_79] : memref<32x114x2x120xi32, #tpu.memory_space<hbm>> -> memref<1x1x2x120xi32, #tpu.memory_space<hbm>>
        %dma_start3A_81 = tpu.memref_squeeze %dma_start3A_80 : memref<1x1x2x120xi32, #tpu.memory_space<hbm>> -> memref<2x120xi32, #tpu.memory_space<hbm>>
        %dma_start3A_82 = arith.constant 0 : i32
        %dma_start3A_83 = arith.constant 0 : i32
        %dma_start3A_84 = tpu.memref_slice %arg3[%add3A, %add3A_77, %dma_start3A_82, %dma_start3A_83] : memref<32x114x2x120xi32, #tpu.memory_space<hbm>> -> memref<1x1x2x120xi32, #tpu.memory_space<hbm>>
        %dma_start3A_85 = tpu.memref_squeeze %dma_start3A_84 : memref<1x1x2x120xi32, #tpu.memory_space<hbm>> -> memref<2x120xi32, #tpu.memory_space<hbm>>
        tpu.enqueue_dma source(%dma_start3A_85 : memref<2x120xi32, #tpu.memory_space<hbm>>) target(%arg5 : memref<2x120xi32, #tpu.memory_space<vmem>>) target_semaphore(%arg10 : memref<!tpu.dma_semaphore, #tpu.memory_space<semaphore_mem>>)
        %add3A_86 = arith.constant 1 : i32
        %add3A_87 = arith.addi %mul3A_43, %add3A_86 : i32
        %dma_wait3A_88 = arith.constant 0 : i32
        %dma_wait3A_89 = arith.constant 0 : i32
        %dma_wait3A_90 = tpu.memref_slice %arg3[%add3A, %add3A_87, %dma_wait3A_88, %dma_wait3A_89] : memref<32x114x2x120xi32, #tpu.memory_space<hbm>> -> memref<1x1x2x120xi32, #tpu.memory_space<hbm>>
        %dma_wait3A_91 = tpu.memref_squeeze %dma_wait3A_90 : memref<1x1x2x120xi32, #tpu.memory_space<hbm>> -> memref<2x120xi32, #tpu.memory_space<hbm>>
        %dma_wait3A_92 = arith.constant 0 : i32
        %dma_wait3A_93 = arith.constant 0 : i32
        %dma_wait3A_94 = tpu.memref_slice %arg3[%add3A, %add3A_87, %dma_wait3A_92, %dma_wait3A_93] : memref<32x114x2x120xi32, #tpu.memory_space<hbm>> -> memref<1x1x2x120xi32, #tpu.memory_space<hbm>>
        %dma_wait3A_95 = tpu.memref_squeeze %dma_wait3A_94 : memref<1x1x2x120xi32, #tpu.memory_space<hbm>> -> memref<2x120xi32, #tpu.memory_space<hbm>>
        tpu.wait_dma2 semaphore(%arg11 : memref<!tpu.dma_semaphore, #tpu.memory_space<semaphore_mem>>) src(%dma_wait3A_95 : memref<2x120xi32, #tpu.memory_space<hbm>>) dst(%arg6 : memref<2x120xi32, #tpu.memory_space<vmem>>)
        %dma_start3A_96 = arith.constant 0 : i32
        %dma_start3A_97 = arith.constant 0 : i32
        %dma_start3A_98 = tpu.memref_slice %arg6[%dma_start3A_96, %dma_start3A_97] : memref<2x120xi32, #tpu.memory_space<vmem>> -> memref<1x120xi32, #tpu.memory_space<vmem>>
        %dma_start3A_99 = tpu.memref_squeeze %dma_start3A_98 : memref<1x120xi32, #tpu.memory_space<vmem>> -> memref<120xi32, #tpu.memory_space<vmem>>
        %dma_start3A_100 = arith.constant 0 : i32
        %dma_start3A_101 = arith.constant 0 : i32
        %dma_start3A_102 = tpu.memref_slice %arg2[%dma_start3A_100, %dma_start3A_101] : memref<10240x128xf32, #tpu.memory_space<hbm>> -> memref<10240x128xf32, #tpu.memory_space<hbm>>
        tpu.enqueue_indirect_dma source(%dma_start3A_102 : memref<10240x128xf32, #tpu.memory_space<hbm>>) target(%arg7 : memref<120x128xf32, #tpu.memory_space<vmem>>) offsets(%dma_start3A_99 : memref<120xi32, #tpu.memory_space<vmem>>) semaphore(%arg12 : memref<!tpu.dma_semaphore, #tpu.memory_space<semaphore_mem>>)
        %dma_wait3A_103 = arith.constant 0 : i32
        %dma_wait3A_104 = arith.constant 0 : i32
        %dma_wait3A_105 = tpu.memref_slice %arg6[%dma_wait3A_103, %dma_wait3A_104] : memref<2x120xi32, #tpu.memory_space<vmem>> -> memref<1x120xi32, #tpu.memory_space<vmem>>
        %dma_wait3A_106 = tpu.memref_squeeze %dma_wait3A_105 : memref<1x120xi32, #tpu.memory_space<vmem>> -> memref<120xi32, #tpu.memory_space<vmem>>
        %dma_wait3A_107 = arith.constant 0 : i32
        %dma_wait3A_108 = arith.constant 0 : i32
        %dma_wait3A_109 = tpu.memref_slice %arg2[%dma_wait3A_107, %dma_wait3A_108] : memref<10240x128xf32, #tpu.memory_space<hbm>> -> memref<10240x128xf32, #tpu.memory_space<hbm>>
        tpu.wait_indirect_dma semaphore(%arg12 : memref<!tpu.dma_semaphore, #tpu.memory_space<semaphore_mem>>) src(%dma_wait3A_109 : memref<10240x128xf32, #tpu.memory_space<hbm>>) dst(%arg7 : memref<120x128xf32, #tpu.memory_space<vmem>>)
        %run_scoped3A_110 = arith.constant 1 : i32
        "tpu.region"() ({
          %run_scoped3A_112 = tpu.sem_alloc : memref<!tpu.dma_semaphore, #tpu.memory_space<semaphore_mem>>
          %dma_start3A_113 = arith.constant 0 : i32
          %dma_start3A_114 = tpu.memref_slice %arg6[%run_scoped3A_110, %dma_start3A_113] : memref<2x120xi32, #tpu.memory_space<vmem>> -> memref<1x120xi32, #tpu.memory_space<vmem>>
          %dma_start3A_115 = tpu.memref_squeeze %dma_start3A_114 : memref<1x120xi32, #tpu.memory_space<vmem>> -> memref<120xi32, #tpu.memory_space<vmem>>
          %dma_start3A_116 = arith.constant 0 : i32
          %dma_start3A_117 = arith.constant 0 : i32
          %dma_start3A_118 = tpu.memref_slice %arg9[%dma_start3A_116, %dma_start3A_117] : memref<10000x128xf32, #tpu.memory_space<vmem_shared>> -> memref<10000x128xf32, #tpu.memory_space<vmem_shared>>
          tpu.enqueue_indirect_dma source(%arg7 : memref<120x128xf32, #tpu.memory_space<vmem>>) target(%dma_start3A_118 : memref<10000x128xf32, #tpu.memory_space<vmem_shared>>) offsets(%dma_start3A_115 : memref<120xi32, #tpu.memory_space<vmem>>) semaphore(%run_scoped3A_112 : memref<!tpu.dma_semaphore, #tpu.memory_space<semaphore_mem>>) {add = true}
          %dma_wait3A_119 = arith.constant 0 : i32
          %dma_wait3A_120 = tpu.memref_slice %arg6[%run_scoped3A_110, %dma_wait3A_119] : memref<2x120xi32, #tpu.memory_space<vmem>> -> memref<1x120xi32, #tpu.memory_space<vmem>>
          %dma_wait3A_121 = tpu.memref_squeeze %dma_wait3A_120 : memref<1x120xi32, #tpu.memory_space<vmem>> -> memref<120xi32, #tpu.memory_space<vmem>>
          %dma_wait3A_122 = arith.constant 0 : i32
          %dma_wait3A_123 = arith.constant 0 : i32
          %dma_wait3A_124 = tpu.memref_slice %arg9[%dma_wait3A_122, %dma_wait3A_123] : memref<10000x128xf32, #tpu.memory_space<vmem_shared>> -> memref<10000x128xf32, #tpu.memory_space<vmem_shared>>
          tpu.wait_indirect_dma semaphore(%run_scoped3A_112 : memref<!tpu.dma_semaphore, #tpu.memory_space<semaphore_mem>>) src(%arg7 : memref<120x128xf32, #tpu.memory_space<vmem>>) dst(%dma_wait3A_124 : memref<10000x128xf32, #tpu.memory_space<vmem_shared>>)
          tpu.yield
        }) : () -> ()
        %scan3A_111 = arith.constant 0 : i32
        scf.yield %scan3A_111 : i32
      }
      %scan3A_31 = arith.constant 28 : i32
      %dma_wait3A = arith.constant 56 : i32
      %dma_wait3A_32 = arith.constant 0 : i32
      %dma_wait3A_33 = arith.constant 0 : i32
      %dma_wait3A_34 = tpu.memref_slice %arg3[%add3A, %dma_wait3A, %dma_wait3A_32, %dma_wait3A_33] : memref<32x114x2x120xi32, #tpu.memory_space<hbm>> -> memref<1x1x2x120xi32, #tpu.memory_space<hbm>>
      %dma_wait3A_35 = tpu.memref_squeeze %dma_wait3A_34 : memref<1x1x2x120xi32, #tpu.memory_space<hbm>> -> memref<2x120xi32, #tpu.memory_space<hbm>>
      %dma_wait3A_36 = arith.constant 0 : i32
      %dma_wait3A_37 = arith.constant 0 : i32
      %dma_wait3A_38 = tpu.memref_slice %arg3[%add3A, %dma_wait3A, %dma_wait3A_36, %dma_wait3A_37] : memref<32x114x2x120xi32, #tpu.memory_space<hbm>> -> memref<1x1x2x120xi32, #tpu.memory_space<hbm>>
      %dma_wait3A_39 = tpu.memref_squeeze %dma_wait3A_38 : memref<1x1x2x120xi32, #tpu.memory_space<hbm>> -> memref<2x120xi32, #tpu.memory_space<hbm>>
      tpu.wait_dma2 semaphore(%arg10 : memref<!tpu.dma_semaphore, #tpu.memory_space<semaphore_mem>>) src(%dma_wait3A_39 : memref<2x120xi32, #tpu.memory_space<hbm>>) dst(%arg5 : memref<2x120xi32, #tpu.memory_space<vmem>>)
    } else {
    }
    %barrier3A_12 = arith.constant 0 : index
    tpu.barrier barrier_id(%barrier3A_12)
    %lt3A_13 = arith.constant 10 : i32
    %lt3A_14 = arith.cmpi slt, %arg1, %lt3A_13 : i32
    %convert_element_type3A_15 = arith.extui %lt3A_14 : i1 to i32
    %cond3A_16 = arith.constant 0 : i32
    %cond3A_17 = arith.cmpi ne, %convert_element_type3A_15, %cond3A_16 : i32
    scf.if %cond3A_17 {
      %mul3A_18 = arith.constant 1000 : i32
      %mul3A_19 = arith.muli %arg1, %mul3A_18 : i32
      %mul3A_20 = arith.constant 1000 : i32
      %mul3A_21 = arith.muli %arg1, %mul3A_20 : i32
      "tpu.region"() ({
        %run_scoped3A = tpu.sem_alloc : memref<!tpu.dma_semaphore, #tpu.memory_space<semaphore_mem>>
        %dma_start3A = arith.constant 0 : i32
        %dma_start3A_22 = arith.constant 0 : i32
        %dma_start3A_23 = tpu.memref_slice %arg4[%arg0, %dma_start3A, %dma_start3A_22] : memref<2x10000x128xf32, #tpu.memory_space<hbm>> -> memref<1x10000x128xf32, #tpu.memory_space<hbm>>
        %dma_start3A_24 = tpu.memref_squeeze %dma_start3A_23 : memref<1x10000x128xf32, #tpu.memory_space<hbm>> -> memref<10000x128xf32, #tpu.memory_space<hbm>>
        %dma_start3A_25 = arith.constant 0 : i32
        %dma_start3A_26 = tpu.memref_slice %dma_start3A_24[%mul3A_21, %dma_start3A_25] : memref<10000x128xf32, #tpu.memory_space<hbm>> -> memref<1000x128xf32, #tpu.memory_space<hbm>>
        %dma_start3A_27 = arith.constant 0 : i32
        %dma_start3A_28 = tpu.memref_slice %arg9[%mul3A_19, %dma_start3A_27] : memref<10000x128xf32, #tpu.memory_space<vmem_shared>> -> memref<1000x128xf32, #tpu.memory_space<vmem_shared>>
        tpu.enqueue_dma source(%dma_start3A_28 : memref<1000x128xf32, #tpu.memory_space<vmem_shared>>) target(%dma_start3A_26 : memref<1000x128xf32, #tpu.memory_space<hbm>>) target_semaphore(%run_scoped3A : memref<!tpu.dma_semaphore, #tpu.memory_space<semaphore_mem>>)
        %dma_wait3A = arith.constant 0 : i32
        %dma_wait3A_29 = arith.constant 0 : i32
        %dma_wait3A_30 = tpu.memref_slice %arg4[%arg0, %dma_wait3A, %dma_wait3A_29] : memref<2x10000x128xf32, #tpu.memory_space<hbm>> -> memref<1x10000x128xf32, #tpu.memory_space<hbm>>
        %dma_wait3A_31 = tpu.memref_squeeze %dma_wait3A_30 : memref<1x10000x128xf32, #tpu.memory_space<hbm>> -> memref<10000x128xf32, #tpu.memory_space<hbm>>
        %dma_wait3A_32 = arith.constant 0 : i32
        %dma_wait3A_33 = tpu.memref_slice %dma_wait3A_31[%mul3A_21, %dma_wait3A_32] : memref<10000x128xf32, #tpu.memory_space<hbm>> -> memref<1000x128xf32, #tpu.memory_space<hbm>>
        %dma_wait3A_34 = arith.constant 0 : i32
        %dma_wait3A_35 = tpu.memref_slice %arg9[%mul3A_19, %dma_wait3A_34] : memref<10000x128xf32, #tpu.memory_space<vmem_shared>> -> memref<1000x128xf32, #tpu.memory_space<vmem_shared>>
        tpu.wait_dma2 semaphore(%run_scoped3A : memref<!tpu.dma_semaphore, #tpu.memory_space<semaphore_mem>>) src(%dma_wait3A_35 : memref<1000x128xf32, #tpu.memory_space<vmem_shared>>) dst(%dma_wait3A_33 : memref<1000x128xf32, #tpu.memory_space<hbm>>)
        tpu.yield
      }) : () -> ()
    } else {
    }
    return
  }
}

#map = affine_map<(d0, d1) -> (0, 0)>
#map1 = affine_map<(d0, d1) -> (0, 0, 0, 0)>
#map2 = affine_map<(d0, d1) -> (0, 0, 0)>
module attributes {stable_mosaic.version = 14 : i64} {
  func.func @_segsum_body(%arg0: i32, %arg1: i32, %arg2: memref<10240x128xf32, #tpu.memory_space<hbm>>, %arg3: memref<32x114x2x120xi32, #tpu.memory_space<hbm>>, %arg4: memref<2x10000x128xf32, #tpu.memory_space<hbm>>, %arg5: memref<2x120xi32, #tpu.memory_space<vmem>>, %arg6: memref<2x120xi32, #tpu.memory_space<vmem>>, %arg7: memref<120x128xf32, #tpu.memory_space<vmem>>, %arg8: memref<120x128xf32, #tpu.memory_space<vmem>>, %arg9: memref<10000x128xf32, #tpu.memory_space<vmem_shared>>, %arg10: memref<!tpu.dma_semaphore, #tpu.memory_space<semaphore_mem>>, %arg11: memref<!tpu.dma_semaphore, #tpu.memory_space<semaphore_mem>>, %arg12: memref<!tpu.dma_semaphore, #tpu.memory_space<semaphore_mem>>, %arg13: memref<!tpu.dma_semaphore, #tpu.memory_space<semaphore_mem>>) attributes {dimension_semantics = [#tpu.dimension_semantics<core_parallel>, #tpu.dimension_semantics<subcore_parallel>], iteration_bounds = array<i64: 2, 16>, scalar_prefetch = 0 : i64, scratch_operands = 9 : i64, tpu.core_type = #tpu.core_type<sc_vector_subcore>, window_params = [{transform_indices = #map}, {transform_indices = #map1}, {transform_indices = #map2}]} {
    %mul3A = arith.constant 16 : i32
    %mul3A_0 = arith.muli %arg0, %mul3A : i32
    %add3A = arith.addi %mul3A_0, %arg1 : i32
    %lt3A = arith.constant 10 : i32
    %lt3A_1 = arith.cmpi slt, %arg1, %lt3A : i32
    %convert_element_type3A = arith.extui %lt3A_1 : i1 to i32
    %cond3A = arith.constant 0 : i32
    %cond3A_2 = arith.cmpi ne, %convert_element_type3A, %cond3A : i32
    scf.if %cond3A_2 {
      %scan3A = arith.constant 0 : i32
      %scan3A_18 = arith.constant 0 : i32
      %scan3A_19 = arith.constant 320 : i32
      %scan3A_20 = arith.addi %scan3A_18, %scan3A_19 : i32
      %scan3A_21 = arith.constant 1 : i32
      %scan3A_22 = scf.for %scan3A_31 = %scan3A_18 to %scan3A_20 step %scan3A_21 iter_args(%scan3A_32 = %scan3A) -> (i32)  : i32 {
        %jit3A = arith.constant 8 : i32
        %div3A = arith.divsi %scan3A_31, %jit3A : i32
        %sign3A = arith.constant 0 : i32
        %sign3A_33 = arith.cmpi sgt, %scan3A_31, %sign3A : i32
        %sign3A_34 = arith.extui %sign3A_33 : i1 to i32
        %sign3A_35 = arith.constant 0 : i32
        %sign3A_36 = arith.cmpi slt, %scan3A_31, %sign3A_35 : i32
        %sign3A_37 = arith.extui %sign3A_36 : i1 to i32
        %sign3A_38 = arith.subi %sign3A_34, %sign3A_37 : i32
        %sign3A_39 = arith.constant 0 : i32
        %sign3A_40 = arith.cmpi sgt, %jit3A, %sign3A_39 : i32
        %sign3A_41 = arith.extui %sign3A_40 : i1 to i32
        %sign3A_42 = arith.constant 0 : i32
        %sign3A_43 = arith.cmpi slt, %jit3A, %sign3A_42 : i32
        %sign3A_44 = arith.extui %sign3A_43 : i1 to i32
        %sign3A_45 = arith.subi %sign3A_41, %sign3A_44 : i32
        %ne3A = arith.cmpi ne, %sign3A_38, %sign3A_45 : i32
        %rem3A = arith.remsi %scan3A_31, %jit3A : i32
        %ne3A_46 = arith.constant 0 : i32
        %ne3A_47 = arith.cmpi ne, %rem3A, %ne3A_46 : i32
        %and3A = arith.andi %ne3A, %ne3A_47 : i1
        %sub3A = arith.constant 1 : i32
        %sub3A_48 = arith.subi %div3A, %sub3A : i32
        %select_n3A = arith.select %and3A, %sub3A_48, %div3A : i32
        %jit3A_49 = arith.constant 8 : i32
        %eq3A_50 = arith.constant 0 : i32
        %eq3A_51 = arith.cmpi eq, %jit3A_49, %eq3A_50 : i32
        %jit3A_52 = arith.constant 1 : i32
        %select_n3A_53 = arith.select %eq3A_51, %jit3A_52, %jit3A_49 : i32
        %rem3A_54 = arith.remsi %scan3A_31, %select_n3A_53 : i32
        %ne3A_55 = arith.constant 0 : i32
        %ne3A_56 = arith.cmpi ne, %rem3A_54, %ne3A_55 : i32
        %lt3A_57 = arith.constant 0 : i32
        %lt3A_58 = arith.cmpi slt, %rem3A_54, %lt3A_57 : i32
        %lt3A_59 = arith.constant 0 : i32
        %lt3A_60 = arith.cmpi slt, %select_n3A_53, %lt3A_59 : i32
        %ne3A_61 = arith.xori %lt3A_58, %lt3A_60 : i1
        %and3A_62 = arith.andi %ne3A_61, %ne3A_56 : i1
        %add3A_63 = arith.addi %rem3A_54, %select_n3A_53 : i32
        %select_n3A_64 = arith.select %and3A_62, %add3A_63, %rem3A_54 : i32
        %mul3A_65 = arith.constant 16 : i32
        %mul3A_66 = arith.muli %select_n3A_64, %mul3A_65 : i32
        %broadcast_in_dim3A = arith.constant 0.000000e+00 : f32
        %broadcast_in_dim3A_67 = vector.broadcast %broadcast_in_dim3A : f32 to vector<16xf32>
        %swap3A = arith.index_cast %select_n3A : i32 to index
        %swap3A_68 = arith.index_cast %mul3A_66 : i32 to index
        %swap3A_69 = tpu.vector_load %arg8[%swap3A, %swap3A_68] {strides = array<i32>} : memref<120x128xf32, #tpu.memory_space<vmem>>, vector<1x16xf32>,
        %swap3A_70 = vector.shape_cast %swap3A_69 : vector<1x16xf32> to vector<16xf32>
        %swap3A_71 = vector.shape_cast %broadcast_in_dim3A_67 : vector<16xf32> to vector<1x16xf32>
        tpu.vector_store %arg8[%swap3A, %swap3A_68], %swap3A_71 {strides = array<i32>} : memref<120x128xf32, #tpu.memory_space<vmem>>, vector<1x16xf32>,
        %scan3A_72 = arith.constant 0 : i32
        scf.yield %scan3A_72 : i32
      }
      %scan3A_23 = arith.constant 320 : i32
      %scan3A_24 = arith.constant 0 : i32
      %scan3A_25 = arith.constant 0 : i32
      %scan3A_26 = arith.constant 25 : i32
      %scan3A_27 = arith.addi %scan3A_25, %scan3A_26 : i32
      %scan3A_28 = arith.constant 1 : i32
      %scan3A_29 = scf.for %scan3A_31 = %scan3A_25 to %scan3A_27 step %scan3A_28 iter_args(%scan3A_32 = %scan3A_24) -> (i32)  : i32 {
        %mul3A_33 = arith.constant 1000 : i32
        %mul3A_34 = arith.muli %arg1, %mul3A_33 : i32
        %mul3A_35 = arith.constant 40 : i32
        %mul3A_36 = arith.muli %scan3A_31, %mul3A_35 : i32
        %add3A_37 = arith.addi %mul3A_34, %mul3A_36 : i32
        "tpu.region"() ({
          %run_scoped3A = tpu.sem_alloc : memref<!tpu.dma_semaphore, #tpu.memory_space<semaphore_mem>>
          %dma_start3A = arith.constant 0 : i32
          %dma_start3A_39 = arith.constant 0 : i32
          %dma_start3A_40 = tpu.memref_slice %arg8[%dma_start3A, %dma_start3A_39] : memref<120x128xf32, #tpu.memory_space<vmem>> -> memref<40x128xf32, #tpu.memory_space<vmem>>
          %dma_start3A_41 = arith.constant 0 : i32
          %dma_start3A_42 = tpu.memref_slice %arg9[%add3A_37, %dma_start3A_41] : memref<10000x128xf32, #tpu.memory_space<vmem_shared>> -> memref<40x128xf32, #tpu.memory_space<vmem_shared>>
          %dma_start3A_43 = arith.constant 0 : i32
          %dma_start3A_44 = tpu.memref_slice %arg9[%add3A_37, %dma_start3A_43] : memref<10000x128xf32, #tpu.memory_space<vmem_shared>> -> memref<40x128xf32, #tpu.memory_space<vmem_shared>>
          %dma_start3A_45 = arith.constant 0 : i32
          %dma_start3A_46 = arith.constant 0 : i32
          %dma_start3A_47 = tpu.memref_slice %arg8[%dma_start3A_45, %dma_start3A_46] : memref<120x128xf32, #tpu.memory_space<vmem>> -> memref<40x128xf32, #tpu.memory_space<vmem>>
          tpu.enqueue_dma source(%dma_start3A_47 : memref<40x128xf32, #tpu.memory_space<vmem>>) target(%dma_start3A_44 : memref<40x128xf32, #tpu.memory_space<vmem_shared>>) target_semaphore(%run_scoped3A : memref<!tpu.dma_semaphore, #tpu.memory_space<semaphore_mem>>)
          %dma_wait3A = arith.constant 0 : i32
          %dma_wait3A_48 = arith.constant 0 : i32
          %dma_wait3A_49 = tpu.memref_slice %arg8[%dma_wait3A, %dma_wait3A_48] : memref<120x128xf32, #tpu.memory_space<vmem>> -> memref<40x128xf32, #tpu.memory_space<vmem>>
          %dma_wait3A_50 = arith.constant 0 : i32
          %dma_wait3A_51 = tpu.memref_slice %arg9[%add3A_37, %dma_wait3A_50] : memref<10000x128xf32, #tpu.memory_space<vmem_shared>> -> memref<40x128xf32, #tpu.memory_space<vmem_shared>>
          %dma_wait3A_52 = arith.constant 0 : i32
          %dma_wait3A_53 = tpu.memref_slice %arg9[%add3A_37, %dma_wait3A_52] : memref<10000x128xf32, #tpu.memory_space<vmem_shared>> -> memref<40x128xf32, #tpu.memory_space<vmem_shared>>
          %dma_wait3A_54 = arith.constant 0 : i32
          %dma_wait3A_55 = arith.constant 0 : i32
          %dma_wait3A_56 = tpu.memref_slice %arg8[%dma_wait3A_54, %dma_wait3A_55] : memref<120x128xf32, #tpu.memory_space<vmem>> -> memref<40x128xf32, #tpu.memory_space<vmem>>
          tpu.wait_dma2 semaphore(%run_scoped3A : memref<!tpu.dma_semaphore, #tpu.memory_space<semaphore_mem>>) src(%dma_wait3A_56 : memref<40x128xf32, #tpu.memory_space<vmem>>) dst(%dma_wait3A_53 : memref<40x128xf32, #tpu.memory_space<vmem_shared>>)
          tpu.yield
        }) : () -> ()
        %scan3A_38 = arith.constant 0 : i32
        scf.yield %scan3A_38 : i32
      }
      %scan3A_30 = arith.constant 25 : i32
    } else {
    }
    %barrier3A = arith.constant 0 : index
    tpu.barrier barrier_id(%barrier3A)
    %eq3A = arith.constant 0 : i32
    %eq3A_3 = arith.cmpi eq, %arg0, %eq3A : i32
    %convert_element_type3A_4 = arith.extui %eq3A_3 : i1 to i32
    %cond3A_5 = arith.constant 0 : i32
    %cond3A_6 = arith.cmpi ne, %convert_element_type3A_4, %cond3A_5 : i32
    scf.if %cond3A_6 {
      %dma_start3A = arith.constant 0 : i32
      %dma_start3A_18 = arith.constant 0 : i32
      %dma_start3A_19 = arith.constant 0 : i32
      %dma_start3A_20 = tpu.memref_slice %arg3[%add3A, %dma_start3A, %dma_start3A_18, %dma_start3A_19] : memref<32x114x2x120xi32, #tpu.memory_space<hbm>> -> memref<1x1x2x120xi32, #tpu.memory_space<hbm>>
      %dma_start3A_21 = tpu.memref_squeeze %dma_start3A_20 : memref<1x1x2x120xi32, #tpu.memory_space<hbm>> -> memref<2x120xi32, #tpu.memory_space<hbm>>
      %dma_start3A_22 = arith.constant 0 : i32
      %dma_start3A_23 = arith.constant 0 : i32
      %dma_start3A_24 = tpu.memref_slice %arg3[%add3A, %dma_start3A, %dma_start3A_22, %dma_start3A_23] : memref<32x114x2x120xi32, #tpu.memory_space<hbm>> -> memref<1x1x2x120xi32, #tpu.memory_space<hbm>>
      %dma_start3A_25 = tpu.memref_squeeze %dma_start3A_24 : memref<1x1x2x120xi32, #tpu.memory_space<hbm>> -> memref<2x120xi32, #tpu.memory_space<hbm>>
      tpu.enqueue_dma source(%dma_start3A_25 : memref<2x120xi32, #tpu.memory_space<hbm>>) target(%arg5 : memref<2x120xi32, #tpu.memory_space<vmem>>) target_semaphore(%arg10 : memref<!tpu.dma_semaphore, #tpu.memory_space<semaphore_mem>>)
      %dma_start3A_26 = arith.constant 1 : i32
      %dma_start3A_27 = arith.constant 0 : i32
      %dma_start3A_28 = arith.constant 0 : i32
      %dma_start3A_29 = tpu.memref_slice %arg3[%add3A, %dma_start3A_26, %dma_start3A_27, %dma_start3A_28] : memref<32x114x2x120xi32, #tpu.memory_space<hbm>> -> memref<1x1x2x120xi32, #tpu.memory_space<hbm>>
      %dma_start3A_30 = tpu.memref_squeeze %dma_start3A_29 : memref<1x1x2x120xi32, #tpu.memory_space<hbm>> -> memref<2x120xi32, #tpu.memory_space<hbm>>
      %dma_start3A_31 = arith.constant 0 : i32
      %dma_start3A_32 = arith.constant 0 : i32
      %dma_start3A_33 = tpu.memref_slice %arg3[%add3A, %dma_start3A_26, %dma_start3A_31, %dma_start3A_32] : memref<32x114x2x120xi32, #tpu.memory_space<hbm>> -> memref<1x1x2x120xi32, #tpu.memory_space<hbm>>
      %dma_start3A_34 = tpu.memref_squeeze %dma_start3A_33 : memref<1x1x2x120xi32, #tpu.memory_space<hbm>> -> memref<2x120xi32, #tpu.memory_space<hbm>>
      tpu.enqueue_dma source(%dma_start3A_34 : memref<2x120xi32, #tpu.memory_space<hbm>>) target(%arg6 : memref<2x120xi32, #tpu.memory_space<vmem>>) target_semaphore(%arg11 : memref<!tpu.dma_semaphore, #tpu.memory_space<semaphore_mem>>)
      %dma_wait3A = arith.constant 0 : i32
      %dma_wait3A_35 = arith.constant 0 : i32
      %dma_wait3A_36 = arith.constant 0 : i32
      %dma_wait3A_37 = tpu.memref_slice %arg3[%add3A, %dma_wait3A, %dma_wait3A_35, %dma_wait3A_36] : memref<32x114x2x120xi32, #tpu.memory_space<hbm>> -> memref<1x1x2x120xi32, #tpu.memory_space<hbm>>
      %dma_wait3A_38 = tpu.memref_squeeze %dma_wait3A_37 : memref<1x1x2x120xi32, #tpu.memory_space<hbm>> -> memref<2x120xi32, #tpu.memory_space<hbm>>
      %dma_wait3A_39 = arith.constant 0 : i32
      %dma_wait3A_40 = arith.constant 0 : i32
      %dma_wait3A_41 = tpu.memref_slice %arg3[%add3A, %dma_wait3A, %dma_wait3A_39, %dma_wait3A_40] : memref<32x114x2x120xi32, #tpu.memory_space<hbm>> -> memref<1x1x2x120xi32, #tpu.memory_space<hbm>>
      %dma_wait3A_42 = tpu.memref_squeeze %dma_wait3A_41 : memref<1x1x2x120xi32, #tpu.memory_space<hbm>> -> memref<2x120xi32, #tpu.memory_space<hbm>>
      tpu.wait_dma2 semaphore(%arg10 : memref<!tpu.dma_semaphore, #tpu.memory_space<semaphore_mem>>) src(%dma_wait3A_42 : memref<2x120xi32, #tpu.memory_space<hbm>>) dst(%arg5 : memref<2x120xi32, #tpu.memory_space<vmem>>)
      %dma_start3A_43 = arith.constant 0 : i32
      %dma_start3A_44 = arith.constant 0 : i32
      %dma_start3A_45 = tpu.memref_slice %arg5[%dma_start3A_43, %dma_start3A_44] : memref<2x120xi32, #tpu.memory_space<vmem>> -> memref<1x120xi32, #tpu.memory_space<vmem>>
      %dma_start3A_46 = tpu.memref_squeeze %dma_start3A_45 : memref<1x120xi32, #tpu.memory_space<vmem>> -> memref<120xi32, #tpu.memory_space<vmem>>
      %dma_start3A_47 = arith.constant 0 : i32
      %dma_start3A_48 = arith.constant 0 : i32
      %dma_start3A_49 = tpu.memref_slice %arg2[%dma_start3A_47, %dma_start3A_48] : memref<10240x128xf32, #tpu.memory_space<hbm>> -> memref<10240x128xf32, #tpu.memory_space<hbm>>
      tpu.enqueue_indirect_dma source(%dma_start3A_49 : memref<10240x128xf32, #tpu.memory_space<hbm>>) target(%arg7 : memref<120x128xf32, #tpu.memory_space<vmem>>) offsets(%dma_start3A_46 : memref<120xi32, #tpu.memory_space<vmem>>) semaphore(%arg12 : memref<!tpu.dma_semaphore, #tpu.memory_space<semaphore_mem>>)
      %scan3A = arith.constant 0 : i32
      %scan3A_50 = arith.constant 0 : i32
      %scan3A_51 = arith.constant 56 : i32
      %scan3A_52 = arith.addi %scan3A_50, %scan3A_51 : i32
      %scan3A_53 = arith.constant 1 : i32
      %scan3A_54 = scf.for %scan3A_56 = %scan3A_50 to %scan3A_52 step %scan3A_53 iter_args(%scan3A_57 = %scan3A) -> (i32)  : i32 {
        %mul3A_58 = arith.constant 2 : i32
        %mul3A_59 = arith.muli %mul3A_58, %scan3A_56 : i32
        %add3A_60 = arith.constant 1 : i32
        %add3A_61 = arith.addi %mul3A_59, %add3A_60 : i32
        %dma_wait3A_62 = arith.constant 0 : i32
        %dma_wait3A_63 = arith.constant 0 : i32
        %dma_wait3A_64 = tpu.memref_slice %arg3[%add3A, %add3A_61, %dma_wait3A_62, %dma_wait3A_63] : memref<32x114x2x120xi32, #tpu.memory_space<hbm>> -> memref<1x1x2x120xi32, #tpu.memory_space<hbm>>
        %dma_wait3A_65 = tpu.memref_squeeze %dma_wait3A_64 : memref<1x1x2x120xi32, #tpu.memory_space<hbm>> -> memref<2x120xi32, #tpu.memory_space<hbm>>
        %dma_wait3A_66 = arith.constant 0 : i32
        %dma_wait3A_67 = arith.constant 0 : i32
        %dma_wait3A_68 = tpu.memref_slice %arg3[%add3A, %add3A_61, %dma_wait3A_66, %dma_wait3A_67] : memref<32x114x2x120xi32, #tpu.memory_space<hbm>> -> memref<1x1x2x120xi32, #tpu.memory_space<hbm>>
        %dma_wait3A_69 = tpu.memref_squeeze %dma_wait3A_68 : memref<1x1x2x120xi32, #tpu.memory_space<hbm>> -> memref<2x120xi32, #tpu.memory_space<hbm>>
        tpu.wait_dma2 semaphore(%arg11 : memref<!tpu.dma_semaphore, #tpu.memory_space<semaphore_mem>>) src(%dma_wait3A_69 : memref<2x120xi32, #tpu.memory_space<hbm>>) dst(%arg6 : memref<2x120xi32, #tpu.memory_space<vmem>>)
        %dma_wait3A_70 = arith.constant 0 : i32
        %dma_wait3A_71 = arith.constant 0 : i32
        %dma_wait3A_72 = tpu.memref_slice %arg5[%dma_wait3A_70, %dma_wait3A_71] : memref<2x120xi32, #tpu.memory_space<vmem>> -> memref<1x120xi32, #tpu.memory_space<vmem>>
        %dma_wait3A_73 = tpu.memref_squeeze %dma_wait3A_72 : memref<1x120xi32, #tpu.memory_space<vmem>> -> memref<120xi32, #tpu.memory_space<vmem>>
        %dma_wait3A_74 = arith.constant 0 : i32
        %dma_wait3A_75 = arith.constant 0 : i32
        %dma_wait3A_76 = tpu.memref_slice %arg2[%dma_wait3A_74, %dma_wait3A_75] : memref<10240x128xf32, #tpu.memory_space<hbm>> -> memref<10240x128xf32, #tpu.memory_space<hbm>>
        tpu.wait_indirect_dma semaphore(%arg12 : memref<!tpu.dma_semaphore, #tpu.memory_space<semaphore_mem>>) src(%dma_wait3A_76 : memref<10240x128xf32, #tpu.memory_space<hbm>>) dst(%arg7 : memref<120x128xf32, #tpu.memory_space<vmem>>)
        %dma_start3A_77 = arith.constant 0 : i32
        %dma_start3A_78 = arith.constant 0 : i32
        %dma_start3A_79 = tpu.memref_slice %arg6[%dma_start3A_77, %dma_start3A_78] : memref<2x120xi32, #tpu.memory_space<vmem>> -> memref<1x120xi32, #tpu.memory_space<vmem>>
        %dma_start3A_80 = tpu.memref_squeeze %dma_start3A_79 : memref<1x120xi32, #tpu.memory_space<vmem>> -> memref<120xi32, #tpu.memory_space<vmem>>
        %dma_start3A_81 = arith.constant 0 : i32
        %dma_start3A_82 = arith.constant 0 : i32
        %dma_start3A_83 = tpu.memref_slice %arg2[%dma_start3A_81, %dma_start3A_82] : memref<10240x128xf32, #tpu.memory_space<hbm>> -> memref<10240x128xf32, #tpu.memory_space<hbm>>
        tpu.enqueue_indirect_dma source(%dma_start3A_83 : memref<10240x128xf32, #tpu.memory_space<hbm>>) target(%arg8 : memref<120x128xf32, #tpu.memory_space<vmem>>) offsets(%dma_start3A_80 : memref<120xi32, #tpu.memory_space<vmem>>) semaphore(%arg13 : memref<!tpu.dma_semaphore, #tpu.memory_space<semaphore_mem>>)
        %run_scoped3A = arith.constant 1 : i32
        "tpu.region"() ({
          %run_scoped3A_114 = tpu.sem_alloc : memref<!tpu.dma_semaphore, #tpu.memory_space<semaphore_mem>>
          %dma_start3A_115 = arith.constant 0 : i32
          %dma_start3A_116 = tpu.memref_slice %arg5[%run_scoped3A, %dma_start3A_115] : memref<2x120xi32, #tpu.memory_space<vmem>> -> memref<1x120xi32, #tpu.memory_space<vmem>>
          %dma_start3A_117 = tpu.memref_squeeze %dma_start3A_116 : memref<1x120xi32, #tpu.memory_space<vmem>> -> memref<120xi32, #tpu.memory_space<vmem>>
          %dma_start3A_118 = arith.constant 0 : i32
          %dma_start3A_119 = arith.constant 0 : i32
          %dma_start3A_120 = tpu.memref_slice %arg9[%dma_start3A_118, %dma_start3A_119] : memref<10000x128xf32, #tpu.memory_space<vmem_shared>> -> memref<10000x128xf32, #tpu.memory_space<vmem_shared>>
          tpu.enqueue_indirect_dma source(%arg7 : memref<120x128xf32, #tpu.memory_space<vmem>>) target(%dma_start3A_120 : memref<10000x128xf32, #tpu.memory_space<vmem_shared>>) offsets(%dma_start3A_117 : memref<120xi32, #tpu.memory_space<vmem>>) semaphore(%run_scoped3A_114 : memref<!tpu.dma_semaphore, #tpu.memory_space<semaphore_mem>>) {add = true}
          %dma_wait3A_121 = arith.constant 0 : i32
          %dma_wait3A_122 = tpu.memref_slice %arg5[%run_scoped3A, %dma_wait3A_121] : memref<2x120xi32, #tpu.memory_space<vmem>> -> memref<1x120xi32, #tpu.memory_space<vmem>>
          %dma_wait3A_123 = tpu.memref_squeeze %dma_wait3A_122 : memref<1x120xi32, #tpu.memory_space<vmem>> -> memref<120xi32, #tpu.memory_space<vmem>>
          %dma_wait3A_124 = arith.constant 0 : i32
          %dma_wait3A_125 = arith.constant 0 : i32
          %dma_wait3A_126 = tpu.memref_slice %arg9[%dma_wait3A_124, %dma_wait3A_125] : memref<10000x128xf32, #tpu.memory_space<vmem_shared>> -> memref<10000x128xf32, #tpu.memory_space<vmem_shared>>
          tpu.wait_indirect_dma semaphore(%run_scoped3A_114 : memref<!tpu.dma_semaphore, #tpu.memory_space<semaphore_mem>>) src(%arg7 : memref<120x128xf32, #tpu.memory_space<vmem>>) dst(%dma_wait3A_126 : memref<10000x128xf32, #tpu.memory_space<vmem_shared>>)
          tpu.yield
        }) : () -> ()
        %add3A_84 = arith.constant 2 : i32
        %add3A_85 = arith.addi %mul3A_59, %add3A_84 : i32
        %lt3A_86 = arith.constant 112 : i32
        %lt3A_87 = arith.cmpi slt, %add3A_85, %lt3A_86 : i32
        %convert_element_type3A_88 = arith.extui %lt3A_87 : i1 to i32
        %cond3A_89 = arith.constant 0 : i32
        %cond3A_90 = arith.cmpi ne, %convert_element_type3A_88, %cond3A_89 : i32
        scf.if %cond3A_90 {
          %add3A_114 = arith.constant 2 : i32
          %add3A_115 = arith.addi %mul3A_59, %add3A_114 : i32
          %dma_start3A_116 = arith.constant 0 : i32
          %dma_start3A_117 = arith.constant 0 : i32
          %dma_start3A_118 = tpu.memref_slice %arg3[%add3A, %add3A_115, %dma_start3A_116, %dma_start3A_117] : memref<32x114x2x120xi32, #tpu.memory_space<hbm>> -> memref<1x1x2x120xi32, #tpu.memory_space<hbm>>
          %dma_start3A_119 = tpu.memref_squeeze %dma_start3A_118 : memref<1x1x2x120xi32, #tpu.memory_space<hbm>> -> memref<2x120xi32, #tpu.memory_space<hbm>>
          %dma_start3A_120 = arith.constant 0 : i32
          %dma_start3A_121 = arith.constant 0 : i32
          %dma_start3A_122 = tpu.memref_slice %arg3[%add3A, %add3A_115, %dma_start3A_120, %dma_start3A_121] : memref<32x114x2x120xi32, #tpu.memory_space<hbm>> -> memref<1x1x2x120xi32, #tpu.memory_space<hbm>>
          %dma_start3A_123 = tpu.memref_squeeze %dma_start3A_122 : memref<1x1x2x120xi32, #tpu.memory_space<hbm>> -> memref<2x120xi32, #tpu.memory_space<hbm>>
          tpu.enqueue_dma source(%dma_start3A_123 : memref<2x120xi32, #tpu.memory_space<hbm>>) target(%arg5 : memref<2x120xi32, #tpu.memory_space<vmem>>) target_semaphore(%arg10 : memref<!tpu.dma_semaphore, #tpu.memory_space<semaphore_mem>>)
        } else {
        }
        %dma_wait3A_91 = arith.constant 0 : i32
        %dma_wait3A_92 = arith.constant 0 : i32
        %dma_wait3A_93 = tpu.memref_slice %arg6[%dma_wait3A_91, %dma_wait3A_92] : memref<2x120xi32, #tpu.memory_space<vmem>> -> memref<1x120xi32, #tpu.memory_space<vmem>>
        %dma_wait3A_94 = tpu.memref_squeeze %dma_wait3A_93 : memref<1x120xi32, #tpu.memory_space<vmem>> -> memref<120xi32, #tpu.memory_space<vmem>>
        %dma_wait3A_95 = arith.constant 0 : i32
        %dma_wait3A_96 = arith.constant 0 : i32
        %dma_wait3A_97 = tpu.memref_slice %arg2[%dma_wait3A_95, %dma_wait3A_96] : memref<10240x128xf32, #tpu.memory_space<hbm>> -> memref<10240x128xf32, #tpu.memory_space<hbm>>
        tpu.wait_indirect_dma semaphore(%arg13 : memref<!tpu.dma_semaphore, #tpu.memory_space<semaphore_mem>>) src(%dma_wait3A_97 : memref<10240x128xf32, #tpu.memory_space<hbm>>) dst(%arg8 : memref<120x128xf32, #tpu.memory_space<vmem>>)
        %add3A_98 = arith.constant 2 : i32
        %add3A_99 = arith.addi %mul3A_59, %add3A_98 : i32
        %lt3A_100 = arith.constant 112 : i32
        %lt3A_101 = arith.cmpi slt, %add3A_99, %lt3A_100 : i32
        %convert_element_type3A_102 = arith.extui %lt3A_101 : i1 to i32
        %cond3A_103 = arith.constant 0 : i32
        %cond3A_104 = arith.cmpi ne, %convert_element_type3A_102, %cond3A_103 : i32
        scf.if %cond3A_104 {
          %add3A_114 = arith.constant 2 : i32
          %add3A_115 = arith.addi %mul3A_59, %add3A_114 : i32
          %dma_wait3A_116 = arith.constant 0 : i32
          %dma_wait3A_117 = arith.constant 0 : i32
          %dma_wait3A_118 = tpu.memref_slice %arg3[%add3A, %add3A_115, %dma_wait3A_116, %dma_wait3A_117] : memref<32x114x2x120xi32, #tpu.memory_space<hbm>> -> memref<1x1x2x120xi32, #tpu.memory_space<hbm>>
          %dma_wait3A_119 = tpu.memref_squeeze %dma_wait3A_118 : memref<1x1x2x120xi32, #tpu.memory_space<hbm>> -> memref<2x120xi32, #tpu.memory_space<hbm>>
          %dma_wait3A_120 = arith.constant 0 : i32
          %dma_wait3A_121 = arith.constant 0 : i32
          %dma_wait3A_122 = tpu.memref_slice %arg3[%add3A, %add3A_115, %dma_wait3A_120, %dma_wait3A_121] : memref<32x114x2x120xi32, #tpu.memory_space<hbm>> -> memref<1x1x2x120xi32, #tpu.memory_space<hbm>>
          %dma_wait3A_123 = tpu.memref_squeeze %dma_wait3A_122 : memref<1x1x2x120xi32, #tpu.memory_space<hbm>> -> memref<2x120xi32, #tpu.memory_space<hbm>>
          tpu.wait_dma2 semaphore(%arg10 : memref<!tpu.dma_semaphore, #tpu.memory_space<semaphore_mem>>) src(%dma_wait3A_123 : memref<2x120xi32, #tpu.memory_space<hbm>>) dst(%arg5 : memref<2x120xi32, #tpu.memory_space<vmem>>)
          %dma_start3A_124 = arith.constant 0 : i32
          %dma_start3A_125 = arith.constant 0 : i32
          %dma_start3A_126 = tpu.memref_slice %arg5[%dma_start3A_124, %dma_start3A_125] : memref<2x120xi32, #tpu.memory_space<vmem>> -> memref<1x120xi32, #tpu.memory_space<vmem>>
          %dma_start3A_127 = tpu.memref_squeeze %dma_start3A_126 : memref<1x120xi32, #tpu.memory_space<vmem>> -> memref<120xi32, #tpu.memory_space<vmem>>
          %dma_start3A_128 = arith.constant 0 : i32
          %dma_start3A_129 = arith.constant 0 : i32
          %dma_start3A_130 = tpu.memref_slice %arg2[%dma_start3A_128, %dma_start3A_129] : memref<10240x128xf32, #tpu.memory_space<hbm>> -> memref<10240x128xf32, #tpu.memory_space<hbm>>
          tpu.enqueue_indirect_dma source(%dma_start3A_130 : memref<10240x128xf32, #tpu.memory_space<hbm>>) target(%arg7 : memref<120x128xf32, #tpu.memory_space<vmem>>) offsets(%dma_start3A_127 : memref<120xi32, #tpu.memory_space<vmem>>) semaphore(%arg12 : memref<!tpu.dma_semaphore, #tpu.memory_space<semaphore_mem>>)
        } else {
        }
        %run_scoped3A_105 = arith.constant 1 : i32
        "tpu.region"() ({
          %run_scoped3A_114 = tpu.sem_alloc : memref<!tpu.dma_semaphore, #tpu.memory_space<semaphore_mem>>
          %dma_start3A_115 = arith.constant 0 : i32
          %dma_start3A_116 = tpu.memref_slice %arg6[%run_scoped3A_105, %dma_start3A_115] : memref<2x120xi32, #tpu.memory_space<vmem>> -> memref<1x120xi32, #tpu.memory_space<vmem>>
          %dma_start3A_117 = tpu.memref_squeeze %dma_start3A_116 : memref<1x120xi32, #tpu.memory_space<vmem>> -> memref<120xi32, #tpu.memory_space<vmem>>
          %dma_start3A_118 = arith.constant 0 : i32
          %dma_start3A_119 = arith.constant 0 : i32
          %dma_start3A_120 = tpu.memref_slice %arg9[%dma_start3A_118, %dma_start3A_119] : memref<10000x128xf32, #tpu.memory_space<vmem_shared>> -> memref<10000x128xf32, #tpu.memory_space<vmem_shared>>
          tpu.enqueue_indirect_dma source(%arg8 : memref<120x128xf32, #tpu.memory_space<vmem>>) target(%dma_start3A_120 : memref<10000x128xf32, #tpu.memory_space<vmem_shared>>) offsets(%dma_start3A_117 : memref<120xi32, #tpu.memory_space<vmem>>) semaphore(%run_scoped3A_114 : memref<!tpu.dma_semaphore, #tpu.memory_space<semaphore_mem>>) {add = true}
          %dma_wait3A_121 = arith.constant 0 : i32
          %dma_wait3A_122 = tpu.memref_slice %arg6[%run_scoped3A_105, %dma_wait3A_121] : memref<2x120xi32, #tpu.memory_space<vmem>> -> memref<1x120xi32, #tpu.memory_space<vmem>>
          %dma_wait3A_123 = tpu.memref_squeeze %dma_wait3A_122 : memref<1x120xi32, #tpu.memory_space<vmem>> -> memref<120xi32, #tpu.memory_space<vmem>>
          %dma_wait3A_124 = arith.constant 0 : i32
          %dma_wait3A_125 = arith.constant 0 : i32
          %dma_wait3A_126 = tpu.memref_slice %arg9[%dma_wait3A_124, %dma_wait3A_125] : memref<10000x128xf32, #tpu.memory_space<vmem_shared>> -> memref<10000x128xf32, #tpu.memory_space<vmem_shared>>
          tpu.wait_indirect_dma semaphore(%run_scoped3A_114 : memref<!tpu.dma_semaphore, #tpu.memory_space<semaphore_mem>>) src(%arg8 : memref<120x128xf32, #tpu.memory_space<vmem>>) dst(%dma_wait3A_126 : memref<10000x128xf32, #tpu.memory_space<vmem_shared>>)
          tpu.yield
        }) : () -> ()
        %add3A_106 = arith.constant 3 : i32
        %add3A_107 = arith.addi %mul3A_59, %add3A_106 : i32
        %lt3A_108 = arith.constant 112 : i32
        %lt3A_109 = arith.cmpi slt, %add3A_107, %lt3A_108 : i32
        %convert_element_type3A_110 = arith.extui %lt3A_109 : i1 to i32
        %cond3A_111 = arith.constant 0 : i32
        %cond3A_112 = arith.cmpi ne, %convert_element_type3A_110, %cond3A_111 : i32
        scf.if %cond3A_112 {
          %add3A_114 = arith.constant 3 : i32
          %add3A_115 = arith.addi %mul3A_59, %add3A_114 : i32
          %dma_start3A_116 = arith.constant 0 : i32
          %dma_start3A_117 = arith.constant 0 : i32
          %dma_start3A_118 = tpu.memref_slice %arg3[%add3A, %add3A_115, %dma_start3A_116, %dma_start3A_117] : memref<32x114x2x120xi32, #tpu.memory_space<hbm>> -> memref<1x1x2x120xi32, #tpu.memory_space<hbm>>
          %dma_start3A_119 = tpu.memref_squeeze %dma_start3A_118 : memref<1x1x2x120xi32, #tpu.memory_space<hbm>> -> memref<2x120xi32, #tpu.memory_space<hbm>>
          %dma_start3A_120 = arith.constant 0 : i32
          %dma_start3A_121 = arith.constant 0 : i32
          %dma_start3A_122 = tpu.memref_slice %arg3[%add3A, %add3A_115, %dma_start3A_120, %dma_start3A_121] : memref<32x114x2x120xi32, #tpu.memory_space<hbm>> -> memref<1x1x2x120xi32, #tpu.memory_space<hbm>>
          %dma_start3A_123 = tpu.memref_squeeze %dma_start3A_122 : memref<1x1x2x120xi32, #tpu.memory_space<hbm>> -> memref<2x120xi32, #tpu.memory_space<hbm>>
          tpu.enqueue_dma source(%dma_start3A_123 : memref<2x120xi32, #tpu.memory_space<hbm>>) target(%arg6 : memref<2x120xi32, #tpu.memory_space<vmem>>) target_semaphore(%arg11 : memref<!tpu.dma_semaphore, #tpu.memory_space<semaphore_mem>>)
        } else {
        }
        %scan3A_113 = arith.constant 0 : i32
        scf.yield %scan3A_113 : i32
      }
      %scan3A_55 = arith.constant 56 : i32
    } else {
    }
    %eq3A_7 = arith.constant 1 : i32
    %eq3A_8 = arith.cmpi eq, %arg0, %eq3A_7 : i32
    %convert_element_type3A_9 = arith.extui %eq3A_8 : i1 to i32
    %cond3A_10 = arith.constant 0 : i32
    %cond3A_11 = arith.cmpi ne, %convert_element_type3A_9, %cond3A_10 : i32
    scf.if %cond3A_11 {
      %dma_start3A = arith.constant 0 : i32
      %dma_start3A_18 = arith.constant 0 : i32
      %dma_start3A_19 = arith.constant 0 : i32
      %dma_start3A_20 = tpu.memref_slice %arg3[%add3A, %dma_start3A, %dma_start3A_18, %dma_start3A_19] : memref<32x114x2x120xi32, #tpu.memory_space<hbm>> -> memref<1x1x2x120xi32, #tpu.memory_space<hbm>>
      %dma_start3A_21 = tpu.memref_squeeze %dma_start3A_20 : memref<1x1x2x120xi32, #tpu.memory_space<hbm>> -> memref<2x120xi32, #tpu.memory_space<hbm>>
      %dma_start3A_22 = arith.constant 0 : i32
      %dma_start3A_23 = arith.constant 0 : i32
      %dma_start3A_24 = tpu.memref_slice %arg3[%add3A, %dma_start3A, %dma_start3A_22, %dma_start3A_23] : memref<32x114x2x120xi32, #tpu.memory_space<hbm>> -> memref<1x1x2x120xi32, #tpu.memory_space<hbm>>
      %dma_start3A_25 = tpu.memref_squeeze %dma_start3A_24 : memref<1x1x2x120xi32, #tpu.memory_space<hbm>> -> memref<2x120xi32, #tpu.memory_space<hbm>>
      tpu.enqueue_dma source(%dma_start3A_25 : memref<2x120xi32, #tpu.memory_space<hbm>>) target(%arg5 : memref<2x120xi32, #tpu.memory_space<vmem>>) target_semaphore(%arg10 : memref<!tpu.dma_semaphore, #tpu.memory_space<semaphore_mem>>)
      %scan3A = arith.constant 0 : i32
      %scan3A_26 = arith.constant 0 : i32
      %scan3A_27 = arith.constant 28 : i32
      %scan3A_28 = arith.addi %scan3A_26, %scan3A_27 : i32
      %scan3A_29 = arith.constant 1 : i32
      %scan3A_30 = scf.for %scan3A_40 = %scan3A_26 to %scan3A_28 step %scan3A_29 iter_args(%scan3A_41 = %scan3A) -> (i32)  : i32 {
        %mul3A_42 = arith.constant 2 : i32
        %mul3A_43 = arith.muli %mul3A_42, %scan3A_40 : i32
        %add3A_44 = arith.constant 1 : i32
        %add3A_45 = arith.addi %mul3A_43, %add3A_44 : i32
        %dma_start3A_46 = arith.constant 0 : i32
        %dma_start3A_47 = arith.constant 0 : i32
        %dma_start3A_48 = tpu.memref_slice %arg3[%add3A, %add3A_45, %dma_start3A_46, %dma_start3A_47] : memref<32x114x2x120xi32, #tpu.memory_space<hbm>> -> memref<1x1x2x120xi32, #tpu.memory_space<hbm>>
        %dma_start3A_49 = tpu.memref_squeeze %dma_start3A_48 : memref<1x1x2x120xi32, #tpu.memory_space<hbm>> -> memref<2x120xi32, #tpu.memory_space<hbm>>
        %dma_start3A_50 = arith.constant 0 : i32
        %dma_start3A_51 = arith.constant 0 : i32
        %dma_start3A_52 = tpu.memref_slice %arg3[%add3A, %add3A_45, %dma_start3A_50, %dma_start3A_51] : memref<32x114x2x120xi32, #tpu.memory_space<hbm>> -> memref<1x1x2x120xi32, #tpu.memory_space<hbm>>
        %dma_start3A_53 = tpu.memref_squeeze %dma_start3A_52 : memref<1x1x2x120xi32, #tpu.memory_space<hbm>> -> memref<2x120xi32, #tpu.memory_space<hbm>>
        tpu.enqueue_dma source(%dma_start3A_53 : memref<2x120xi32, #tpu.memory_space<hbm>>) target(%arg6 : memref<2x120xi32, #tpu.memory_space<vmem>>) target_semaphore(%arg11 : memref<!tpu.dma_semaphore, #tpu.memory_space<semaphore_mem>>)
        %dma_wait3A_54 = arith.constant 0 : i32
        %dma_wait3A_55 = arith.constant 0 : i32
        %dma_wait3A_56 = tpu.memref_slice %arg3[%add3A, %mul3A_43, %dma_wait3A_54, %dma_wait3A_55] : memref<32x114x2x120xi32, #tpu.memory_space<hbm>> -> memref<1x1x2x120xi32, #tpu.memory_space<hbm>>
        %dma_wait3A_57 = tpu.memref_squeeze %dma_wait3A_56 : memref<1x1x2x120xi32, #tpu.memory_space<hbm>> -> memref<2x120xi32, #tpu.memory_space<hbm>>
        %dma_wait3A_58 = arith.constant 0 : i32
        %dma_wait3A_59 = arith.constant 0 : i32
        %dma_wait3A_60 = tpu.memref_slice %arg3[%add3A, %mul3A_43, %dma_wait3A_58, %dma_wait3A_59] : memref<32x114x2x120xi32, #tpu.memory_space<hbm>> -> memref<1x1x2x120xi32, #tpu.memory_space<hbm>>
        %dma_wait3A_61 = tpu.memref_squeeze %dma_wait3A_60 : memref<1x1x2x120xi32, #tpu.memory_space<hbm>> -> memref<2x120xi32, #tpu.memory_space<hbm>>
        tpu.wait_dma2 semaphore(%arg10 : memref<!tpu.dma_semaphore, #tpu.memory_space<semaphore_mem>>) src(%dma_wait3A_61 : memref<2x120xi32, #tpu.memory_space<hbm>>) dst(%arg5 : memref<2x120xi32, #tpu.memory_space<vmem>>)
        %dma_start3A_62 = arith.constant 0 : i32
        %dma_start3A_63 = arith.constant 0 : i32
        %dma_start3A_64 = tpu.memref_slice %arg5[%dma_start3A_62, %dma_start3A_63] : memref<2x120xi32, #tpu.memory_space<vmem>> -> memref<1x120xi32, #tpu.memory_space<vmem>>
        %dma_start3A_65 = tpu.memref_squeeze %dma_start3A_64 : memref<1x120xi32, #tpu.memory_space<vmem>> -> memref<120xi32, #tpu.memory_space<vmem>>
        %dma_start3A_66 = arith.constant 0 : i32
        %dma_start3A_67 = arith.constant 0 : i32
        %dma_start3A_68 = tpu.memref_slice %arg2[%dma_start3A_66, %dma_start3A_67] : memref<10240x128xf32, #tpu.memory_space<hbm>> -> memref<10240x128xf32, #tpu.memory_space<hbm>>
        tpu.enqueue_indirect_dma source(%dma_start3A_68 : memref<10240x128xf32, #tpu.memory_space<hbm>>) target(%arg7 : memref<120x128xf32, #tpu.memory_space<vmem>>) offsets(%dma_start3A_65 : memref<120xi32, #tpu.memory_space<vmem>>) semaphore(%arg12 : memref<!tpu.dma_semaphore, #tpu.memory_space<semaphore_mem>>)
        %dma_wait3A_69 = arith.constant 0 : i32
        %dma_wait3A_70 = arith.constant 0 : i32
        %dma_wait3A_71 = tpu.memref_slice %arg5[%dma_wait3A_69, %dma_wait3A_70] : memref<2x120xi32, #tpu.memory_space<vmem>> -> memref<1x120xi32, #tpu.memory_space<vmem>>
        %dma_wait3A_72 = tpu.memref_squeeze %dma_wait3A_71 : memref<1x120xi32, #tpu.memory_space<vmem>> -> memref<120xi32, #tpu.memory_space<vmem>>
        %dma_wait3A_73 = arith.constant 0 : i32
        %dma_wait3A_74 = arith.constant 0 : i32
        %dma_wait3A_75 = tpu.memref_slice %arg2[%dma_wait3A_73, %dma_wait3A_74] : memref<10240x128xf32, #tpu.memory_space<hbm>> -> memref<10240x128xf32, #tpu.memory_space<hbm>>
        tpu.wait_indirect_dma semaphore(%arg12 : memref<!tpu.dma_semaphore, #tpu.memory_space<semaphore_mem>>) src(%dma_wait3A_75 : memref<10240x128xf32, #tpu.memory_space<hbm>>) dst(%arg7 : memref<120x128xf32, #tpu.memory_space<vmem>>)
        %run_scoped3A = arith.constant 1 : i32
        "tpu.region"() ({
          %run_scoped3A_112 = tpu.sem_alloc : memref<!tpu.dma_semaphore, #tpu.memory_space<semaphore_mem>>
          %dma_start3A_113 = arith.constant 0 : i32
          %dma_start3A_114 = tpu.memref_slice %arg5[%run_scoped3A, %dma_start3A_113] : memref<2x120xi32, #tpu.memory_space<vmem>> -> memref<1x120xi32, #tpu.memory_space<vmem>>
          %dma_start3A_115 = tpu.memref_squeeze %dma_start3A_114 : memref<1x120xi32, #tpu.memory_space<vmem>> -> memref<120xi32, #tpu.memory_space<vmem>>
          %dma_start3A_116 = arith.constant 0 : i32
          %dma_start3A_117 = arith.constant 0 : i32
          %dma_start3A_118 = tpu.memref_slice %arg9[%dma_start3A_116, %dma_start3A_117] : memref<10000x128xf32, #tpu.memory_space<vmem_shared>> -> memref<10000x128xf32, #tpu.memory_space<vmem_shared>>
          tpu.enqueue_indirect_dma source(%arg7 : memref<120x128xf32, #tpu.memory_space<vmem>>) target(%dma_start3A_118 : memref<10000x128xf32, #tpu.memory_space<vmem_shared>>) offsets(%dma_start3A_115 : memref<120xi32, #tpu.memory_space<vmem>>) semaphore(%run_scoped3A_112 : memref<!tpu.dma_semaphore, #tpu.memory_space<semaphore_mem>>) {add = true}
          %dma_wait3A_119 = arith.constant 0 : i32
          %dma_wait3A_120 = tpu.memref_slice %arg5[%run_scoped3A, %dma_wait3A_119] : memref<2x120xi32, #tpu.memory_space<vmem>> -> memref<1x120xi32, #tpu.memory_space<vmem>>
          %dma_wait3A_121 = tpu.memref_squeeze %dma_wait3A_120 : memref<1x120xi32, #tpu.memory_space<vmem>> -> memref<120xi32, #tpu.memory_space<vmem>>
          %dma_wait3A_122 = arith.constant 0 : i32
          %dma_wait3A_123 = arith.constant 0 : i32
          %dma_wait3A_124 = tpu.memref_slice %arg9[%dma_wait3A_122, %dma_wait3A_123] : memref<10000x128xf32, #tpu.memory_space<vmem_shared>> -> memref<10000x128xf32, #tpu.memory_space<vmem_shared>>
          tpu.wait_indirect_dma semaphore(%run_scoped3A_112 : memref<!tpu.dma_semaphore, #tpu.memory_space<semaphore_mem>>) src(%arg7 : memref<120x128xf32, #tpu.memory_space<vmem>>) dst(%dma_wait3A_124 : memref<10000x128xf32, #tpu.memory_space<vmem_shared>>)
          tpu.yield
        }) : () -> ()
        %add3A_76 = arith.constant 2 : i32
        %add3A_77 = arith.addi %mul3A_43, %add3A_76 : i32
        %dma_start3A_78 = arith.constant 0 : i32
        %dma_start3A_79 = arith.constant 0 : i32
        %dma_start3A_80 = tpu.memref_slice %arg3[%add3A, %add3A_77, %dma_start3A_78, %dma_start3A_79] : memref<32x114x2x120xi32, #tpu.memory_space<hbm>> -> memref<1x1x2x120xi32, #tpu.memory_space<hbm>>
        %dma_start3A_81 = tpu.memref_squeeze %dma_start3A_80 : memref<1x1x2x120xi32, #tpu.memory_space<hbm>> -> memref<2x120xi32, #tpu.memory_space<hbm>>
        %dma_start3A_82 = arith.constant 0 : i32
        %dma_start3A_83 = arith.constant 0 : i32
        %dma_start3A_84 = tpu.memref_slice %arg3[%add3A, %add3A_77, %dma_start3A_82, %dma_start3A_83] : memref<32x114x2x120xi32, #tpu.memory_space<hbm>> -> memref<1x1x2x120xi32, #tpu.memory_space<hbm>>
        %dma_start3A_85 = tpu.memref_squeeze %dma_start3A_84 : memref<1x1x2x120xi32, #tpu.memory_space<hbm>> -> memref<2x120xi32, #tpu.memory_space<hbm>>
        tpu.enqueue_dma source(%dma_start3A_85 : memref<2x120xi32, #tpu.memory_space<hbm>>) target(%arg5 : memref<2x120xi32, #tpu.memory_space<vmem>>) target_semaphore(%arg10 : memref<!tpu.dma_semaphore, #tpu.memory_space<semaphore_mem>>)
        %add3A_86 = arith.constant 1 : i32
        %add3A_87 = arith.addi %mul3A_43, %add3A_86 : i32
        %dma_wait3A_88 = arith.constant 0 : i32
        %dma_wait3A_89 = arith.constant 0 : i32
        %dma_wait3A_90 = tpu.memref_slice %arg3[%add3A, %add3A_87, %dma_wait3A_88, %dma_wait3A_89] : memref<32x114x2x120xi32, #tpu.memory_space<hbm>> -> memref<1x1x2x120xi32, #tpu.memory_space<hbm>>
        %dma_wait3A_91 = tpu.memref_squeeze %dma_wait3A_90 : memref<1x1x2x120xi32, #tpu.memory_space<hbm>> -> memref<2x120xi32, #tpu.memory_space<hbm>>
        %dma_wait3A_92 = arith.constant 0 : i32
        %dma_wait3A_93 = arith.constant 0 : i32
        %dma_wait3A_94 = tpu.memref_slice %arg3[%add3A, %add3A_87, %dma_wait3A_92, %dma_wait3A_93] : memref<32x114x2x120xi32, #tpu.memory_space<hbm>> -> memref<1x1x2x120xi32, #tpu.memory_space<hbm>>
        %dma_wait3A_95 = tpu.memref_squeeze %dma_wait3A_94 : memref<1x1x2x120xi32, #tpu.memory_space<hbm>> -> memref<2x120xi32, #tpu.memory_space<hbm>>
        tpu.wait_dma2 semaphore(%arg11 : memref<!tpu.dma_semaphore, #tpu.memory_space<semaphore_mem>>) src(%dma_wait3A_95 : memref<2x120xi32, #tpu.memory_space<hbm>>) dst(%arg6 : memref<2x120xi32, #tpu.memory_space<vmem>>)
        %dma_start3A_96 = arith.constant 0 : i32
        %dma_start3A_97 = arith.constant 0 : i32
        %dma_start3A_98 = tpu.memref_slice %arg6[%dma_start3A_96, %dma_start3A_97] : memref<2x120xi32, #tpu.memory_space<vmem>> -> memref<1x120xi32, #tpu.memory_space<vmem>>
        %dma_start3A_99 = tpu.memref_squeeze %dma_start3A_98 : memref<1x120xi32, #tpu.memory_space<vmem>> -> memref<120xi32, #tpu.memory_space<vmem>>
        %dma_start3A_100 = arith.constant 0 : i32
        %dma_start3A_101 = arith.constant 0 : i32
        %dma_start3A_102 = tpu.memref_slice %arg2[%dma_start3A_100, %dma_start3A_101] : memref<10240x128xf32, #tpu.memory_space<hbm>> -> memref<10240x128xf32, #tpu.memory_space<hbm>>
        tpu.enqueue_indirect_dma source(%dma_start3A_102 : memref<10240x128xf32, #tpu.memory_space<hbm>>) target(%arg7 : memref<120x128xf32, #tpu.memory_space<vmem>>) offsets(%dma_start3A_99 : memref<120xi32, #tpu.memory_space<vmem>>) semaphore(%arg12 : memref<!tpu.dma_semaphore, #tpu.memory_space<semaphore_mem>>)
        %dma_wait3A_103 = arith.constant 0 : i32
        %dma_wait3A_104 = arith.constant 0 : i32
        %dma_wait3A_105 = tpu.memref_slice %arg6[%dma_wait3A_103, %dma_wait3A_104] : memref<2x120xi32, #tpu.memory_space<vmem>> -> memref<1x120xi32, #tpu.memory_space<vmem>>
        %dma_wait3A_106 = tpu.memref_squeeze %dma_wait3A_105 : memref<1x120xi32, #tpu.memory_space<vmem>> -> memref<120xi32, #tpu.memory_space<vmem>>
        %dma_wait3A_107 = arith.constant 0 : i32
        %dma_wait3A_108 = arith.constant 0 : i32
        %dma_wait3A_109 = tpu.memref_slice %arg2[%dma_wait3A_107, %dma_wait3A_108] : memref<10240x128xf32, #tpu.memory_space<hbm>> -> memref<10240x128xf32, #tpu.memory_space<hbm>>
        tpu.wait_indirect_dma semaphore(%arg12 : memref<!tpu.dma_semaphore, #tpu.memory_space<semaphore_mem>>) src(%dma_wait3A_109 : memref<10240x128xf32, #tpu.memory_space<hbm>>) dst(%arg7 : memref<120x128xf32, #tpu.memory_space<vmem>>)
        %run_scoped3A_110 = arith.constant 1 : i32
        "tpu.region"() ({
          %run_scoped3A_112 = tpu.sem_alloc : memref<!tpu.dma_semaphore, #tpu.memory_space<semaphore_mem>>
          %dma_start3A_113 = arith.constant 0 : i32
          %dma_start3A_114 = tpu.memref_slice %arg6[%run_scoped3A_110, %dma_start3A_113] : memref<2x120xi32, #tpu.memory_space<vmem>> -> memref<1x120xi32, #tpu.memory_space<vmem>>
          %dma_start3A_115 = tpu.memref_squeeze %dma_start3A_114 : memref<1x120xi32, #tpu.memory_space<vmem>> -> memref<120xi32, #tpu.memory_space<vmem>>
          %dma_start3A_116 = arith.constant 0 : i32
          %dma_start3A_117 = arith.constant 0 : i32
          %dma_start3A_118 = tpu.memref_slice %arg9[%dma_start3A_116, %dma_start3A_117] : memref<10000x128xf32, #tpu.memory_space<vmem_shared>> -> memref<10000x128xf32, #tpu.memory_space<vmem_shared>>
          tpu.enqueue_indirect_dma source(%arg7 : memref<120x128xf32, #tpu.memory_space<vmem>>) target(%dma_start3A_118 : memref<10000x128xf32, #tpu.memory_space<vmem_shared>>) offsets(%dma_start3A_115 : memref<120xi32, #tpu.memory_space<vmem>>) semaphore(%run_scoped3A_112 : memref<!tpu.dma_semaphore, #tpu.memory_space<semaphore_mem>>) {add = true}
          %dma_wait3A_119 = arith.constant 0 : i32
          %dma_wait3A_120 = tpu.memref_slice %arg6[%run_scoped3A_110, %dma_wait3A_119] : memref<2x120xi32, #tpu.memory_space<vmem>> -> memref<1x120xi32, #tpu.memory_space<vmem>>
          %dma_wait3A_121 = tpu.memref_squeeze %dma_wait3A_120 : memref<1x120xi32, #tpu.memory_space<vmem>> -> memref<120xi32, #tpu.memory_space<vmem>>
          %dma_wait3A_122 = arith.constant 0 : i32
          %dma_wait3A_123 = arith.constant 0 : i32
          %dma_wait3A_124 = tpu.memref_slice %arg9[%dma_wait3A_122, %dma_wait3A_123] : memref<10000x128xf32, #tpu.memory_space<vmem_shared>> -> memref<10000x128xf32, #tpu.memory_space<vmem_shared>>
          tpu.wait_indirect_dma semaphore(%run_scoped3A_112 : memref<!tpu.dma_semaphore, #tpu.memory_space<semaphore_mem>>) src(%arg7 : memref<120x128xf32, #tpu.memory_space<vmem>>) dst(%dma_wait3A_124 : memref<10000x128xf32, #tpu.memory_space<vmem_shared>>)
          tpu.yield
        }) : () -> ()
        %scan3A_111 = arith.constant 0 : i32
        scf.yield %scan3A_111 : i32
      }
      %scan3A_31 = arith.constant 28 : i32
      %dma_wait3A = arith.constant 56 : i32
      %dma_wait3A_32 = arith.constant 0 : i32
      %dma_wait3A_33 = arith.constant 0 : i32
      %dma_wait3A_34 = tpu.memref_slice %arg3[%add3A, %dma_wait3A, %dma_wait3A_32, %dma_wait3A_33] : memref<32x114x2x120xi32, #tpu.memory_space<hbm>> -> memref<1x1x2x120xi32, #tpu.memory_space<hbm>>
      %dma_wait3A_35 = tpu.memref_squeeze %dma_wait3A_34 : memref<1x1x2x120xi32, #tpu.memory_space<hbm>> -> memref<2x120xi32, #tpu.memory_space<hbm>>
      %dma_wait3A_36 = arith.constant 0 : i32
      %dma_wait3A_37 = arith.constant 0 : i32
      %dma_wait3A_38 = tpu.memref_slice %arg3[%add3A, %dma_wait3A, %dma_wait3A_36, %dma_wait3A_37] : memref<32x114x2x120xi32, #tpu.memory_space<hbm>> -> memref<1x1x2x120xi32, #tpu.memory_space<hbm>>
      %dma_wait3A_39 = tpu.memref_squeeze %dma_wait3A_38 : memref<1x1x2x120xi32, #tpu.memory_space<hbm>> -> memref<2x120xi32, #tpu.memory_space<hbm>>
      tpu.wait_dma2 semaphore(%arg10 : memref<!tpu.dma_semaphore, #tpu.memory_space<semaphore_mem>>) src(%dma_wait3A_39 : memref<2x120xi32, #tpu.memory_space<hbm>>) dst(%arg5 : memref<2x120xi32, #tpu.memory_space<vmem>>)
    } else {
    }
    %barrier3A_12 = arith.constant 0 : index
    tpu.barrier barrier_id(%barrier3A_12)
    %lt3A_13 = arith.constant 10 : i32
    %lt3A_14 = arith.cmpi slt, %arg1, %lt3A_13 : i32
    %convert_element_type3A_15 = arith.extui %lt3A_14 : i1 to i32
    %cond3A_16 = arith.constant 0 : i32
    %cond3A_17 = arith.cmpi ne, %convert_element_type3A_15, %cond3A_16 : i32
    scf.if %cond3A_17 {
      %mul3A_18 = arith.constant 1000 : i32
      %mul3A_19 = arith.muli %arg1, %mul3A_18 : i32
      %mul3A_20 = arith.constant 1000 : i32
      %mul3A_21 = arith.muli %arg1, %mul3A_20 : i32
      "tpu.region"() ({
        %run_scoped3A = tpu.sem_alloc : memref<!tpu.dma_semaphore, #tpu.memory_space<semaphore_mem>>
        %dma_start3A = arith.constant 0 : i32
        %dma_start3A_22 = arith.constant 0 : i32
        %dma_start3A_23 = tpu.memref_slice %arg4[%arg0, %dma_start3A, %dma_start3A_22] : memref<2x10000x128xf32, #tpu.memory_space<hbm>> -> memref<1x10000x128xf32, #tpu.memory_space<hbm>>
        %dma_start3A_24 = tpu.memref_squeeze %dma_start3A_23 : memref<1x10000x128xf32, #tpu.memory_space<hbm>> -> memref<10000x128xf32, #tpu.memory_space<hbm>>
        %dma_start3A_25 = arith.constant 0 : i32
        %dma_start3A_26 = tpu.memref_slice %dma_start3A_24[%mul3A_21, %dma_start3A_25] : memref<10000x128xf32, #tpu.memory_space<hbm>> -> memref<1000x128xf32, #tpu.memory_space<hbm>>
        %dma_start3A_27 = arith.constant 0 : i32
        %dma_start3A_28 = tpu.memref_slice %arg9[%mul3A_19, %dma_start3A_27] : memref<10000x128xf32, #tpu.memory_space<vmem_shared>> -> memref<1000x128xf32, #tpu.memory_space<vmem_shared>>
        tpu.enqueue_dma source(%dma_start3A_28 : memref<1000x128xf32, #tpu.memory_space<vmem_shared>>) target(%dma_start3A_26 : memref<1000x128xf32, #tpu.memory_space<hbm>>) target_semaphore(%run_scoped3A : memref<!tpu.dma_semaphore, #tpu.memory_space<semaphore_mem>>)
        %dma_wait3A = arith.constant 0 : i32
        %dma_wait3A_29 = arith.constant 0 : i32
        %dma_wait3A_30 = tpu.memref_slice %arg4[%arg0, %dma_wait3A, %dma_wait3A_29] : memref<2x10000x128xf32, #tpu.memory_space<hbm>> -> memref<1x10000x128xf32, #tpu.memory_space<hbm>>
        %dma_wait3A_31 = tpu.memref_squeeze %dma_wait3A_30 : memref<1x10000x128xf32, #tpu.memory_space<hbm>> -> memref<10000x128xf32, #tpu.memory_space<hbm>>
        %dma_wait3A_32 = arith.constant 0 : i32
        %dma_wait3A_33 = tpu.memref_slice %dma_wait3A_31[%mul3A_21, %dma_wait3A_32] : memref<10000x128xf32, #tpu.memory_space<hbm>> -> memref<1000x128xf32, #tpu.memory_space<hbm>>
        %dma_wait3A_34 = arith.constant 0 : i32
        %dma_wait3A_35 = tpu.memref_slice %arg9[%mul3A_19, %dma_wait3A_34] : memref<10000x128xf32, #tpu.memory_space<vmem_shared>> -> memref<1000x128xf32, #tpu.memory_space<vmem_shared>>
        tpu.wait_dma2 semaphore(%run_scoped3A : memref<!tpu.dma_semaphore, #tpu.memory_space<semaphore_mem>>) src(%dma_wait3A_35 : memref<1000x128xf32, #tpu.memory_space<vmem_shared>>) dst(%dma_wait3A_33 : memref<1000x128xf32, #tpu.memory_space<hbm>>)
        tpu.yield
      }) : () -> ()
    } else {
    }
    return
  }
}

module attributes {stable_mosaic.version = 14 : i64} {
  func.func @_tc_layer_body(%arg0: memref<10240x128xf32, #tpu.memory_space<vmem>>, %arg1: memref<2x10000x128xf32, #tpu.memory_space<vmem>>, %arg2: memref<128x128xf32, #tpu.memory_space<vmem>>, %arg3: memref<1x128xf32, #tpu.memory_space<vmem>>, %arg4: memref<1x128xf32, #tpu.memory_space<vmem>>, %arg5: memref<1x128xf32, #tpu.memory_space<vmem>>, %arg6: memref<128x128xf32, #tpu.memory_space<vmem>>, %arg7: memref<1x128xf32, #tpu.memory_space<vmem>>, %arg8: memref<10240x128xf32, #tpu.memory_space<vmem>>) attributes {dimension_semantics = [], scalar_prefetch = 0 : i64, scratch_operands = 0 : i64, tpu.core_type = #tpu.core_type<tc>} {
    %get3A = arith.constant 0 : index
    %get3A_0 = arith.constant 0 : index
    %get3A_1 = vector.load %arg0[%get3A, %get3A_0] : memref<10240x128xf32, #tpu.memory_space<vmem>>, vector<10240x128xf32>
    %get3A_2 = arith.constant 0 : index
    %get3A_3 = arith.constant 0 : index
    %get3A_4 = arith.constant 0 : index
    %get3A_5 = vector.load %arg1[%get3A_2, %get3A_3, %get3A_4] : memref<2x10000x128xf32, #tpu.memory_space<vmem>>, vector<1x10000x128xf32>
    %get3A_6 = vector.shape_cast %get3A_5 : vector<1x10000x128xf32> to vector<10000x128xf32>
    %get3A_7 = arith.constant 1 : index
    %get3A_8 = arith.constant 0 : index
    %get3A_9 = arith.constant 0 : index
    %get3A_10 = vector.load %arg1[%get3A_7, %get3A_8, %get3A_9] : memref<2x10000x128xf32, #tpu.memory_space<vmem>>, vector<1x10000x128xf32>
    %get3A_11 = vector.shape_cast %get3A_10 : vector<1x10000x128xf32> to vector<10000x128xf32>
    %get3A_12 = arith.constant 0 : index
    %get3A_13 = arith.constant 0 : index
    %get3A_14 = vector.load %arg2[%get3A_12, %get3A_13] : memref<128x128xf32, #tpu.memory_space<vmem>>, vector<128x128xf32>
    %get3A_15 = arith.constant 0 : index
    %get3A_16 = arith.constant 0 : index
    %get3A_17 = vector.load %arg3[%get3A_15, %get3A_16] : memref<1x128xf32, #tpu.memory_space<vmem>>, vector<1x128xf32>
    %get3A_18 = arith.constant 0 : index
    %get3A_19 = arith.constant 0 : index
    %get3A_20 = vector.load %arg4[%get3A_18, %get3A_19] : memref<1x128xf32, #tpu.memory_space<vmem>>, vector<1x128xf32>
    %get3A_21 = arith.constant 0 : index
    %get3A_22 = arith.constant 0 : index
    %get3A_23 = vector.load %arg5[%get3A_21, %get3A_22] : memref<1x128xf32, #tpu.memory_space<vmem>>, vector<1x128xf32>
    %get3A_24 = arith.constant 0 : index
    %get3A_25 = arith.constant 0 : index
    %get3A_26 = vector.load %arg6[%get3A_24, %get3A_25] : memref<128x128xf32, #tpu.memory_space<vmem>>, vector<128x128xf32>
    %get3A_27 = arith.constant 0 : index
    %get3A_28 = arith.constant 0 : index
    %get3A_29 = vector.load %arg7[%get3A_27, %get3A_28] : memref<1x128xf32, #tpu.memory_space<vmem>>, vector<1x128xf32>
    %slice3A = vector.extract_strided_slice %get3A_1 {offsets = [0, 0], sizes = [10000, 128], strides = [1, 1]} : vector<10240x128xf32> to vector<10000x128xf32>
    %add3A = arith.addf %slice3A, %get3A_6 : vector<10000x128xf32>
    %add3A_30 = arith.addf %add3A, %get3A_11 : vector<10000x128xf32>
    %dot_general3A = arith.constant dense<0.000000e+00> : vector<10000x128xf32>
    %dot_general3A_31 = tpu.matmul %add3A_30, %get3A_14, %dot_general3A {dimension_numbers = #tpu.dot_dimension_numbers<[1], [0], [0], [1], [0, 0, 1, 1], [], []>, transpose_lhs_hint = false} : vector<10000x128xf32>, vector<128x128xf32>, vector<10000x128xf32> -> vector<10000x128xf32>
    %add3A_32 = vector.broadcast %get3A_17 : vector<1x128xf32> to vector<10000x128xf32>
    %add3A_33 = arith.addf %dot_general3A_31, %add3A_32 : vector<10000x128xf32>
    %reduce_sum3A = arith.constant dense<0.000000e+00> : vector<128xf32>
    %reduce_sum3A_34 = vector.multi_reduction <add>, %add3A_33, %reduce_sum3A [0] : vector<10000x128xf32> to vector<128xf32>
    %broadcast_in_dim3A = vector.shape_cast %reduce_sum3A_34 : vector<128xf32> to vector<1x128xf32>
    %div3A = arith.constant 1.000000e+04 : f32
    %div3A_35 = vector.broadcast %div3A : f32 to vector<1x128xf32>
    %div3A_36 = arith.divf %broadcast_in_dim3A, %div3A_35 : vector<1x128xf32>
    %sub3A = vector.broadcast %div3A_36 : vector<1x128xf32> to vector<10000x128xf32>
    %sub3A_37 = arith.subf %add3A_33, %sub3A : vector<10000x128xf32>
    %square3A = arith.mulf %sub3A_37, %sub3A_37 : vector<10000x128xf32>
    %reduce_sum3A_38 = arith.constant dense<0.000000e+00> : vector<128xf32>
    %reduce_sum3A_39 = vector.multi_reduction <add>, %square3A, %reduce_sum3A_38 [0] : vector<10000x128xf32> to vector<128xf32>
    %broadcast_in_dim3A_40 = vector.shape_cast %reduce_sum3A_39 : vector<128xf32> to vector<1x128xf32>
    %div3A_41 = arith.constant 1.000000e+04 : f32
    %div3A_42 = vector.broadcast %div3A_41 : f32 to vector<1x128xf32>
    %div3A_43 = arith.divf %broadcast_in_dim3A_40, %div3A_42 : vector<1x128xf32>
    %sub3A_44 = vector.broadcast %div3A_36 : vector<1x128xf32> to vector<10000x128xf32>
    %sub3A_45 = arith.subf %add3A_33, %sub3A_44 : vector<10000x128xf32>
    %add3A_46 = arith.constant 9.99999974E-6 : f32
    %add3A_47 = vector.broadcast %add3A_46 : f32 to vector<1x128xf32>
    %add3A_48 = arith.addf %div3A_43, %add3A_47 : vector<1x128xf32>
    %sqrt3A = math.sqrt %add3A_48 : vector<1x128xf32>
    %div3A_49 = vector.broadcast %sqrt3A : vector<1x128xf32> to vector<10000x128xf32>
    %div3A_50 = arith.divf %sub3A_45, %div3A_49 : vector<10000x128xf32>
    %mul3A = vector.broadcast %get3A_20 : vector<1x128xf32> to vector<10000x128xf32>
    %mul3A_51 = arith.mulf %div3A_50, %mul3A : vector<10000x128xf32>
    %add3A_52 = vector.broadcast %get3A_23 : vector<1x128xf32> to vector<10000x128xf32>
    %add3A_53 = arith.addf %mul3A_51, %add3A_52 : vector<10000x128xf32>
    %max3A = arith.constant 0.000000e+00 : f32
    %max3A_54 = vector.broadcast %max3A : f32 to vector<10000x128xf32>
    %max3A_55 = arith.maximumf %add3A_53, %max3A_54 : vector<10000x128xf32>
    %dot_general3A_56 = arith.constant dense<0.000000e+00> : vector<10000x128xf32>
    %dot_general3A_57 = tpu.matmul %max3A_55, %get3A_26, %dot_general3A_56 {dimension_numbers = #tpu.dot_dimension_numbers<[1], [0], [0], [1], [0, 0, 1, 1], [], []>, transpose_lhs_hint = false} : vector<10000x128xf32>, vector<128x128xf32>, vector<10000x128xf32> -> vector<10000x128xf32>
    %add3A_58 = vector.broadcast %get3A_29 : vector<1x128xf32> to vector<10000x128xf32>
    %add3A_59 = arith.addf %dot_general3A_57, %add3A_58 : vector<10000x128xf32>
    %max3A_60 = arith.constant 0.000000e+00 : f32
    %max3A_61 = vector.broadcast %max3A_60 : f32 to vector<10000x128xf32>
    %max3A_62 = arith.maximumf %add3A_59, %max3A_61 : vector<10000x128xf32>
    %swap3A = arith.constant 0 : index
    %swap3A_63 = arith.constant 0 : index
    %swap3A_64 = vector.load %arg8[%swap3A, %swap3A_63] : memref<10240x128xf32, #tpu.memory_space<vmem>>, vector<10000x128xf32>
    tpu.vector_store %arg8[%swap3A, %swap3A_63], %max3A_62 {strides = array<i32>} : memref<10240x128xf32, #tpu.memory_space<vmem>>, vector<10000x128xf32>,
    %broadcast_in_dim3A_65 = arith.constant 0.000000e+00 : f32
    %broadcast_in_dim3A_66 = vector.broadcast %broadcast_in_dim3A_65 : f32 to vector<240x128xf32>
    %swap3A_67 = arith.constant 10000 : index
    %swap3A_68 = arith.constant 0 : index
    %swap3A_69 = vector.load %arg8[%swap3A_67, %swap3A_68] : memref<10240x128xf32, #tpu.memory_space<vmem>>, vector<240x128xf32>
    tpu.vector_store %arg8[%swap3A_67, %swap3A_68], %broadcast_in_dim3A_66 {strides = array<i32>} : memref<10240x128xf32, #tpu.memory_space<vmem>>, vector<240x128xf32>,
    return
  }
}

module attributes {stable_mosaic.version = 14 : i64} {
  func.func @_tc_final_body(%arg0: memref<10240x128xf32, #tpu.memory_space<vmem>>, %arg1: memref<2x10000x128xf32, #tpu.memory_space<vmem>>, %arg2: memref<128x128xf32, #tpu.memory_space<vmem>>, %arg3: memref<1x128xf32, #tpu.memory_space<vmem>>, %arg4: memref<1x128xf32, #tpu.memory_space<vmem>>, %arg5: memref<1x128xf32, #tpu.memory_space<vmem>>, %arg6: memref<128x128xf32, #tpu.memory_space<vmem>>, %arg7: memref<1x128xf32, #tpu.memory_space<vmem>>, %arg8: memref<10000x1xi32, #tpu.memory_space<vmem>>, %arg9: memref<128x128xf32, #tpu.memory_space<vmem>>, %arg10: memref<1x128xf32, #tpu.memory_space<vmem>>, %arg11: memref<128x64xf32, #tpu.memory_space<vmem>>, %arg12: memref<1x64xf32, #tpu.memory_space<vmem>>, %arg13: memref<128x64xf32, #tpu.memory_space<vmem>>) attributes {dimension_semantics = [], scalar_prefetch = 0 : i64, scratch_operands = 0 : i64, tpu.core_type = #tpu.core_type<tc>} {
    %get3A = arith.constant 0 : index
    %get3A_0 = arith.constant 0 : index
    %get3A_1 = vector.load %arg0[%get3A, %get3A_0] : memref<10240x128xf32, #tpu.memory_space<vmem>>, vector<10240x128xf32>
    %get3A_2 = arith.constant 0 : index
    %get3A_3 = arith.constant 0 : index
    %get3A_4 = arith.constant 0 : index
    %get3A_5 = vector.load %arg1[%get3A_2, %get3A_3, %get3A_4] : memref<2x10000x128xf32, #tpu.memory_space<vmem>>, vector<1x10000x128xf32>
    %get3A_6 = vector.shape_cast %get3A_5 : vector<1x10000x128xf32> to vector<10000x128xf32>
    %get3A_7 = arith.constant 1 : index
    %get3A_8 = arith.constant 0 : index
    %get3A_9 = arith.constant 0 : index
    %get3A_10 = vector.load %arg1[%get3A_7, %get3A_8, %get3A_9] : memref<2x10000x128xf32, #tpu.memory_space<vmem>>, vector<1x10000x128xf32>
    %get3A_11 = vector.shape_cast %get3A_10 : vector<1x10000x128xf32> to vector<10000x128xf32>
    %get3A_12 = arith.constant 0 : index
    %get3A_13 = arith.constant 0 : index
    %get3A_14 = vector.load %arg2[%get3A_12, %get3A_13] : memref<128x128xf32, #tpu.memory_space<vmem>>, vector<128x128xf32>
    %get3A_15 = arith.constant 0 : index
    %get3A_16 = arith.constant 0 : index
    %get3A_17 = vector.load %arg3[%get3A_15, %get3A_16] : memref<1x128xf32, #tpu.memory_space<vmem>>, vector<1x128xf32>
    %get3A_18 = arith.constant 0 : index
    %get3A_19 = arith.constant 0 : index
    %get3A_20 = vector.load %arg4[%get3A_18, %get3A_19] : memref<1x128xf32, #tpu.memory_space<vmem>>, vector<1x128xf32>
    %get3A_21 = arith.constant 0 : index
    %get3A_22 = arith.constant 0 : index
    %get3A_23 = vector.load %arg5[%get3A_21, %get3A_22] : memref<1x128xf32, #tpu.memory_space<vmem>>, vector<1x128xf32>
    %get3A_24 = arith.constant 0 : index
    %get3A_25 = arith.constant 0 : index
    %get3A_26 = vector.load %arg6[%get3A_24, %get3A_25] : memref<128x128xf32, #tpu.memory_space<vmem>>, vector<128x128xf32>
    %get3A_27 = arith.constant 0 : index
    %get3A_28 = arith.constant 0 : index
    %get3A_29 = vector.load %arg7[%get3A_27, %get3A_28] : memref<1x128xf32, #tpu.memory_space<vmem>>, vector<1x128xf32>
    %slice3A = vector.extract_strided_slice %get3A_1 {offsets = [0, 0], sizes = [10000, 128], strides = [1, 1]} : vector<10240x128xf32> to vector<10000x128xf32>
    %add3A = arith.addf %slice3A, %get3A_6 : vector<10000x128xf32>
    %add3A_30 = arith.addf %add3A, %get3A_11 : vector<10000x128xf32>
    %dot_general3A = arith.constant dense<0.000000e+00> : vector<10000x128xf32>
    %dot_general3A_31 = tpu.matmul %add3A_30, %get3A_14, %dot_general3A {dimension_numbers = #tpu.dot_dimension_numbers<[1], [0], [0], [1], [0, 0, 1, 1], [], []>, transpose_lhs_hint = false} : vector<10000x128xf32>, vector<128x128xf32>, vector<10000x128xf32> -> vector<10000x128xf32>
    %add3A_32 = vector.broadcast %get3A_17 : vector<1x128xf32> to vector<10000x128xf32>
    %add3A_33 = arith.addf %dot_general3A_31, %add3A_32 : vector<10000x128xf32>
    %reduce_sum3A = arith.constant dense<0.000000e+00> : vector<128xf32>
    %reduce_sum3A_34 = vector.multi_reduction <add>, %add3A_33, %reduce_sum3A [0] : vector<10000x128xf32> to vector<128xf32>
    %broadcast_in_dim3A = vector.shape_cast %reduce_sum3A_34 : vector<128xf32> to vector<1x128xf32>
    %div3A = arith.constant 1.000000e+04 : f32
    %div3A_35 = vector.broadcast %div3A : f32 to vector<1x128xf32>
    %div3A_36 = arith.divf %broadcast_in_dim3A, %div3A_35 : vector<1x128xf32>
    %sub3A = vector.broadcast %div3A_36 : vector<1x128xf32> to vector<10000x128xf32>
    %sub3A_37 = arith.subf %add3A_33, %sub3A : vector<10000x128xf32>
    %square3A = arith.mulf %sub3A_37, %sub3A_37 : vector<10000x128xf32>
    %reduce_sum3A_38 = arith.constant dense<0.000000e+00> : vector<128xf32>
    %reduce_sum3A_39 = vector.multi_reduction <add>, %square3A, %reduce_sum3A_38 [0] : vector<10000x128xf32> to vector<128xf32>
    %broadcast_in_dim3A_40 = vector.shape_cast %reduce_sum3A_39 : vector<128xf32> to vector<1x128xf32>
    %div3A_41 = arith.constant 1.000000e+04 : f32
    %div3A_42 = vector.broadcast %div3A_41 : f32 to vector<1x128xf32>
    %div3A_43 = arith.divf %broadcast_in_dim3A_40, %div3A_42 : vector<1x128xf32>
    %sub3A_44 = vector.broadcast %div3A_36 : vector<1x128xf32> to vector<10000x128xf32>
    %sub3A_45 = arith.subf %add3A_33, %sub3A_44 : vector<10000x128xf32>
    %add3A_46 = arith.constant 9.99999974E-6 : f32
    %add3A_47 = vector.broadcast %add3A_46 : f32 to vector<1x128xf32>
    %add3A_48 = arith.addf %div3A_43, %add3A_47 : vector<1x128xf32>
    %sqrt3A = math.sqrt %add3A_48 : vector<1x128xf32>
    %div3A_49 = vector.broadcast %sqrt3A : vector<1x128xf32> to vector<10000x128xf32>
    %div3A_50 = arith.divf %sub3A_45, %div3A_49 : vector<10000x128xf32>
    %mul3A = vector.broadcast %get3A_20 : vector<1x128xf32> to vector<10000x128xf32>
    %mul3A_51 = arith.mulf %div3A_50, %mul3A : vector<10000x128xf32>
    %add3A_52 = vector.broadcast %get3A_23 : vector<1x128xf32> to vector<10000x128xf32>
    %add3A_53 = arith.addf %mul3A_51, %add3A_52 : vector<10000x128xf32>
    %max3A = arith.constant 0.000000e+00 : f32
    %max3A_54 = vector.broadcast %max3A : f32 to vector<10000x128xf32>
    %max3A_55 = arith.maximumf %add3A_53, %max3A_54 : vector<10000x128xf32>
    %dot_general3A_56 = arith.constant dense<0.000000e+00> : vector<10000x128xf32>
    %dot_general3A_57 = tpu.matmul %max3A_55, %get3A_26, %dot_general3A_56 {dimension_numbers = #tpu.dot_dimension_numbers<[1], [0], [0], [1], [0, 0, 1, 1], [], []>, transpose_lhs_hint = false} : vector<10000x128xf32>, vector<128x128xf32>, vector<10000x128xf32> -> vector<10000x128xf32>
    %add3A_58 = vector.broadcast %get3A_29 : vector<1x128xf32> to vector<10000x128xf32>
    %add3A_59 = arith.addf %dot_general3A_57, %add3A_58 : vector<10000x128xf32>
    %max3A_60 = arith.constant 0.000000e+00 : f32
    %max3A_61 = vector.broadcast %max3A_60 : f32 to vector<10000x128xf32>
    %max3A_62 = arith.maximumf %add3A_59, %max3A_61 : vector<10000x128xf32>
    %get3A_63 = arith.constant 0 : index
    %get3A_64 = arith.constant 0 : index
    %get3A_65 = vector.load %arg8[%get3A_63, %get3A_64] : memref<10000x1xi32, #tpu.memory_space<vmem>>, vector<10000x1xi32>
    %iota3A = tpu.iota {dimensions = array<i32: 1>} : vector<10000x128xi32>
    %eq3A = vector.broadcast %get3A_65 : vector<10000x1xi32> to vector<10000x128xi32>
    %eq3A_66 = arith.cmpi eq, %eq3A, %iota3A : vector<10000x128xi32>
    %convert_element_type3A = arith.extui %eq3A_66 : vector<10000x128xi1> to vector<10000x128xi32>
    %convert_element_type3A_67 = arith.sitofp %convert_element_type3A : vector<10000x128xi32> to vector<10000x128xf32>
    %dot_general3A_68 = arith.constant dense<0.000000e+00> : vector<128x128xf32>
    %dot_general3A_69 = tpu.matmul %convert_element_type3A_67, %max3A_62, %dot_general3A_68 {dimension_numbers = #tpu.dot_dimension_numbers<[0], [0], [1], [1], [0, 1, 1, 1], [], []>, transpose_lhs_hint = false} : vector<10000x128xf32>, vector<10000x128xf32>, vector<128x128xf32> -> vector<128x128xf32>
    %get3A_70 = arith.constant 0 : index
    %get3A_71 = arith.constant 0 : index
    %get3A_72 = vector.load %arg9[%get3A_70, %get3A_71] : memref<128x128xf32, #tpu.memory_space<vmem>>, vector<128x128xf32>
    %dot_general3A_73 = arith.constant dense<0.000000e+00> : vector<128x128xf32>
    %dot_general3A_74 = tpu.matmul %dot_general3A_69, %get3A_72, %dot_general3A_73 {dimension_numbers = #tpu.dot_dimension_numbers<[1], [0], [0], [1], [0, 0, 1, 1], [], []>, transpose_lhs_hint = false} : vector<128x128xf32>, vector<128x128xf32>, vector<128x128xf32> -> vector<128x128xf32>
    %get3A_75 = arith.constant 0 : index
    %get3A_76 = arith.constant 0 : index
    %get3A_77 = vector.load %arg10[%get3A_75, %get3A_76] : memref<1x128xf32, #tpu.memory_space<vmem>>, vector<1x128xf32>
    %add3A_78 = vector.broadcast %get3A_77 : vector<1x128xf32> to vector<128x128xf32>
    %add3A_79 = arith.addf %dot_general3A_74, %add3A_78 : vector<128x128xf32>
    %max3A_80 = arith.constant 0.000000e+00 : f32
    %max3A_81 = vector.broadcast %max3A_80 : f32 to vector<128x128xf32>
    %max3A_82 = arith.maximumf %add3A_79, %max3A_81 : vector<128x128xf32>
    %get3A_83 = arith.constant 0 : index
    %get3A_84 = arith.constant 0 : index
    %get3A_85 = vector.load %arg11[%get3A_83, %get3A_84] : memref<128x64xf32, #tpu.memory_space<vmem>>, vector<128x64xf32>
    %dot_general3A_86 = arith.constant dense<0.000000e+00> : vector<128x64xf32>
    %dot_general3A_87 = tpu.matmul %max3A_82, %get3A_85, %dot_general3A_86 {dimension_numbers = #tpu.dot_dimension_numbers<[1], [0], [0], [1], [0, 0, 1, 1], [], []>, transpose_lhs_hint = false} : vector<128x128xf32>, vector<128x64xf32>, vector<128x64xf32> -> vector<128x64xf32>
    %get3A_88 = arith.constant 0 : index
    %get3A_89 = arith.constant 0 : index
    %get3A_90 = vector.load %arg12[%get3A_88, %get3A_89] : memref<1x64xf32, #tpu.memory_space<vmem>>, vector<1x64xf32>
    %add3A_91 = vector.broadcast %get3A_90 : vector<1x64xf32> to vector<128x64xf32>
    %add3A_92 = arith.addf %dot_general3A_87, %add3A_91 : vector<128x64xf32>
    %swap3A = arith.constant 0 : index
    %swap3A_93 = arith.constant 0 : index
    %swap3A_94 = vector.load %arg13[%swap3A, %swap3A_93] : memref<128x64xf32, #tpu.memory_space<vmem>>, vector<128x64xf32>
    tpu.vector_store %arg13[%swap3A, %swap3A_93], %add3A_92 {strides = array<i32>} : memref<128x64xf32, #tpu.memory_space<vmem>>, vector<128x64xf32>,
    return
  }
}

</mosaic_0001>

<sc_bundles>
// kernel: _run.11.cloned.1.call-start
scs
__scs_entry_jumppad:
0x0: {  	(pc) =	sbr.rel $0x88, $3  }
0x1: {  	(tag) =	ssettag $0x0;
	lr =	simm.s32 $0x1  }
0x2: {  	[smem:$0x3F94] =	sst lr;
	_ =	strace $0xD0000000  }
0x3: {  	_ = 	snop  }
0x4: {  	_ = 	snop  }
0x5: {  	_ = 	snop  }
0x6: {  	_ = 	snop  }
0x7: {  	_ = 	snop  }
__scs_overlays_trampoline_lowered:
0x8: {  	[smem:$0x3FA3] =	sst s0  }
0x9: {  	[smem:$0x3FA4] =	sst s1  }
0xa: {  	[smem:$0x3FA5] =	sst s2  }
0xb: {  	[smem:$0x3FA6] =	sst s3  }
0xc: {  	[smem:$0x3FA7] =	sst s4  }
0xd: {  	[smem:$0x3FA8] =	sst s5  }
0xe: {  	[smem:$0x3FA9] =	sst s6  }
0xf: {  	[smem:$0x3FAA] =	sst s7  }
0x10: {  	[smem:$0x3FAB] =	sst s8  }
0x11: {  	[smem:$0x3FAC] =	sst s9;
	s0 =	simm.s32 @!p0 $0x0  }
0x12: {  	s1 =	sld [smem:$0x3F92];
	s0 =	simm.s32 @p0 $0x1  }
0x13: {  	[smem:$0x3FAD] =	sst s0;
	s0 =	simm.s32 @!p1 $0x0  }
0x14: {  	s2 =	sld [smem:$0x3F91];
	s0 =	simm.s32 @p1 $0x1  }
0x15: {  	[smem:$0x3FAE] =	sst s0;
	s0 =	simm.s32 @!p2 $0x0  }
0x16: {  	s3 =	sld [smem:$0x3FDB];
	s0 =	simm.s32 @p2 $0x1  }
0x17: {  	s4 =	simm.s32 $0x1BF5;
	[smem:$0x3FB0] =	sst s0  }
0x18: {  	s0 =	sld [smem:$0x3F93];
	_ =	swait.ge [sflag:s4], $0x0  }
0x19: {  	s7 =	sld [smem:$0x3F94]  }
0x1a: {  	s8 =	sadd.s32 $0xFFFFE003, lr  }
0x1b: {  	s9 =	sadd.s32 $0xFFFFFEF7, lr;
	s5 =	simm.s32 $0xFFFFFFFF;
	p2 =	slt.u32 s8, $0xFFFFF086  }
0x1c: {  	p1 =	slt.u32 s9, $0xF7A;
	s5 =	simm.s32 @!p2 $0x0  }
0x1d: {  	s5 =	simm.s32 @p1 $0x1;
	p0 =	seq.s32 s7, s2  }
0x1e: {  	s7 =	smul.u32 @!p0 $0xF7A, s2;
	p2 =	seq.s32 @!p0 s5, $0x0  }
0x1f: {  	s9 =	smul.u32 $0xF7A, s1;
	s8 =	simm.s32 @!p0 $0x1BF5;
	p2 =	por !p2, p0  }
0x20: {  	[sflag:s8] =	ssyncset.s32 @!p0 $0xFFFFF086;
	s6 =	sadd.s32 @!p0 s3, s7;
	s7 =	simm.s32 @!p0 $0x108  }
0x21: {  	s3 =	sadd.s32 s3, s9;
	s6 =	sadd.s32 @!p0 $0x88, s6;
	s7 =	simm.s32 @p2 $0x1082  }
0x22: {  	[simem:s7], [sflag:s8] =	dma.local @!p0 [hbm:s6], $0xF7A  }
0x23: {  	s9 =	sor.u32 $0xD0000000, s2;
	s6 =	simm.s32 $0x108;
	_ =	swait.ge @!p0 [sflag:s8], $0x0  }
0x24: {  	s3 =	sadd.s32 $0x88, s3;
	s6 =	simm.s32 @!p1 $0x1082;
	[sflag:s4] =	ssyncset.s32 $0xFFFFF086  }
0x25: {  	[simem:s6], [sflag:s4] =	dma.local [hbm:s3], $0xF7A  }
0x26: {  	[smem:$0x3F94] =	sst s1;
	(tag) =	ssettag s2;
	_ =	strace s9  }
0x27: {  	s1 =	sld [smem:$0x3FA4]  }
0x28: {  	s2 =	sld [smem:$0x3FA5]  }
0x29: {  	s4 =	sld [smem:$0x3FA7]  }
0x2a: {  	p0 =	seq.s32 s5, $0x0;
	s5 =	sld [smem:$0x3FA8]  }
0x2b: {  	s6 =	sld [smem:$0x3FA9]  }
0x2c: {  	s7 =	sld [smem:$0x3FAA]  }
0x2d: {  	s3 =	simm.s32 $0x108;
	s8 =	sld [smem:$0x3FAB]  }
0x2e: {  	s3 =	simm.s32 @!p0 $0x1082;
	s9 =	sld [smem:$0x3FAC]  }
0x2f: {  	lr =	sadd.s32 s0, s3;
	s0 =	sld [smem:$0x3FA3]  }
0x30: {  	s3 =	sld [smem:$0x3FA6]  }
0x31: {  	[smem:$0x3FAF] =	sst s10  }
0x32: {  	s10 =	sld [smem:$0x3FAD];
	_ =	sdelay $0x3  }
0x33: {  	p0 =	seq.s32 s10, $0x1;
	s10 =	sld [smem:$0x3FAF];
	_ =	sdelay $0x3  }
0x34: {  	[smem:$0x3FAF] =	sst s10  }
0x35: {  	s10 =	sld [smem:$0x3FAE];
	_ =	sdelay $0x3  }
0x36: {  	p1 =	seq.s32 s10, $0x1;
	s10 =	sld [smem:$0x3FAF];
	_ =	sdelay $0x3  }
0x37: {  	[smem:$0x3FAF] =	sst s10  }
0x38: {  	s10 =	sld [smem:$0x3FB0]  }
0x39: {  	_ = 	snop;
	(pc) =	sbr.ind lr, $3  }
0x3a: {  	_ = 	snop  }
0x3b: {  	_ = 	snop  }
0x3c: {  	p2 =	seq.s32 s10, $0x1;
	s10 =	sld [smem:$0x3FAF]  }
0x3d: {  	_ =	shalt  }
0x3e: {  	_ =	shalt  }
0x3f: {  	_ =	shalt  }
0x40: {  	_ =	shalt  }
0x41: {  	_ =	shalt  }
0x42: {  	_ =	shalt  }
0x43: {  	_ =	shalt  }
0x44: {  	_ =	shalt  }
0x45: {  	_ =	shalt  }
0x46: {  	_ =	shalt  }
0x47: {  	_ =	shalt  }
0x48: {  	_ =	shalt  }
0x49: {  	_ =	shalt  }
0x4a: {  	_ =	shalt  }
0x4b: {  	_ =	shalt  }
0x4c: {  	_ =	shalt  }
0x4d: {  	_ =	shalt  }
0x4e: {  	_ =	shalt  }
0x4f: {  	_ =	shalt  }
0x50: {  	_ =	shalt  }
0x51: {  	_ =	shalt  }
0x52: {  	_ =	shalt  }
0x53: {  	_ =	shalt  }
0x54: {  	_ =	shalt  }
0x55: {  	_ =	shalt  }
0x56: {  	_ =	shalt  }
0x57: {  	_ =	shalt  }
0x58: {  	_ =	shalt  }
0x59: {  	_ =	shalt  }
0x5a: {  	_ =	shalt  }
0x5b: {  	_ =	shalt  }
0x5c: {  	_ =	shalt  }
0x5d: {  	_ =	shalt  }
0x5e: {  	_ =	shalt  }
0x5f: {  	_ =	shalt  }
0x60: {  	_ =	shalt  }
0x61: {  	_ =	shalt  }
0x62: {  	_ =	shalt  }
0x63: {  	_ =	shalt  }
0x64: {  	_ =	shalt  }
0x65: {  	_ =	shalt  }
0x66: {  	_ =	shalt  }
0x67: {  	_ =	shalt  }
0x68: {  	_ =	shalt  }
0x69: {  	_ =	shalt  }
0x6a: {  	_ =	shalt  }
0x6b: {  	_ =	shalt  }
0x6c: {  	_ =	shalt  }
0x6d: {  	_ =	shalt  }
0x6e: {  	_ =	shalt  }
0x6f: {  	_ =	shalt  }
0x70: {  	_ =	shalt  }
0x71: {  	_ =	shalt  }
0x72: {  	_ =	shalt  }
0x73: {  	_ =	shalt  }
0x74: {  	_ =	shalt  }
0x75: {  	_ =	shalt  }
0x76: {  	_ =	shalt  }
0x77: {  	_ =	shalt  }
0x78: {  	_ =	shalt  }
0x79: {  	_ =	shalt  }
0x7a: {  	_ =	shalt  }
0x7b: {  	_ =	shalt  }
0x7c: {  	_ =	shalt  }
0x7d: {  	_ =	shalt  }
0x7e: {  	_ =	shalt  }
0x7f: {  	_ =	shalt  }
0x80: {  	_ =	shalt  }
0x81: {  	_ =	shalt  }
0x82: {  	_ =	shalt  }
0x83: {  	_ =	shalt  }
0x84: {  	_ =	shalt  }
0x85: {  	_ =	shalt  }
0x86: {  	_ =	shalt  }
0x87: {  	_ =	shalt  }
.Lfunc_end0:
.L_simem_size_0:
called_computation.1_lowered:
.L_overlay_start_0:
0x88: {  	s2 =	sld [smem:$0x3FD9]  }
0x89: {  	s3 =	sld [smem:$0x3FFE];
	_ =	sdelay $0x1  }
0x8a: {  	s1 =	srdreg.scid  }
0x8b: {  	s0 =	sand.u32 $0x1, s1  }
0x8c: {  	s16 =	sshll.u32 s0, $0xA;
	s2 =	sadd.s32 s3, s2  }
0x8d: {  	s2 =	sadd.s32 s2, s16  }
0x8e: {  	[smem:$0x3FBB] =	sst s2  }
0x8f: {  	_ = 	snop  }
0x90: {  	(tm) =	ssettm $0x1  }
0x91: {  	s17 =	sld [smem:$0x3FFB];
	_ =	sdelay $0x3  }
0x92: {  	_ =	strace s17  }
0x93: {  	s2 =	sld [smem:$0x3FFC];
	_ =	sdelay $0x3  }
0x94: {  	_ =	strace s2  }
0x95: {  	s2 =	sld [smem:$0x3FFD];
	_ =	sdelay $0x3  }
0x96: {  	_ =	strace s2  }
0x97: {  	_ =	strace $0x8FFFFFFF  }
0x98: {  	s18 =	sld [smem:$0x3FDB];
	_ =	sdelay $0x1  }
0x99: {  	s19 =	simm.s32 $_scs_section_size  }
0x9a: {  	s4 =	simm.s32 $_size__tile_overlayer_lowered;
	s5 =	simm.s32 $_tile_overlayer_lowered  }
0x9b: {  	s22 =	simm.s32 $0x1BFF;
	s21 =	sshll.u32 s5, $0x1;
	s2 =	sadd.s32 s19, s18  }
0x9c: {  	s6 =	simm.s32 $0x0;
	s20 =	sshll.u32 s4, $0x1;
	s4 =	sadd.s32 s21, s2  }
0x9d: {  	[timem:s6], [sflag:s22] =	dma.local [hbm:s4], s20  }
0x9e: {  	_ =	swait.ge [sflag:s22], s20  }
0x9f: {  	s3 =	ssub.s32 $0x0, s20;
	[sflag:s22] =	ssyncset.done $0x0  }
0xa0: {  	[sflag:s22] =	ssyncadd.s32 s3;
	_ =	sdelay $0x1  }
0xa1: {  	s23 =	simm.s32 $0x1B8B  }
0xa2: {  	_ =	swait.ge [sflag:s23], $0x1  }
0xa3: {  	[sflag:s23] =	ssyncset.done $0x0  }
0xa4: {  	s25 =	simm.s32 $0x1B8E;
	s24 =	sld [smem:$0x3FFE];
	[sflag:s23] =	ssyncadd.s32 $0xFFFFFFFF  }
0xa5: {  	s26 =	simm.s32 $execute0_lowered;
	[smem:$0x3FD2] =	sst s25  }
0xa6: {  	s4 =	sshll.u32 s26, $0x1;
	_ =	strace $0x80000049;
	[dreg:$0x1] =	wrdreg $0xFFFFFFFF  }
0xa7: {  	s28 =	simm.s32 $_size_execute0_lowered;
	s2 =	sadd.s32 s2, s4;
	[dreg:$0x0] =	wrdreg $0x0  }
0xa8: {  	s4 =	sshll.u32 s28, $0x1;
	[dreg:$0x2] =	wrdreg s2  }
0xa9: {  	[dreg:$0x3] =	wrdreg s4  }
0xaa: {  	[dreg:$0x4] =	wrdreg $0xC0  }
0xab: {  	_ =	task [dreg:s6], $0x5FFFF  }
0xac: {  	[dreg:$0x1] =	wrdreg $0xFFFFFFFF  }
0xad: {  	[dreg:$0x0] =	wrdreg $0x60  }
0xae: {  	[dreg:$0x2] =	wrdreg s24  }
0xaf: {  	[dreg:$0x3] =	wrdreg $0x7A000  }
0xb0: {  	[dreg:$0x4] =	wrdreg $0x9  }
0xb1: {  	_ =	task.clear_ibuf [dreg:s6], $0x5FFFF;
	_ =	strace $0x90000049  }
0xb2: {  	s29 =	simm.s32 $0x9;
	_ =	strace $0x8000004B  }
0xb3: {  	_ =	swait.ge [sflag:s29], $0x1  }
0xb4: {  	[sflag:s29] =	ssyncadd.s32 $0xFFFFFFFF  }
0xb5: {  	_ =	strace $0x9000004B  }
0xb6: {  	_ =	sfence  }
0xb7: {  	s30 =	sld [smem:$0x0];
	_ =	sdelay $0x2  }
0xb8: {  	s31 =	sshll.u32 s1, $0xD;
	s1 =	sshrl.u32 s1, $0x2  }
0xb9: {  	s3 =	sand.u32 $0x4000, s31;
	s1 =	sadd.s32 s1, s30  }
0xba: {  	s0 =	sor.u32 s3, s0;
	s1 =	sshll.u32 s1, $0x11  }
0xbb: {  	s0 =	sor.u32 s1, s0  }
0xbc: {  	s0 =	sadd.s32 $0x8F2B, s0  }
0xbd: {  	[sflag:s0] =	ssyncadd.remote.s32 $0x1  }
0xbe: {  	_ =	sfence.sel $0xFFFF  }
0xbf: {  	[dreg:$0x0] =	wrdreg $0xFFFFFFFF;
	(pc) =	sbr.abs _section_cstart, $3  }
0xc0: {  	[dreg:$0x1] =	wrdreg $0xFFFFFFFF  }
0xc1: {  	_ =	task.clear_ibuf [dreg:s6], $0x2FFFF;
	_ =	strace $0x9FFFFFFF  }
0xc2: {  	(tm) =	ssettm $0x7FFFFFFF  }
0xc3: {  	_ =	shalt  }
tec
execute0_lowered:
.L_overlay_start_1:
0x0: {  	(tag) =	ssettag $0x1  }
0x1: {  	s6 =	rddreg [dreg:$0x0]  }
0x2: {  	s1 =	rddreg [dreg:$0x1]  }
0x3: {  	s2 =	srdreg.scid;
	s0 =	rddreg [dreg:$0x2]  }
0x4: {  	s3 =	simm.s32 $0x0;
	s14 =	simm.s32 $0x5;
	s15 =	simm.s32 $0x100  }
0x5: {  	s16 =	simm.s32 $0x1;
	s17 =	simm.s32 $0x78;
	s18 =	simm.s32 $0x200  }
0x6: {  	s19 =	simm.s32 $0x3;
	s20 =	simm.s32 $0x80;
	s7 =	sand.u32 $0x1, s2  }
0x7: {  	s21 =	simm.s32 $0x2;
	s2 =	stileid.u32;
	s8 =	smul.u32 $0x27100, s7  }
0x8: {  	s22 =	simm.s32 $0x180;
	s25 =	simm.s32 $0x0;
	s10 =	smul.u32 $0x7D000, s2  }
0x9: {  	[smem:$0x7FF] =	sst s3;
	s5 =	sadd.s32 $0x3800, s6;
	s12 =	smul.u32 $0x72000, s7  }
0xa: {  	s4 =	sshll.u32 s7, $0x4;
	_ =	strace $0x8000004A;
	s30 =	smul.u32 $0x7200, s2  }
0xb: {  	s29 =	ssub.s32 $0x2, s7;
	p0 =	seq.s32 s7, $0x1;
	s24 =	smul.u32 $0x3E80, s2  }
0xc: {  	p1 =	slt.u32 s2, $0xA;
	p2 =	sgt.u32 s2, $0x9;
	s9 =	sor.u32 s2, s4  }
0xd: {  	s4 =	sadd.s32 $0x20000, s6;
	s11 =	sshrl.u32 s29, $0x1;
	s9 =	smul.u32 $0x7200, s9  }
0xe: {  	s8 =	sadd.s32 s8, s6;
	s11 =	ssub.s32 s29, s11;
	s10 =	sshrl.u32 s10, $0x2  }
0xf: {  	s12 =	sadd.s32 s30, s12;
	s23 =	sadd.s32 $0x48000, s8;
	s8 =	sadd.s32 s10, s1  }
.Ltmp0:
0x10: {  	s31 =	sadd.s32 $0x300, s12;
	s13 =	sor.u32 $0x100, s12;
	(pc) =	sbr.rel .LBB2_1-.Ltmp0, $4  }
0x11: {  	s9 =	sshrl.u32 s9, $0x3;
	s10 =	sshrl.u32 s31, $0x3;
	s13 =	sshrl.u32 s13, $0x3  }
0x12: {  	s23 =	sadd.s32 @!p2 s24, s23;
	s24 =	simm.s32 $0x4;
	s6 =	sadd.s32 s5, s9  }
0x13: {  	s9 =	smax.u32 s11, $0x1;
	s10 =	sadd.s32 s10, s5;
	s11 =	sadd.s32 $0x200, s12  }
0x14: {  	v0 =	vimm.f32 $0.0e+00;
	s12 =	sadd.s32 s13, s5;
	s13 =	simm.s32 $0x3E00;
	s7 =	sadd.s32 $0x20, s6  }
.LBB2_13:
0x15: {  	s28 =	sadd.s32 s28, s12;
	[sflag:s14] =	ssyncadd.s32 $0xFFFFC400  }
0x16: {  	[tilespmem:s15], [sflag:$0x2] =	stream.linear.gather [hbm4b:s28+s3], $0x100, $0x38;
	[tilespmem:$0x1B280] =	vst v63  }
0x17: {  	_ =	swait.ge [sflag:s16], $0x100  }
0x18: {  	[sflag:s16] =	ssyncset.done $0x0  }
0x19: {  	[sflag:s16] =	ssyncadd.s32 $0xFFFFFF00  }
0x1a: {  	[tilespmem:s18], [sflag:$0x3] =	stream.indirect.gather [hbm4b:s4+s17], $0x80, s3, s17, $0xb8;
	[tilespmem:$0x1B280] =	vst v63  }
0x1b: {  	_ =	swait.ge [sflag:s19], $0x3C00  }
0x1c: {  	[sflag:s19] =	ssyncset.done $0x0  }
0x1d: {  	[sflag:s19] =	ssyncadd.s32 $0xFFFFC400  }
0x1e: {  	[spmem:s1] =	stream.indirect.scatter.add.f32 [tilespmem:s18], [sflag:$0x5], $0x80, s20, s17, $0xb8;
	[tilespmem:$0x1B280] =	vst v63  }
0x1f: {  	_ =	swait.ge [sflag:s14], $0x3C00  }
0x20: {  	s26 =	sshrl.u32 s26, $0x3;
	[sflag:s14] =	ssyncset.done $0x0  }
0x21: {  	s26 =	sadd.s32 s5, s26;
	[sflag:s14] =	ssyncadd.s32 $0xFFFFC400  }
0x22: {  	[tilespmem:s3], [sflag:$0x1] =	stream.linear.gather [hbm4b:s26+s3], $0x100, $0x38;
	[tilespmem:$0x1B280] =	vst v63  }
0x23: {  	_ =	swait.ge [sflag:s21], $0x100  }
0x24: {  	[sflag:s21] =	ssyncset.done $0x0  }
0x25: {  	[sflag:s21] =	ssyncadd.s32 $0xFFFFFF00  }
0x26: {  	[tilespmem:s18], [sflag:$0x3] =	stream.indirect.gather [hbm4b:s4+s17], $0x80, s15, s17, $0xb8;
	[tilespmem:$0x1B280] =	vst v63  }
0x27: {  	_ =	swait.ge [sflag:s19], $0x3C00  }
0x28: {  	[sflag:s19] =	ssyncset.done $0x0  }
0x29: {  	[sflag:s19] =	ssyncadd.s32 $0xFFFFC400  }
0x2a: {  	[spmem:s1] =	stream.indirect.scatter.add.f32 [tilespmem:s18], [sflag:$0x5], $0x80, s22, s17, $0xb8;
	[tilespmem:$0x1B280] =	vst v63  }
0x2b: {  	_ =	swait.ge [sflag:s14], $0x3C00  }
0x2c: {  	[sflag:s14] =	ssyncset.done $0x0  }
0x2d: {  	[sflag:s14] =	ssyncadd.s32 $0xFFFFC400  }
0x2e: {  	_ =	swait.ge [sflag:s16], $0x100  }
0x2f: {  	[sflag:s16] =	ssyncset.done $0x0  }
0x30: {  	[sflag:s16] =	ssyncadd.s32 $0xFFFFFF00  }
.LBB2_14:
0x31: {  	s26 =	sshll.u32 @!p2 s2, $0x6;
	[bflag:$0x0] =	sbarrier.arrive $0xFFFF;
	s25 =	sadd.s32 $0x1, s25  }
0x32: {  	s28 =	sshrl.u32 @!p2 s8, $0x3;
	s26 =	sor.u32 @!p2 $0x1C05, s26;
	p3 =	sne.s32 s25, s9  }
0x33: {  	[hbm:s23], [sflag:s26] =	dma.local @!p2 [spmem:s28], $0x3E80  }
.Ltmp1:
0x34: {  	_ = 	snop;
	(pc) =	sbr.rel @!p3 .LBB2_15-.Ltmp1, $4  }
0x35: {  	s26 =	simm.s32 @!p2 $0x5  }
0x36: {  	_ =	swait.ge @!p2 [sflag:s26], $0x3E80  }
0x37: {  	[sflag:s26] =	ssyncset.done @!p2 $0x0  }
0x38: {  	[sflag:s26] =	ssyncadd.s32 @!p2 $0xFFFFC180  }
.LBB2_1:
.Ltmp2:
0x39: {  	(pc) =	sbr.rel @!p1 .LBB2_7-.Ltmp2, $1  }
0x3a: {  	_ =	sdelay $0x3  }
0x3b: {  	s26 =	sand.u32 $0x7E00, s3  }
0x3c: {  	s28 =	sand.u32 $0x70, s3;
	s29 =	sshrl.u32 s26, $0x2  }
0x3d: {  	s26 =	simm.s32 $0x40;
	s29 =	sor.u32 s28, s29;
	s28 =	simm.s32 $0x0  }
.LBB2_3:
0x3e: {  	p3 =	seq.s32 s26, $0x4FC0  }
0x3f: {  	[tilespmem:s29+$0x3E00] =	vst v0;
	s28 =	sadd.s32 $0x10, s28;
	s29 =	smov.u32 s26;
	s26 =	sadd.s32 $0x40, s26  }
.Ltmp3:
0x40: {  	(pc) =	sbr.rel @!p3 .LBB2_3-.Ltmp3, $4  }
0x41: {  	_ = 	snop  }
0x42: {  	s29 =	sand.u32 $0x7E00, s29  }
0x43: {  	s30 =	sand.u32 $0x70, s28;
	s29 =	sshrl.u32 s29, $0x2  }
0x44: {  	s29 =	sor.u32 s30, s29  }
0x45: {  	[tilespmem:s29+$0x3E00] =	vst v0;
	s26 =	sadd.s32 $0x0, s8  }
0x46: {  	[spmem:s26] =	stream.linear.scatter [tilespmem:s13], [sflag:$0x5], $0x1400, $0x38;
	[tilespmem:$0x1B280] =	vst v63  }
0x47: {  	s26 =	simm.s32 $0x5000;
	_ =	swait.ge [sflag:s14], $0x1400  }
.LBB2_5:
0x48: {  	s28 =	sshra.s32 s26, $0x2;
	[sflag:s14] =	ssyncset.done $0x0;
	p3 =	sne.s32 s26, $0x78000  }
.Ltmp4:
0x49: {  	s28 =	sadd.s32 s28, s8;
	[sflag:s14] =	ssyncadd.s32 $0xFFFFEC00;
	(pc) =	sbr.rel @p3 .LBB2_5-.Ltmp4, $3  }
0x4a: {  	[spmem:s28] =	stream.linear.scatter [tilespmem:s13], [sflag:$0x5], $0x1400, $0x38;
	[tilespmem:$0x1B280] =	vst v63  }
0x4b: {  	s26 =	sadd.s32 $0x5000, s26;
	_ =	sdelay $0x1  }
0x4c: {  	_ =	swait.ge [sflag:s14], $0x1400  }
0x4d: {  	[sflag:s14] =	ssyncset.done $0x0  }
0x4e: {  	[sflag:s14] =	ssyncadd.s32 $0xFFFFEC00  }
.LBB2_7:
.Ltmp5:
0x4f: {  	(pc) =	sbr.rel @!p0 .LBB2_8-.Ltmp5, $3  }
0x50: {  	_ =	sdelay $0x1  }
0x51: {  	[bflag:$0x0] =	sbarrier.arrive $0xFFFF;
	s26 =	simm.s32 $0x0  }
0x52: {  	[tilespmem:s26], [sflag:$0x1] =	stream.linear.gather [hbm4b:s6+s26], $0x100, $0x38;
	[tilespmem:$0x1B280] =	vst v63  }
0x53: {  	s26 =	sadd.s32 $0x0, s12  }
0x54: {  	[tilespmem:s15], [sflag:$0x2] =	stream.linear.gather [hbm4b:s26+s3], $0x100, $0x38;
	[tilespmem:$0x1B280] =	vst v63  }
0x55: {  	_ =	swait.ge [sflag:s16], $0x100  }
0x56: {  	[sflag:s16] =	ssyncset.done $0x0  }
0x57: {  	[sflag:s16] =	ssyncadd.s32 $0xFFFFFF00  }
0x58: {  	[tilespmem:s18], [sflag:$0x3] =	stream.indirect.gather [hbm4b:s4+s17], $0x80, s3, s17, $0xb8;
	[tilespmem:$0x1B280] =	vst v63  }
0x59: {  	_ =	swait.ge [sflag:s19], $0x3C00  }
0x5a: {  	[sflag:s19] =	ssyncset.done $0x0  }
0x5b: {  	[sflag:s19] =	ssyncadd.s32 $0xFFFFC400  }
0x5c: {  	[spmem:s1] =	stream.indirect.scatter.add.f32 [tilespmem:s18], [sflag:$0x5], $0x80, s20, s17, $0xb8;
	[tilespmem:$0x1B280] =	vst v63  }
0x5d: {  	_ =	swait.ge [sflag:s14], $0x3C00  }
0x5e: {  	s31 =	sshrl.u32 s11, $0x3;
	[sflag:s14] =	ssyncset.done $0x0  }
0x5f: {  	s26 =	sadd.s32 s5, s31;
	[sflag:s14] =	ssyncadd.s32 $0xFFFFC400  }
0x60: {  	[tilespmem:s3], [sflag:$0x1] =	stream.linear.gather [hbm4b:s26+s3], $0x100, $0x38;
	[tilespmem:$0x1B280] =	vst v63  }
0x61: {  	_ =	swait.ge [sflag:s21], $0x100  }
0x62: {  	[sflag:s21] =	ssyncset.done $0x0  }
0x63: {  	[sflag:s21] =	ssyncadd.s32 $0xFFFFFF00  }
0x64: {  	[tilespmem:s18], [sflag:$0x3] =	stream.indirect.gather [hbm4b:s4+s17], $0x80, s15, s17, $0xb8;
	[tilespmem:$0x1B280] =	vst v63  }
0x65: {  	_ =	swait.ge [sflag:s19], $0x3C00  }
0x66: {  	[sflag:s19] =	ssyncset.done $0x0  }
0x67: {  	[sflag:s19] =	ssyncadd.s32 $0xFFFFC400  }
0x68: {  	[spmem:s1] =	stream.indirect.scatter.add.f32 [tilespmem:s18], [sflag:$0x5], $0x80, s22, s17, $0xb8;
	[tilespmem:$0x1B280] =	vst v63  }
0x69: {  	s28 =	simm.s32 $0x40;
	_ =	swait.ge [sflag:s14], $0x3C00  }
0x6a: {  	s29 =	simm.s32 $0x80;
	s26 =	sadd.s32 $0x200, s11;
	[sflag:s14] =	ssyncset.done $0x0  }
.LBB2_12:
0x6b: {  	s30 =	sadd.s32 s28, s12  }
0x6c: {  	[sflag:s14] =	ssyncadd.s32 $0xFFFFC400;
	s28 =	smov.u32 s29;
	s31 =	sadd.s32 $0x40, s29  }
0x6d: {  	[tilespmem:s15], [sflag:$0x2] =	stream.linear.gather [hbm4b:s30+s3], $0x100, $0x38;
	[tilespmem:$0x1B280] =	vst v63  }
0x6e: {  	p3 =	sne.s32 s29, $0x6C0;
	_ =	swait.ge [sflag:s16], $0x100  }
0x6f: {  	[sflag:s16] =	ssyncset.done $0x0  }
0x70: {  	[sflag:s16] =	ssyncadd.s32 $0xFFFFFF00  }
0x71: {  	[tilespmem:s18], [sflag:$0x3] =	stream.indirect.gather [hbm4b:s4+s17], $0x80, s3, s17, $0xb8;
	[tilespmem:$0x1B280] =	vst v63  }
0x72: {  	_ =	swait.ge [sflag:s19], $0x3C00  }
0x73: {  	[sflag:s19] =	ssyncset.done $0x0  }
0x74: {  	[sflag:s19] =	ssyncadd.s32 $0xFFFFC400  }
0x75: {  	[spmem:s1] =	stream.indirect.scatter.add.f32 [tilespmem:s18], [sflag:$0x5], $0x80, s20, s17, $0xb8;
	[tilespmem:$0x1B280] =	vst v63  }
0x76: {  	_ =	swait.ge [sflag:s14], $0x3C00  }
0x77: {  	s29 =	sshrl.u32 s26, $0x3;
	[sflag:s14] =	ssyncset.done $0x0  }
0x78: {  	s29 =	sadd.s32 s5, s29;
	[sflag:s14] =	ssyncadd.s32 $0xFFFFC400  }
0x79: {  	[tilespmem:s3], [sflag:$0x1] =	stream.linear.gather [hbm4b:s29+s3], $0x100, $0x38;
	[tilespmem:$0x1B280] =	vst v63  }
0x7a: {  	_ =	swait.ge [sflag:s21], $0x100  }
0x7b: {  	[sflag:s21] =	ssyncset.done $0x0  }
0x7c: {  	[sflag:s21] =	ssyncadd.s32 $0xFFFFFF00  }
0x7d: {  	[tilespmem:s18], [sflag:$0x3] =	stream.indirect.gather [hbm4b:s4+s17], $0x80, s15, s17, $0xb8;
	[tilespmem:$0x1B280] =	vst v63  }
0x7e: {  	_ =	swait.ge [sflag:s19], $0x3C00  }
.Ltmp6:
0x7f: {  	[sflag:s19] =	ssyncset.done $0x0;
	(pc) =	sbr.rel @p3 .LBB2_12-.Ltmp6, $4  }
0x80: {  	[sflag:s19] =	ssyncadd.s32 $0xFFFFC400  }
0x81: {  	[spmem:s1] =	stream.indirect.scatter.add.f32 [tilespmem:s18], [sflag:$0x5], $0x80, s22, s17, $0xb8;
	[tilespmem:$0x1B280] =	vst v63  }
0x82: {  	_ =	swait.ge [sflag:s14], $0x3C00  }
0x83: {  	s26 =	sadd.s32 $0x200, s26;
	s29 =	smov.u32 s31;
	[sflag:s14] =	ssyncset.done $0x0  }
.Ltmp7:
0x84: {  	_ = 	snop;
	(pc) =	sbr.rel .LBB2_13-.Ltmp7, $1  }
0x85: {  	_ =	sdelay $0x3  }
.LBB2_8:
0x86: {  	[tilespmem:s15], [sflag:$0x2] =	stream.linear.gather [hbm4b:s7+s26], $0x100, $0x38;
	[tilespmem:$0x1B280] =	vst v63  }
0x87: {  	_ =	swait.ge [sflag:s16], $0x100  }
0x88: {  	[sflag:s16] =	ssyncset.done $0x0  }
0x89: {  	[sflag:s16] =	ssyncadd.s32 $0xFFFFFF00  }
0x8a: {  	[tilespmem:s18], [sflag:$0x3] =	stream.indirect.gather [hbm4b:s4+s17], $0x80, s26, s17, $0xb8;
	[tilespmem:$0x1B280] =	vst v63  }
0x8b: {  	_ =	swait.ge [sflag:s21], $0x100  }
0x8c: {  	[sflag:s21] =	ssyncset.done $0x0  }
0x8d: {  	[sflag:s21] =	ssyncadd.s32 $0xFFFFFF00  }
0x8e: {  	_ =	swait.ge [sflag:s19], $0x3C00  }
0x8f: {  	[sflag:s19] =	ssyncset.done $0x0  }
0x90: {  	[sflag:s19] =	ssyncadd.s32 $0xFFFFC400  }
0x91: {  	[tilespmem:s13], [sflag:$0x4] =	stream.indirect.gather [hbm4b:s4+s17], $0x80, s15, s17, $0xb8;
	[tilespmem:$0x1B280] =	vst v63  }
0x92: {  	_ = 	snop  }
0x93: {  	[spmem:s1] =	stream.indirect.scatter.add.f32 [tilespmem:s18], [sflag:$0x5], $0x80, s20, s17, $0xb8;
	[tilespmem:$0x1B280] =	vst v63  }
0x94: {  	_ =	swait.ge [sflag:s14], $0x3C00  }
0x95: {  	s31 =	sshrl.u32 s11, $0x3;
	[sflag:s14] =	ssyncset.done $0x0  }
0x96: {  	s26 =	sadd.s32 s5, s31;
	[sflag:s14] =	ssyncadd.s32 $0xFFFFC400  }
0x97: {  	[tilespmem:s3], [sflag:$0x1] =	stream.linear.gather [hbm4b:s26+s3], $0x100, $0x38;
	[tilespmem:$0x1B280] =	vst v63  }
0x98: {  	_ =	swait.ge [sflag:s24], $0x3C00  }
0x99: {  	[sflag:s24] =	ssyncset.done $0x0  }
0x9a: {  	[sflag:s24] =	ssyncadd.s32 $0xFFFFC400  }
0x9b: {  	_ =	swait.ge [sflag:s16], $0x100  }
0x9c: {  	[sflag:s16] =	ssyncset.done $0x0  }
0x9d: {  	[sflag:s16] =	ssyncadd.s32 $0xFFFFFF00  }
0x9e: {  	[tilespmem:s18], [sflag:$0x3] =	stream.indirect.gather [hbm4b:s4+s17], $0x80, s3, s17, $0xb8;
	[tilespmem:$0x1B280] =	vst v63  }
0x9f: {  	_ = 	snop  }
0xa0: {  	[spmem:s1] =	stream.indirect.scatter.add.f32 [tilespmem:s13], [sflag:$0x5], $0x80, s22, s17, $0xb8;
	[tilespmem:$0x1B280] =	vst v63  }
0xa1: {  	_ =	swait.ge [sflag:s14], $0x3C00  }
0xa2: {  	s29 =	sadd.s32 $0x0, s10;
	[sflag:s14] =	ssyncset.done $0x0  }
0xa3: {  	s28 =	sadd.s32 $0x200, s11;
	s26 =	simm.s32 $0x40;
	[sflag:s14] =	ssyncadd.s32 $0xFFFFC400  }
.LBB2_9:
0xa4: {  	[tilespmem:s15], [sflag:$0x2] =	stream.linear.gather [hbm4b:s29+s3], $0x100, $0x38;
	[tilespmem:$0x1B280] =	vst v63  }
0xa5: {  	s29 =	smov.u32 s26  }
0xa6: {  	p3 =	seq.s32 s26, $0xD80;
	s26 =	sadd.s32 $0x40, s26;
	_ =	swait.ge [sflag:s21], $0x100  }
0xa7: {  	[sflag:s21] =	ssyncset.done $0x0  }
0xa8: {  	[sflag:s21] =	ssyncadd.s32 $0xFFFFFF00  }
0xa9: {  	_ =	swait.ge [sflag:s19], $0x3C00  }
0xaa: {  	[sflag:s19] =	ssyncset.done $0x0  }
0xab: {  	[sflag:s19] =	ssyncadd.s32 $0xFFFFC400  }
0xac: {  	[tilespmem:s13], [sflag:$0x4] =	stream.indirect.gather [hbm4b:s4+s17], $0x80, s15, s17, $0xb8;
	[tilespmem:$0x1B280] =	vst v63  }
0xad: {  	_ = 	snop  }
0xae: {  	[spmem:s1] =	stream.indirect.scatter.add.f32 [tilespmem:s18], [sflag:$0x5], $0x80, s20, s17, $0xb8;
	[tilespmem:$0x1B280] =	vst v63  }
0xaf: {  	_ =	swait.ge [sflag:s14], $0x3C00  }
0xb0: {  	s30 =	sshrl.u32 s28, $0x3;
	[sflag:s14] =	ssyncset.done $0x0  }
0xb1: {  	s30 =	sadd.s32 s5, s30;
	[sflag:s14] =	ssyncadd.s32 $0xFFFFC400  }
0xb2: {  	[tilespmem:s3], [sflag:$0x1] =	stream.linear.gather [hbm4b:s30+s3], $0x100, $0x38;
	[tilespmem:$0x1B280] =	vst v63  }
0xb3: {  	_ =	swait.ge [sflag:s24], $0x3C00  }
0xb4: {  	[sflag:s24] =	ssyncset.done $0x0  }
0xb5: {  	[sflag:s24] =	ssyncadd.s32 $0xFFFFC400  }
0xb6: {  	_ =	swait.ge [sflag:s16], $0x100  }
0xb7: {  	[sflag:s16] =	ssyncset.done $0x0  }
0xb8: {  	[sflag:s16] =	ssyncadd.s32 $0xFFFFFF00  }
0xb9: {  	[tilespmem:s18], [sflag:$0x3] =	stream.indirect.gather [hbm4b:s4+s17], $0x80, s3, s17, $0xb8;
	[tilespmem:$0x1B280] =	vst v63  }
.Ltmp8:
0xba: {  	(pc) =	sbr.rel @!p3 .LBB2_9-.Ltmp8, $4  }
0xbb: {  	[spmem:s1] =	stream.indirect.scatter.add.f32 [tilespmem:s13], [sflag:$0x5], $0x80, s22, s17, $0xb8;
	[tilespmem:$0x1B280] =	vst v63  }
0xbc: {  	_ =	swait.ge [sflag:s14], $0x3C00  }
0xbd: {  	[sflag:s14] =	ssyncset.done $0x0  }
0xbe: {  	s28 =	sadd.s32 $0x200, s28;
	s29 =	sadd.s32 s29, s10;
	[sflag:s14] =	ssyncadd.s32 $0xFFFFC400  }
0xbf: {  	[tilespmem:s15], [sflag:$0x2] =	stream.linear.gather [hbm4b:s29+s3], $0x100, $0x38;
	[tilespmem:$0x1B280] =	vst v63  }
0xc0: {  	_ =	swait.ge [sflag:s21], $0x100  }
0xc1: {  	[sflag:s21] =	ssyncset.done $0x0  }
0xc2: {  	[sflag:s21] =	ssyncadd.s32 $0xFFFFFF00  }
0xc3: {  	_ =	swait.ge [sflag:s19], $0x3C00  }
0xc4: {  	[sflag:s19] =	ssyncset.done $0x0  }
0xc5: {  	[sflag:s19] =	ssyncadd.s32 $0xFFFFC400  }
0xc6: {  	[tilespmem:s13], [sflag:$0x4] =	stream.indirect.gather [hbm4b:s4+s17], $0x80, s15, s17, $0xb8;
	[tilespmem:$0x1B280] =	vst v63  }
0xc7: {  	_ = 	snop  }
0xc8: {  	[spmem:s1] =	stream.indirect.scatter.add.f32 [tilespmem:s18], [sflag:$0x5], $0x80, s20, s17, $0xb8;
	[tilespmem:$0x1B280] =	vst v63  }
0xc9: {  	_ =	swait.ge [sflag:s14], $0x3C00  }
0xca: {  	[sflag:s14] =	ssyncset.done $0x0  }
0xcb: {  	[sflag:s14] =	ssyncadd.s32 $0xFFFFC400  }
0xcc: {  	_ =	swait.ge [sflag:s24], $0x3C00  }
0xcd: {  	[sflag:s24] =	ssyncset.done $0x0  }
.Ltmp9:
0xce: {  	[sflag:s24] =	ssyncadd.s32 $0xFFFFC400;
	(pc) =	sbr.rel .LBB2_14-.Ltmp9, $4  }
0xcf: {  	[spmem:s1] =	stream.indirect.scatter.add.f32 [tilespmem:s13], [sflag:$0x5], $0x80, s22, s17, $0xb8;
	[tilespmem:$0x1B280] =	vst v63  }
0xd0: {  	_ =	swait.ge [sflag:s14], $0x3C00  }
0xd1: {  	[sflag:s14] =	ssyncset.done $0x0  }
0xd2: {  	[sflag:s14] =	ssyncadd.s32 $0xFFFFC400  }
.LBB2_15:
0xd3: {  	_ =	sfence.sel $0x180000  }
0xd4: {  	[bflag:$0x0] =	sbarrier.arrive $0xFFFF  }
0xd5: {  	p0 =	sne.s32 s2, $0x0;
	_ =	strace $0x9000004A  }
0xd6: {  	s0 =	sadd.s32 @!p0 $0x100000, s0;
	[bflag:$0x2] =	sbarrier.arrive $0xFFFF  }
0xd7: {  	[sflag:s0] =	ssyncadd.tile.s32 @!p0 $0x1;
	_ =	shalt  }
.Lfunc_end2:
_tile_overlayer_lowered:
.L_overlay_start_2:
0xd8: {  	(tag) =	ssettag $0x2  }
0xd9: {  	s0 =	rddreg [dreg:$0x0];
	s2 =	stileid.u32  }
0xda: {  	s1 =	rddreg [dreg:$0x1];
	p0 =	sne.s32 s2, $0x0  }
0xdb: {  	s3 =	rddreg [dreg:$0x2];
	[bflag:$0x3] =	sbarrier.arrive $0xFFFF;
	s2 =	simm.s32 @!p0 $0x1C05  }
0xdc: {  	[timem:s3], [sflag:s2] =	dma.local @!p0 [hbm:s0], s1  }
0xdd: {  	s0 =	simm.s32 @!p0 $0x5  }
0xde: {  	_ =	swait.ge @!p0 [sflag:s0], s1  }
0xdf: {  	s1 =	ssub.s32 @!p0 $0x0, s1;
	[sflag:s0] =	ssyncset.done @!p0 $0x0  }
0xe0: {  	[sflag:s0] =	ssyncadd.s32 @!p0 s1  }
0xe1: {  	[bflag:$0x3] =	sbarrier.arrive $0xFFFF  }
0xe2: {  	_ =	shalt  }

// kernel: _run.14.cloned.1.call-start
scs
__scs_entry_jumppad:
0x0: {  	(pc) =	sbr.rel $0x88, $3  }
0x1: {  	(tag) =	ssettag $0x0;
	lr =	simm.s32 $0x1  }
0x2: {  	[smem:$0x3F94] =	sst lr;
	_ =	strace $0xD0000000  }
0x3: {  	_ = 	snop  }
0x4: {  	_ = 	snop  }
0x5: {  	_ = 	snop  }
0x6: {  	_ = 	snop  }
0x7: {  	_ = 	snop  }
__scs_overlays_trampoline_lowered:
0x8: {  	[smem:$0x3FA3] =	sst s0  }
0x9: {  	[smem:$0x3FA4] =	sst s1  }
0xa: {  	[smem:$0x3FA5] =	sst s2  }
0xb: {  	[smem:$0x3FA6] =	sst s3  }
0xc: {  	[smem:$0x3FA7] =	sst s4  }
0xd: {  	[smem:$0x3FA8] =	sst s5  }
0xe: {  	[smem:$0x3FA9] =	sst s6  }
0xf: {  	[smem:$0x3FAA] =	sst s7  }
0x10: {  	[smem:$0x3FAB] =	sst s8  }
0x11: {  	[smem:$0x3FAC] =	sst s9;
	s0 =	simm.s32 @!p0 $0x0  }
0x12: {  	s1 =	sld [smem:$0x3F92];
	s0 =	simm.s32 @p0 $0x1  }
0x13: {  	[smem:$0x3FAD] =	sst s0;
	s0 =	simm.s32 @!p1 $0x0  }
0x14: {  	s2 =	sld [smem:$0x3F91];
	s0 =	simm.s32 @p1 $0x1  }
0x15: {  	[smem:$0x3FAE] =	sst s0;
	s0 =	simm.s32 @!p2 $0x0  }
0x16: {  	s3 =	sld [smem:$0x3FDB];
	s0 =	simm.s32 @p2 $0x1  }
0x17: {  	s4 =	simm.s32 $0x1BF5;
	[smem:$0x3FB0] =	sst s0  }
0x18: {  	s0 =	sld [smem:$0x3F93];
	_ =	swait.ge [sflag:s4], $0x0  }
0x19: {  	s7 =	sld [smem:$0x3F94]  }
0x1a: {  	s8 =	sadd.s32 $0xFFFFE003, lr  }
0x1b: {  	s9 =	sadd.s32 $0xFFFFFEF7, lr;
	s5 =	simm.s32 $0xFFFFFFFF;
	p2 =	slt.u32 s8, $0xFFFFF086  }
0x1c: {  	p1 =	slt.u32 s9, $0xF7A;
	s5 =	simm.s32 @!p2 $0x0  }
0x1d: {  	s5 =	simm.s32 @p1 $0x1;
	p0 =	seq.s32 s7, s2  }
0x1e: {  	s7 =	smul.u32 @!p0 $0xF7A, s2;
	p2 =	seq.s32 @!p0 s5, $0x0  }
0x1f: {  	s9 =	smul.u32 $0xF7A, s1;
	s8 =	simm.s32 @!p0 $0x1BF5;
	p2 =	por !p2, p0  }
0x20: {  	[sflag:s8] =	ssyncset.s32 @!p0 $0xFFFFF086;
	s6 =	sadd.s32 @!p0 s3, s7;
	s7 =	simm.s32 @!p0 $0x108  }
0x21: {  	s3 =	sadd.s32 s3, s9;
	s6 =	sadd.s32 @!p0 $0x88, s6;
	s7 =	simm.s32 @p2 $0x1082  }
0x22: {  	[simem:s7], [sflag:s8] =	dma.local @!p0 [hbm:s6], $0xF7A  }
0x23: {  	s9 =	sor.u32 $0xD0000000, s2;
	s6 =	simm.s32 $0x108;
	_ =	swait.ge @!p0 [sflag:s8], $0x0  }
0x24: {  	s3 =	sadd.s32 $0x88, s3;
	s6 =	simm.s32 @!p1 $0x1082;
	[sflag:s4] =	ssyncset.s32 $0xFFFFF086  }
0x25: {  	[simem:s6], [sflag:s4] =	dma.local [hbm:s3], $0xF7A  }
0x26: {  	[smem:$0x3F94] =	sst s1;
	(tag) =	ssettag s2;
	_ =	strace s9  }
0x27: {  	s1 =	sld [smem:$0x3FA4]  }
0x28: {  	s2 =	sld [smem:$0x3FA5]  }
0x29: {  	s4 =	sld [smem:$0x3FA7]  }
0x2a: {  	p0 =	seq.s32 s5, $0x0;
	s5 =	sld [smem:$0x3FA8]  }
0x2b: {  	s6 =	sld [smem:$0x3FA9]  }
0x2c: {  	s7 =	sld [smem:$0x3FAA]  }
0x2d: {  	s3 =	simm.s32 $0x108;
	s8 =	sld [smem:$0x3FAB]  }
0x2e: {  	s3 =	simm.s32 @!p0 $0x1082;
	s9 =	sld [smem:$0x3FAC]  }
0x2f: {  	lr =	sadd.s32 s0, s3;
	s0 =	sld [smem:$0x3FA3]  }
0x30: {  	s3 =	sld [smem:$0x3FA6]  }
0x31: {  	[smem:$0x3FAF] =	sst s10  }
0x32: {  	s10 =	sld [smem:$0x3FAD];
	_ =	sdelay $0x3  }
0x33: {  	p0 =	seq.s32 s10, $0x1;
	s10 =	sld [smem:$0x3FAF];
	_ =	sdelay $0x3  }
0x34: {  	[smem:$0x3FAF] =	sst s10  }
0x35: {  	s10 =	sld [smem:$0x3FAE];
	_ =	sdelay $0x3  }
0x36: {  	p1 =	seq.s32 s10, $0x1;
	s10 =	sld [smem:$0x3FAF];
	_ =	sdelay $0x3  }
0x37: {  	[smem:$0x3FAF] =	sst s10  }
0x38: {  	s10 =	sld [smem:$0x3FB0]  }
0x39: {  	_ = 	snop;
	(pc) =	sbr.ind lr, $3  }
0x3a: {  	_ = 	snop  }
0x3b: {  	_ = 	snop  }
0x3c: {  	p2 =	seq.s32 s10, $0x1;
	s10 =	sld [smem:$0x3FAF]  }
0x3d: {  	_ =	shalt  }
0x3e: {  	_ =	shalt  }
0x3f: {  	_ =	shalt  }
0x40: {  	_ =	shalt  }
0x41: {  	_ =	shalt  }
0x42: {  	_ =	shalt  }
0x43: {  	_ =	shalt  }
0x44: {  	_ =	shalt  }
0x45: {  	_ =	shalt  }
0x46: {  	_ =	shalt  }
0x47: {  	_ =	shalt  }
0x48: {  	_ =	shalt  }
0x49: {  	_ =	shalt  }
0x4a: {  	_ =	shalt  }
0x4b: {  	_ =	shalt  }
0x4c: {  	_ =	shalt  }
0x4d: {  	_ =	shalt  }
0x4e: {  	_ =	shalt  }
0x4f: {  	_ =	shalt  }
0x50: {  	_ =	shalt  }
0x51: {  	_ =	shalt  }
0x52: {  	_ =	shalt  }
0x53: {  	_ =	shalt  }
0x54: {  	_ =	shalt  }
0x55: {  	_ =	shalt  }
0x56: {  	_ =	shalt  }
0x57: {  	_ =	shalt  }
0x58: {  	_ =	shalt  }
0x59: {  	_ =	shalt  }
0x5a: {  	_ =	shalt  }
0x5b: {  	_ =	shalt  }
0x5c: {  	_ =	shalt  }
0x5d: {  	_ =	shalt  }
0x5e: {  	_ =	shalt  }
0x5f: {  	_ =	shalt  }
0x60: {  	_ =	shalt  }
0x61: {  	_ =	shalt  }
0x62: {  	_ =	shalt  }
0x63: {  	_ =	shalt  }
0x64: {  	_ =	shalt  }
0x65: {  	_ =	shalt  }
0x66: {  	_ =	shalt  }
0x67: {  	_ =	shalt  }
0x68: {  	_ =	shalt  }
0x69: {  	_ =	shalt  }
0x6a: {  	_ =	shalt  }
0x6b: {  	_ =	shalt  }
0x6c: {  	_ =	shalt  }
0x6d: {  	_ =	shalt  }
0x6e: {  	_ =	shalt  }
0x6f: {  	_ =	shalt  }
0x70: {  	_ =	shalt  }
0x71: {  	_ =	shalt  }
0x72: {  	_ =	shalt  }
0x73: {  	_ =	shalt  }
0x74: {  	_ =	shalt  }
0x75: {  	_ =	shalt  }
0x76: {  	_ =	shalt  }
0x77: {  	_ =	shalt  }
0x78: {  	_ =	shalt  }
0x79: {  	_ =	shalt  }
0x7a: {  	_ =	shalt  }
0x7b: {  	_ =	shalt  }
0x7c: {  	_ =	shalt  }
0x7d: {  	_ =	shalt  }
0x7e: {  	_ =	shalt  }
0x7f: {  	_ =	shalt  }
0x80: {  	_ =	shalt  }
0x81: {  	_ =	shalt  }
0x82: {  	_ =	shalt  }
0x83: {  	_ =	shalt  }
0x84: {  	_ =	shalt  }
0x85: {  	_ =	shalt  }
0x86: {  	_ =	shalt  }
0x87: {  	_ =	shalt  }
.Lfunc_end0:
.L_simem_size_0:
called_computation.2_lowered:
.L_overlay_start_0:
0x88: {  	s2 =	sld [smem:$0x3FD9]  }
0x89: {  	s3 =	sld [smem:$0x3FFE];
	_ =	sdelay $0x1  }
0x8a: {  	s1 =	srdreg.scid  }
0x8b: {  	s0 =	sand.u32 $0x1, s1  }
0x8c: {  	s16 =	sshll.u32 s0, $0xA;
	s2 =	sadd.s32 s3, s2  }
0x8d: {  	s2 =	sadd.s32 s2, s16  }
0x8e: {  	[smem:$0x3FBB] =	sst s2  }
0x8f: {  	_ = 	snop  }
0x90: {  	(tm) =	ssettm $0x1  }
0x91: {  	s17 =	sld [smem:$0x3FFB];
	_ =	sdelay $0x3  }
0x92: {  	_ =	strace s17  }
0x93: {  	s2 =	sld [smem:$0x3FFC];
	_ =	sdelay $0x3  }
0x94: {  	_ =	strace s2  }
0x95: {  	s2 =	sld [smem:$0x3FFD];
	_ =	sdelay $0x3  }
0x96: {  	_ =	strace s2  }
0x97: {  	_ =	strace $0x8FFFFFFF  }
0x98: {  	s18 =	sld [smem:$0x3FDB];
	_ =	sdelay $0x1  }
0x99: {  	s19 =	simm.s32 $_scs_section_size  }
0x9a: {  	s4 =	simm.s32 $_size__tile_overlayer_lowered;
	s5 =	simm.s32 $_tile_overlayer_lowered  }
0x9b: {  	s22 =	simm.s32 $0x1BFF;
	s21 =	sshll.u32 s5, $0x1;
	s2 =	sadd.s32 s19, s18  }
0x9c: {  	s6 =	simm.s32 $0x0;
	s20 =	sshll.u32 s4, $0x1;
	s4 =	sadd.s32 s21, s2  }
0x9d: {  	[timem:s6], [sflag:s22] =	dma.local [hbm:s4], s20  }
0x9e: {  	_ =	swait.ge [sflag:s22], s20  }
0x9f: {  	s3 =	ssub.s32 $0x0, s20;
	[sflag:s22] =	ssyncset.done $0x0  }
0xa0: {  	[sflag:s22] =	ssyncadd.s32 s3;
	_ =	sdelay $0x1  }
0xa1: {  	s23 =	simm.s32 $0x1B8B  }
0xa2: {  	_ =	swait.ge [sflag:s23], $0x1  }
0xa3: {  	[sflag:s23] =	ssyncset.done $0x0  }
0xa4: {  	s25 =	simm.s32 $0x1B8E;
	s24 =	sld [smem:$0x3FFE];
	[sflag:s23] =	ssyncadd.s32 $0xFFFFFFFF  }
0xa5: {  	s26 =	simm.s32 $execute0_lowered;
	[smem:$0x3FD2] =	sst s25  }
0xa6: {  	s4 =	sshll.u32 s26, $0x1;
	_ =	strace $0x8000004C;
	[dreg:$0x1] =	wrdreg $0xFFFFFFFF  }
0xa7: {  	s28 =	simm.s32 $_size_execute0_lowered;
	s2 =	sadd.s32 s2, s4;
	[dreg:$0x0] =	wrdreg $0x0  }
0xa8: {  	s4 =	sshll.u32 s28, $0x1;
	[dreg:$0x2] =	wrdreg s2  }
0xa9: {  	[dreg:$0x3] =	wrdreg s4  }
0xaa: {  	[dreg:$0x4] =	wrdreg $0xC0  }
0xab: {  	_ =	task [dreg:s6], $0x5FFFF  }
0xac: {  	[dreg:$0x1] =	wrdreg $0xFFFFFFFF  }
0xad: {  	[dreg:$0x0] =	wrdreg $0x60  }
0xae: {  	[dreg:$0x2] =	wrdreg s24  }
0xaf: {  	[dreg:$0x3] =	wrdreg $0x7A000  }
0xb0: {  	[dreg:$0x4] =	wrdreg $0x9  }
0xb1: {  	_ =	task.clear_ibuf [dreg:s6], $0x5FFFF;
	_ =	strace $0x9000004C  }
0xb2: {  	s29 =	simm.s32 $0x9;
	_ =	strace $0x8000004E  }
0xb3: {  	_ =	swait.ge [sflag:s29], $0x1  }
0xb4: {  	[sflag:s29] =	ssyncadd.s32 $0xFFFFFFFF  }
0xb5: {  	_ =	strace $0x9000004E  }
0xb6: {  	_ =	sfence  }
0xb7: {  	s30 =	sld [smem:$0x0];
	_ =	sdelay $0x2  }
0xb8: {  	s31 =	sshll.u32 s1, $0xD;
	s1 =	sshrl.u32 s1, $0x2  }
0xb9: {  	s3 =	sand.u32 $0x4000, s31;
	s1 =	sadd.s32 s1, s30  }
0xba: {  	s0 =	sor.u32 s3, s0;
	s1 =	sshll.u32 s1, $0x11  }
0xbb: {  	s0 =	sor.u32 s1, s0  }
0xbc: {  	s0 =	sadd.s32 $0x8F2B, s0  }
0xbd: {  	[sflag:s0] =	ssyncadd.remote.s32 $0x1  }
0xbe: {  	_ =	sfence.sel $0xFFFF  }
0xbf: {  	[dreg:$0x0] =	wrdreg $0xFFFFFFFF;
	(pc) =	sbr.abs _section_cstart, $3  }
0xc0: {  	[dreg:$0x1] =	wrdreg $0xFFFFFFFF  }
0xc1: {  	_ =	task.clear_ibuf [dreg:s6], $0x2FFFF;
	_ =	strace $0x9FFFFFFF  }
0xc2: {  	(tm) =	ssettm $0x7FFFFFFF  }
0xc3: {  	_ =	shalt  }
tec
execute0_lowered:
.L_overlay_start_1:
0x0: {  	(tag) =	ssettag $0x1  }
0x1: {  	s6 =	rddreg [dreg:$0x0]  }
0x2: {  	s1 =	rddreg [dreg:$0x1]  }
0x3: {  	s2 =	srdreg.scid;
	s0 =	rddreg [dreg:$0x2]  }
0x4: {  	s3 =	simm.s32 $0x0;
	s14 =	simm.s32 $0x5;
	s15 =	simm.s32 $0x100  }
0x5: {  	s16 =	simm.s32 $0x1;
	s17 =	simm.s32 $0x78;
	s18 =	simm.s32 $0x200  }
0x6: {  	s19 =	simm.s32 $0x3;
	s20 =	simm.s32 $0x80;
	s7 =	sand.u32 $0x1, s2  }
0x7: {  	s21 =	simm.s32 $0x2;
	s2 =	stileid.u32;
	s8 =	smul.u32 $0x27100, s7  }
0x8: {  	s22 =	simm.s32 $0x180;
	s25 =	simm.s32 $0x0;
	s10 =	smul.u32 $0x7D000, s2  }
0x9: {  	[smem:$0x7FF] =	sst s3;
	s5 =	sadd.s32 $0x3800, s6;
	s12 =	smul.u32 $0x72000, s7  }
0xa: {  	s4 =	sshll.u32 s7, $0x4;
	_ =	strace $0x8000004D;
	s30 =	smul.u32 $0x7200, s2  }
0xb: {  	s29 =	ssub.s32 $0x2, s7;
	p0 =	seq.s32 s7, $0x1;
	s24 =	smul.u32 $0x3E80, s2  }
0xc: {  	p1 =	slt.u32 s2, $0xA;
	p2 =	sgt.u32 s2, $0x9;
	s9 =	sor.u32 s2, s4  }
0xd: {  	s4 =	sadd.s32 $0x20000, s6;
	s11 =	sshrl.u32 s29, $0x1;
	s9 =	smul.u32 $0x7200, s9  }
0xe: {  	s8 =	sadd.s32 s8, s6;
	s11 =	ssub.s32 s29, s11;
	s10 =	sshrl.u32 s10, $0x2  }
0xf: {  	s12 =	sadd.s32 s30, s12;
	s23 =	sadd.s32 $0x48000, s8;
	s8 =	sadd.s32 s10, s1  }
.Ltmp0:
0x10: {  	s31 =	sadd.s32 $0x300, s12;
	s13 =	sor.u32 $0x100, s12;
	(pc) =	sbr.rel .LBB2_1-.Ltmp0, $4  }
0x11: {  	s9 =	sshrl.u32 s9, $0x3;
	s10 =	sshrl.u32 s31, $0x3;
	s13 =	sshrl.u32 s13, $0x3  }
0x12: {  	s23 =	sadd.s32 @!p2 s24, s23;
	s24 =	simm.s32 $0x4;
	s6 =	sadd.s32 s5, s9  }
0x13: {  	s9 =	smax.u32 s11, $0x1;
	s10 =	sadd.s32 s10, s5;
	s11 =	sadd.s32 $0x200, s12  }
0x14: {  	v0 =	vimm.f32 $0.0e+00;
	s12 =	sadd.s32 s13, s5;
	s13 =	simm.s32 $0x3E00;
	s7 =	sadd.s32 $0x20, s6  }
.LBB2_13:
0x15: {  	s28 =	sadd.s32 s28, s12;
	[sflag:s14] =	ssyncadd.s32 $0xFFFFC400  }
0x16: {  	[tilespmem:s15], [sflag:$0x2] =	stream.linear.gather [hbm4b:s28+s3], $0x100, $0x38;
	[tilespmem:$0x1B280] =	vst v63  }
0x17: {  	_ =	swait.ge [sflag:s16], $0x100  }
0x18: {  	[sflag:s16] =	ssyncset.done $0x0  }
0x19: {  	[sflag:s16] =	ssyncadd.s32 $0xFFFFFF00  }
0x1a: {  	[tilespmem:s18], [sflag:$0x3] =	stream.indirect.gather [hbm4b:s4+s17], $0x80, s3, s17, $0xb8;
	[tilespmem:$0x1B280] =	vst v63  }
0x1b: {  	_ =	swait.ge [sflag:s19], $0x3C00  }
0x1c: {  	[sflag:s19] =	ssyncset.done $0x0  }
0x1d: {  	[sflag:s19] =	ssyncadd.s32 $0xFFFFC400  }
0x1e: {  	[spmem:s1] =	stream.indirect.scatter.add.f32 [tilespmem:s18], [sflag:$0x5], $0x80, s20, s17, $0xb8;
	[tilespmem:$0x1B280] =	vst v63  }
0x1f: {  	_ =	swait.ge [sflag:s14], $0x3C00  }
0x20: {  	s26 =	sshrl.u32 s26, $0x3;
	[sflag:s14] =	ssyncset.done $0x0  }
0x21: {  	s26 =	sadd.s32 s5, s26;
	[sflag:s14] =	ssyncadd.s32 $0xFFFFC400  }
0x22: {  	[tilespmem:s3], [sflag:$0x1] =	stream.linear.gather [hbm4b:s26+s3], $0x100, $0x38;
	[tilespmem:$0x1B280] =	vst v63  }
0x23: {  	_ =	swait.ge [sflag:s21], $0x100  }
0x24: {  	[sflag:s21] =	ssyncset.done $0x0  }
0x25: {  	[sflag:s21] =	ssyncadd.s32 $0xFFFFFF00  }
0x26: {  	[tilespmem:s18], [sflag:$0x3] =	stream.indirect.gather [hbm4b:s4+s17], $0x80, s15, s17, $0xb8;
	[tilespmem:$0x1B280] =	vst v63  }
0x27: {  	_ =	swait.ge [sflag:s19], $0x3C00  }
0x28: {  	[sflag:s19] =	ssyncset.done $0x0  }
0x29: {  	[sflag:s19] =	ssyncadd.s32 $0xFFFFC400  }
0x2a: {  	[spmem:s1] =	stream.indirect.scatter.add.f32 [tilespmem:s18], [sflag:$0x5], $0x80, s22, s17, $0xb8;
	[tilespmem:$0x1B280] =	vst v63  }
0x2b: {  	_ =	swait.ge [sflag:s14], $0x3C00  }
0x2c: {  	[sflag:s14] =	ssyncset.done $0x0  }
0x2d: {  	[sflag:s14] =	ssyncadd.s32 $0xFFFFC400  }
0x2e: {  	_ =	swait.ge [sflag:s16], $0x100  }
0x2f: {  	[sflag:s16] =	ssyncset.done $0x0  }
0x30: {  	[sflag:s16] =	ssyncadd.s32 $0xFFFFFF00  }
.LBB2_14:
0x31: {  	s26 =	sshll.u32 @!p2 s2, $0x6;
	[bflag:$0x0] =	sbarrier.arrive $0xFFFF;
	s25 =	sadd.s32 $0x1, s25  }
0x32: {  	s28 =	sshrl.u32 @!p2 s8, $0x3;
	s26 =	sor.u32 @!p2 $0x1C05, s26;
	p3 =	sne.s32 s25, s9  }
0x33: {  	[hbm:s23], [sflag:s26] =	dma.local @!p2 [spmem:s28], $0x3E80  }
.Ltmp1:
0x34: {  	_ = 	snop;
	(pc) =	sbr.rel @!p3 .LBB2_15-.Ltmp1, $4  }
0x35: {  	s26 =	simm.s32 @!p2 $0x5  }
0x36: {  	_ =	swait.ge @!p2 [sflag:s26], $0x3E80  }
0x37: {  	[sflag:s26] =	ssyncset.done @!p2 $0x0  }
0x38: {  	[sflag:s26] =	ssyncadd.s32 @!p2 $0xFFFFC180  }
.LBB2_1:
.Ltmp2:
0x39: {  	(pc) =	sbr.rel @!p1 .LBB2_7-.Ltmp2, $1  }
0x3a: {  	_ =	sdelay $0x3  }
0x3b: {  	s26 =	sand.u32 $0x7E00, s3  }
0x3c: {  	s28 =	sand.u32 $0x70, s3;
	s29 =	sshrl.u32 s26, $0x2  }
0x3d: {  	s26 =	simm.s32 $0x40;
	s29 =	sor.u32 s28, s29;
	s28 =	simm.s32 $0x0  }
.LBB2_3:
0x3e: {  	p3 =	seq.s32 s26, $0x4FC0  }
0x3f: {  	[tilespmem:s29+$0x3E00] =	vst v0;
	s28 =	sadd.s32 $0x10, s28;
	s29 =	smov.u32 s26;
	s26 =	sadd.s32 $0x40, s26  }
.Ltmp3:
0x40: {  	(pc) =	sbr.rel @!p3 .LBB2_3-.Ltmp3, $4  }
0x41: {  	_ = 	snop  }
0x42: {  	s29 =	sand.u32 $0x7E00, s29  }
0x43: {  	s30 =	sand.u32 $0x70, s28;
	s29 =	sshrl.u32 s29, $0x2  }
0x44: {  	s29 =	sor.u32 s30, s29  }
0x45: {  	[tilespmem:s29+$0x3E00] =	vst v0;
	s26 =	sadd.s32 $0x0, s8  }
0x46: {  	[spmem:s26] =	stream.linear.scatter [tilespmem:s13], [sflag:$0x5], $0x1400, $0x38;
	[tilespmem:$0x1B280] =	vst v63  }
0x47: {  	s26 =	simm.s32 $0x5000;
	_ =	swait.ge [sflag:s14], $0x1400  }
.LBB2_5:
0x48: {  	s28 =	sshra.s32 s26, $0x2;
	[sflag:s14] =	ssyncset.done $0x0;
	p3 =	sne.s32 s26, $0x78000  }
.Ltmp4:
0x49: {  	s28 =	sadd.s32 s28, s8;
	[sflag:s14] =	ssyncadd.s32 $0xFFFFEC00;
	(pc) =	sbr.rel @p3 .LBB2_5-.Ltmp4, $3  }
0x4a: {  	[spmem:s28] =	stream.linear.scatter [tilespmem:s13], [sflag:$0x5], $0x1400, $0x38;
	[tilespmem:$0x1B280] =	vst v63  }
0x4b: {  	s26 =	sadd.s32 $0x5000, s26;
	_ =	sdelay $0x1  }
0x4c: {  	_ =	swait.ge [sflag:s14], $0x1400  }
0x4d: {  	[sflag:s14] =	ssyncset.done $0x0  }
0x4e: {  	[sflag:s14] =	ssyncadd.s32 $0xFFFFEC00  }
.LBB2_7:
.Ltmp5:
0x4f: {  	(pc) =	sbr.rel @!p0 .LBB2_8-.Ltmp5, $3  }
0x50: {  	_ =	sdelay $0x1  }
0x51: {  	[bflag:$0x0] =	sbarrier.arrive $0xFFFF;
	s26 =	simm.s32 $0x0  }
0x52: {  	[tilespmem:s26], [sflag:$0x1] =	stream.linear.gather [hbm4b:s6+s26], $0x100, $0x38;
	[tilespmem:$0x1B280] =	vst v63  }
0x53: {  	s26 =	sadd.s32 $0x0, s12  }
0x54: {  	[tilespmem:s15], [sflag:$0x2] =	stream.linear.gather [hbm4b:s26+s3], $0x100, $0x38;
	[tilespmem:$0x1B280] =	vst v63  }
0x55: {  	_ =	swait.ge [sflag:s16], $0x100  }
0x56: {  	[sflag:s16] =	ssyncset.done $0x0  }
0x57: {  	[sflag:s16] =	ssyncadd.s32 $0xFFFFFF00  }
0x58: {  	[tilespmem:s18], [sflag:$0x3] =	stream.indirect.gather [hbm4b:s4+s17], $0x80, s3, s17, $0xb8;
	[tilespmem:$0x1B280] =	vst v63  }
0x59: {  	_ =	swait.ge [sflag:s19], $0x3C00  }
0x5a: {  	[sflag:s19] =	ssyncset.done $0x0  }
0x5b: {  	[sflag:s19] =	ssyncadd.s32 $0xFFFFC400  }
0x5c: {  	[spmem:s1] =	stream.indirect.scatter.add.f32 [tilespmem:s18], [sflag:$0x5], $0x80, s20, s17, $0xb8;
	[tilespmem:$0x1B280] =	vst v63  }
0x5d: {  	_ =	swait.ge [sflag:s14], $0x3C00  }
0x5e: {  	s31 =	sshrl.u32 s11, $0x3;
	[sflag:s14] =	ssyncset.done $0x0  }
0x5f: {  	s26 =	sadd.s32 s5, s31;
	[sflag:s14] =	ssyncadd.s32 $0xFFFFC400  }
0x60: {  	[tilespmem:s3], [sflag:$0x1] =	stream.linear.gather [hbm4b:s26+s3], $0x100, $0x38;
	[tilespmem:$0x1B280] =	vst v63  }
0x61: {  	_ =	swait.ge [sflag:s21], $0x100  }
0x62: {  	[sflag:s21] =	ssyncset.done $0x0  }
0x63: {  	[sflag:s21] =	ssyncadd.s32 $0xFFFFFF00  }
0x64: {  	[tilespmem:s18], [sflag:$0x3] =	stream.indirect.gather [hbm4b:s4+s17], $0x80, s15, s17, $0xb8;
	[tilespmem:$0x1B280] =	vst v63  }
0x65: {  	_ =	swait.ge [sflag:s19], $0x3C00  }
0x66: {  	[sflag:s19] =	ssyncset.done $0x0  }
0x67: {  	[sflag:s19] =	ssyncadd.s32 $0xFFFFC400  }
0x68: {  	[spmem:s1] =	stream.indirect.scatter.add.f32 [tilespmem:s18], [sflag:$0x5], $0x80, s22, s17, $0xb8;
	[tilespmem:$0x1B280] =	vst v63  }
0x69: {  	s28 =	simm.s32 $0x40;
	_ =	swait.ge [sflag:s14], $0x3C00  }
0x6a: {  	s29 =	simm.s32 $0x80;
	s26 =	sadd.s32 $0x200, s11;
	[sflag:s14] =	ssyncset.done $0x0  }
.LBB2_12:
0x6b: {  	s30 =	sadd.s32 s28, s12  }
0x6c: {  	[sflag:s14] =	ssyncadd.s32 $0xFFFFC400;
	s28 =	smov.u32 s29;
	s31 =	sadd.s32 $0x40, s29  }
0x6d: {  	[tilespmem:s15], [sflag:$0x2] =	stream.linear.gather [hbm4b:s30+s3], $0x100, $0x38;
	[tilespmem:$0x1B280] =	vst v63  }
0x6e: {  	p3 =	sne.s32 s29, $0x6C0;
	_ =	swait.ge [sflag:s16], $0x100  }
0x6f: {  	[sflag:s16] =	ssyncset.done $0x0  }
0x70: {  	[sflag:s16] =	ssyncadd.s32 $0xFFFFFF00  }
0x71: {  	[tilespmem:s18], [sflag:$0x3] =	stream.indirect.gather [hbm4b:s4+s17], $0x80, s3, s17, $0xb8;
	[tilespmem:$0x1B280] =	vst v63  }
0x72: {  	_ =	swait.ge [sflag:s19], $0x3C00  }
0x73: {  	[sflag:s19] =	ssyncset.done $0x0  }
0x74: {  	[sflag:s19] =	ssyncadd.s32 $0xFFFFC400  }
0x75: {  	[spmem:s1] =	stream.indirect.scatter.add.f32 [tilespmem:s18], [sflag:$0x5], $0x80, s20, s17, $0xb8;
	[tilespmem:$0x1B280] =	vst v63  }
0x76: {  	_ =	swait.ge [sflag:s14], $0x3C00  }
0x77: {  	s29 =	sshrl.u32 s26, $0x3;
	[sflag:s14] =	ssyncset.done $0x0  }
0x78: {  	s29 =	sadd.s32 s5, s29;
	[sflag:s14] =	ssyncadd.s32 $0xFFFFC400  }
0x79: {  	[tilespmem:s3], [sflag:$0x1] =	stream.linear.gather [hbm4b:s29+s3], $0x100, $0x38;
	[tilespmem:$0x1B280] =	vst v63  }
0x7a: {  	_ =	swait.ge [sflag:s21], $0x100  }
0x7b: {  	[sflag:s21] =	ssyncset.done $0x0  }
0x7c: {  	[sflag:s21] =	ssyncadd.s32 $0xFFFFFF00  }
0x7d: {  	[tilespmem:s18], [sflag:$0x3] =	stream.indirect.gather [hbm4b:s4+s17], $0x80, s15, s17, $0xb8;
	[tilespmem:$0x1B280] =	vst v63  }
0x7e: {  	_ =	swait.ge [sflag:s19], $0x3C00  }
.Ltmp6:
0x7f: {  	[sflag:s19] =	ssyncset.done $0x0;
	(pc) =	sbr.rel @p3 .LBB2_12-.Ltmp6, $4  }
0x80: {  	[sflag:s19] =	ssyncadd.s32 $0xFFFFC400  }
0x81: {  	[spmem:s1] =	stream.indirect.scatter.add.f32 [tilespmem:s18], [sflag:$0x5], $0x80, s22, s17, $0xb8;
	[tilespmem:$0x1B280] =	vst v63  }
0x82: {  	_ =	swait.ge [sflag:s14], $0x3C00  }
0x83: {  	s26 =	sadd.s32 $0x200, s26;
	s29 =	smov.u32 s31;
	[sflag:s14] =	ssyncset.done $0x0  }
.Ltmp7:
0x84: {  	_ = 	snop;
	(pc) =	sbr.rel .LBB2_13-.Ltmp7, $1  }
0x85: {  	_ =	sdelay $0x3  }
.LBB2_8:
0x86: {  	[tilespmem:s15], [sflag:$0x2] =	stream.linear.gather [hbm4b:s7+s26], $0x100, $0x38;
	[tilespmem:$0x1B280] =	vst v63  }
0x87: {  	_ =	swait.ge [sflag:s16], $0x100  }
0x88: {  	[sflag:s16] =	ssyncset.done $0x0  }
0x89: {  	[sflag:s16] =	ssyncadd.s32 $0xFFFFFF00  }
0x8a: {  	[tilespmem:s18], [sflag:$0x3] =	stream.indirect.gather [hbm4b:s4+s17], $0x80, s26, s17, $0xb8;
	[tilespmem:$0x1B280] =	vst v63  }
0x8b: {  	_ =	swait.ge [sflag:s21], $0x100  }
0x8c: {  	[sflag:s21] =	ssyncset.done $0x0  }
0x8d: {  	[sflag:s21] =	ssyncadd.s32 $0xFFFFFF00  }
0x8e: {  	_ =	swait.ge [sflag:s19], $0x3C00  }
0x8f: {  	[sflag:s19] =	ssyncset.done $0x0  }
0x90: {  	[sflag:s19] =	ssyncadd.s32 $0xFFFFC400  }
0x91: {  	[tilespmem:s13], [sflag:$0x4] =	stream.indirect.gather [hbm4b:s4+s17], $0x80, s15, s17, $0xb8;
	[tilespmem:$0x1B280] =	vst v63  }
0x92: {  	_ = 	snop  }
0x93: {  	[spmem:s1] =	stream.indirect.scatter.add.f32 [tilespmem:s18], [sflag:$0x5], $0x80, s20, s17, $0xb8;
	[tilespmem:$0x1B280] =	vst v63  }
0x94: {  	_ =	swait.ge [sflag:s14], $0x3C00  }
0x95: {  	s31 =	sshrl.u32 s11, $0x3;
	[sflag:s14] =	ssyncset.done $0x0  }
0x96: {  	s26 =	sadd.s32 s5, s31;
	[sflag:s14] =	ssyncadd.s32 $0xFFFFC400  }
0x97: {  	[tilespmem:s3], [sflag:$0x1] =	stream.linear.gather [hbm4b:s26+s3], $0x100, $0x38;
	[tilespmem:$0x1B280] =	vst v63  }
0x98: {  	_ =	swait.ge [sflag:s24], $0x3C00  }
0x99: {  	[sflag:s24] =	ssyncset.done $0x0  }
0x9a: {  	[sflag:s24] =	ssyncadd.s32 $0xFFFFC400  }
0x9b: {  	_ =	swait.ge [sflag:s16], $0x100  }
0x9c: {  	[sflag:s16] =	ssyncset.done $0x0  }
0x9d: {  	[sflag:s16] =	ssyncadd.s32 $0xFFFFFF00  }
0x9e: {  	[tilespmem:s18], [sflag:$0x3] =	stream.indirect.gather [hbm4b:s4+s17], $0x80, s3, s17, $0xb8;
	[tilespmem:$0x1B280] =	vst v63  }
0x9f: {  	_ = 	snop  }
0xa0: {  	[spmem:s1] =	stream.indirect.scatter.add.f32 [tilespmem:s13], [sflag:$0x5], $0x80, s22, s17, $0xb8;
	[tilespmem:$0x1B280] =	vst v63  }
0xa1: {  	_ =	swait.ge [sflag:s14], $0x3C00  }
0xa2: {  	s29 =	sadd.s32 $0x0, s10;
	[sflag:s14] =	ssyncset.done $0x0  }
0xa3: {  	s28 =	sadd.s32 $0x200, s11;
	s26 =	simm.s32 $0x40;
	[sflag:s14] =	ssyncadd.s32 $0xFFFFC400  }
.LBB2_9:
0xa4: {  	[tilespmem:s15], [sflag:$0x2] =	stream.linear.gather [hbm4b:s29+s3], $0x100, $0x38;
	[tilespmem:$0x1B280] =	vst v63  }
0xa5: {  	s29 =	smov.u32 s26  }
0xa6: {  	p3 =	seq.s32 s26, $0xD80;
	s26 =	sadd.s32 $0x40, s26;
	_ =	swait.ge [sflag:s21], $0x100  }
0xa7: {  	[sflag:s21] =	ssyncset.done $0x0  }
0xa8: {  	[sflag:s21] =	ssyncadd.s32 $0xFFFFFF00  }
0xa9: {  	_ =	swait.ge [sflag:s19], $0x3C00  }
0xaa: {  	[sflag:s19] =	ssyncset.done $0x0  }
0xab: {  	[sflag:s19] =	ssyncadd.s32 $0xFFFFC400  }
0xac: {  	[tilespmem:s13], [sflag:$0x4] =	stream.indirect.gather [hbm4b:s4+s17], $0x80, s15, s17, $0xb8;
	[tilespmem:$0x1B280] =	vst v63  }
0xad: {  	_ = 	snop  }
0xae: {  	[spmem:s1] =	stream.indirect.scatter.add.f32 [tilespmem:s18], [sflag:$0x5], $0x80, s20, s17, $0xb8;
	[tilespmem:$0x1B280] =	vst v63  }
0xaf: {  	_ =	swait.ge [sflag:s14], $0x3C00  }
0xb0: {  	s30 =	sshrl.u32 s28, $0x3;
	[sflag:s14] =	ssyncset.done $0x0  }
0xb1: {  	s30 =	sadd.s32 s5, s30;
	[sflag:s14] =	ssyncadd.s32 $0xFFFFC400  }
0xb2: {  	[tilespmem:s3], [sflag:$0x1] =	stream.linear.gather [hbm4b:s30+s3], $0x100, $0x38;
	[tilespmem:$0x1B280] =	vst v63  }
0xb3: {  	_ =	swait.ge [sflag:s24], $0x3C00  }
0xb4: {  	[sflag:s24] =	ssyncset.done $0x0  }
0xb5: {  	[sflag:s24] =	ssyncadd.s32 $0xFFFFC400  }
0xb6: {  	_ =	swait.ge [sflag:s16], $0x100  }
0xb7: {  	[sflag:s16] =	ssyncset.done $0x0  }
0xb8: {  	[sflag:s16] =	ssyncadd.s32 $0xFFFFFF00  }
0xb9: {  	[tilespmem:s18], [sflag:$0x3] =	stream.indirect.gather [hbm4b:s4+s17], $0x80, s3, s17, $0xb8;
	[tilespmem:$0x1B280] =	vst v63  }
.Ltmp8:
0xba: {  	(pc) =	sbr.rel @!p3 .LBB2_9-.Ltmp8, $4  }
0xbb: {  	[spmem:s1] =	stream.indirect.scatter.add.f32 [tilespmem:s13], [sflag:$0x5], $0x80, s22, s17, $0xb8;
	[tilespmem:$0x1B280] =	vst v63  }
0xbc: {  	_ =	swait.ge [sflag:s14], $0x3C00  }
0xbd: {  	[sflag:s14] =	ssyncset.done $0x0  }
0xbe: {  	s28 =	sadd.s32 $0x200, s28;
	s29 =	sadd.s32 s29, s10;
	[sflag:s14] =	ssyncadd.s32 $0xFFFFC400  }
0xbf: {  	[tilespmem:s15], [sflag:$0x2] =	stream.linear.gather [hbm4b:s29+s3], $0x100, $0x38;
	[tilespmem:$0x1B280] =	vst v63  }
0xc0: {  	_ =	swait.ge [sflag:s21], $0x100  }
0xc1: {  	[sflag:s21] =	ssyncset.done $0x0  }
0xc2: {  	[sflag:s21] =	ssyncadd.s32 $0xFFFFFF00  }
0xc3: {  	_ =	swait.ge [sflag:s19], $0x3C00  }
0xc4: {  	[sflag:s19] =	ssyncset.done $0x0  }
0xc5: {  	[sflag:s19] =	ssyncadd.s32 $0xFFFFC400  }
0xc6: {  	[tilespmem:s13], [sflag:$0x4] =	stream.indirect.gather [hbm4b:s4+s17], $0x80, s15, s17, $0xb8;
	[tilespmem:$0x1B280] =	vst v63  }
0xc7: {  	_ = 	snop  }
0xc8: {  	[spmem:s1] =	stream.indirect.scatter.add.f32 [tilespmem:s18], [sflag:$0x5], $0x80, s20, s17, $0xb8;
	[tilespmem:$0x1B280] =	vst v63  }
0xc9: {  	_ =	swait.ge [sflag:s14], $0x3C00  }
0xca: {  	[sflag:s14] =	ssyncset.done $0x0  }
0xcb: {  	[sflag:s14] =	ssyncadd.s32 $0xFFFFC400  }
0xcc: {  	_ =	swait.ge [sflag:s24], $0x3C00  }
0xcd: {  	[sflag:s24] =	ssyncset.done $0x0  }
.Ltmp9:
0xce: {  	[sflag:s24] =	ssyncadd.s32 $0xFFFFC400;
	(pc) =	sbr.rel .LBB2_14-.Ltmp9, $4  }
0xcf: {  	[spmem:s1] =	stream.indirect.scatter.add.f32 [tilespmem:s13], [sflag:$0x5], $0x80, s22, s17, $0xb8;
	[tilespmem:$0x1B280] =	vst v63  }
0xd0: {  	_ =	swait.ge [sflag:s14], $0x3C00  }
0xd1: {  	[sflag:s14] =	ssyncset.done $0x0  }
0xd2: {  	[sflag:s14] =	ssyncadd.s32 $0xFFFFC400  }
.LBB2_15:
0xd3: {  	_ =	sfence.sel $0x180000  }
0xd4: {  	[bflag:$0x0] =	sbarrier.arrive $0xFFFF  }
0xd5: {  	p0 =	sne.s32 s2, $0x0;
	_ =	strace $0x9000004D  }
0xd6: {  	s0 =	sadd.s32 @!p0 $0x100000, s0;
	[bflag:$0x2] =	sbarrier.arrive $0xFFFF  }
0xd7: {  	[sflag:s0] =	ssyncadd.tile.s32 @!p0 $0x1;
	_ =	shalt  }
.Lfunc_end2:
_tile_overlayer_lowered:
.L_overlay_start_2:
0xd8: {  	(tag) =	ssettag $0x2  }
0xd9: {  	s0 =	rddreg [dreg:$0x0];
	s2 =	stileid.u32  }
0xda: {  	s1 =	rddreg [dreg:$0x1];
	p0 =	sne.s32 s2, $0x0  }
0xdb: {  	s3 =	rddreg [dreg:$0x2];
	[bflag:$0x3] =	sbarrier.arrive $0xFFFF;
	s2 =	simm.s32 @!p0 $0x1C05  }
0xdc: {  	[timem:s3], [sflag:s2] =	dma.local @!p0 [hbm:s0], s1  }
0xdd: {  	s0 =	simm.s32 @!p0 $0x5  }
0xde: {  	_ =	swait.ge @!p0 [sflag:s0], s1  }
0xdf: {  	s1 =	ssub.s32 @!p0 $0x0, s1;
	[sflag:s0] =	ssyncset.done @!p0 $0x0  }
0xe0: {  	[sflag:s0] =	ssyncadd.s32 @!p0 s1  }
0xe1: {  	[bflag:$0x3] =	sbarrier.arrive $0xFFFF  }
0xe2: {  	_ =	shalt  }

// kernel: _run.8.cloned.1.call-start
scs
__scs_entry_jumppad:
0x0: {  	(pc) =	sbr.rel $0x88, $3  }
0x1: {  	(tag) =	ssettag $0x0;
	lr =	simm.s32 $0x1  }
0x2: {  	[smem:$0x3F94] =	sst lr;
	_ =	strace $0xD0000000  }
0x3: {  	_ = 	snop  }
0x4: {  	_ = 	snop  }
0x5: {  	_ = 	snop  }
0x6: {  	_ = 	snop  }
0x7: {  	_ = 	snop  }
__scs_overlays_trampoline_lowered:
0x8: {  	[smem:$0x3FA3] =	sst s0  }
0x9: {  	[smem:$0x3FA4] =	sst s1  }
0xa: {  	[smem:$0x3FA5] =	sst s2  }
0xb: {  	[smem:$0x3FA6] =	sst s3  }
0xc: {  	[smem:$0x3FA7] =	sst s4  }
0xd: {  	[smem:$0x3FA8] =	sst s5  }
0xe: {  	[smem:$0x3FA9] =	sst s6  }
0xf: {  	[smem:$0x3FAA] =	sst s7  }
0x10: {  	[smem:$0x3FAB] =	sst s8  }
0x11: {  	[smem:$0x3FAC] =	sst s9;
	s0 =	simm.s32 @!p0 $0x0  }
0x12: {  	s1 =	sld [smem:$0x3F92];
	s0 =	simm.s32 @p0 $0x1  }
0x13: {  	[smem:$0x3FAD] =	sst s0;
	s0 =	simm.s32 @!p1 $0x0  }
0x14: {  	s2 =	sld [smem:$0x3F91];
	s0 =	simm.s32 @p1 $0x1  }
0x15: {  	[smem:$0x3FAE] =	sst s0;
	s0 =	simm.s32 @!p2 $0x0  }
0x16: {  	s3 =	sld [smem:$0x3FDB];
	s0 =	simm.s32 @p2 $0x1  }
0x17: {  	s4 =	simm.s32 $0x1BF5;
	[smem:$0x3FB0] =	sst s0  }
0x18: {  	s0 =	sld [smem:$0x3F93];
	_ =	swait.ge [sflag:s4], $0x0  }
0x19: {  	s7 =	sld [smem:$0x3F94]  }
0x1a: {  	s8 =	sadd.s32 $0xFFFFE003, lr  }
0x1b: {  	s9 =	sadd.s32 $0xFFFFFEF7, lr;
	s5 =	simm.s32 $0xFFFFFFFF;
	p2 =	slt.u32 s8, $0xFFFFF086  }
0x1c: {  	p1 =	slt.u32 s9, $0xF7A;
	s5 =	simm.s32 @!p2 $0x0  }
0x1d: {  	s5 =	simm.s32 @p1 $0x1;
	p0 =	seq.s32 s7, s2  }
0x1e: {  	s7 =	smul.u32 @!p0 $0xF7A, s2;
	p2 =	seq.s32 @!p0 s5, $0x0  }
0x1f: {  	s9 =	smul.u32 $0xF7A, s1;
	s8 =	simm.s32 @!p0 $0x1BF5;
	p2 =	por !p2, p0  }
0x20: {  	[sflag:s8] =	ssyncset.s32 @!p0 $0xFFFFF086;
	s6 =	sadd.s32 @!p0 s3, s7;
	s7 =	simm.s32 @!p0 $0x108  }
0x21: {  	s3 =	sadd.s32 s3, s9;
	s6 =	sadd.s32 @!p0 $0x88, s6;
	s7 =	simm.s32 @p2 $0x1082  }
0x22: {  	[simem:s7], [sflag:s8] =	dma.local @!p0 [hbm:s6], $0xF7A  }
0x23: {  	s9 =	sor.u32 $0xD0000000, s2;
	s6 =	simm.s32 $0x108;
	_ =	swait.ge @!p0 [sflag:s8], $0x0  }
0x24: {  	s3 =	sadd.s32 $0x88, s3;
	s6 =	simm.s32 @!p1 $0x1082;
	[sflag:s4] =	ssyncset.s32 $0xFFFFF086  }
0x25: {  	[simem:s6], [sflag:s4] =	dma.local [hbm:s3], $0xF7A  }
0x26: {  	[smem:$0x3F94] =	sst s1;
	(tag) =	ssettag s2;
	_ =	strace s9  }
0x27: {  	s1 =	sld [smem:$0x3FA4]  }
0x28: {  	s2 =	sld [smem:$0x3FA5]  }
0x29: {  	s4 =	sld [smem:$0x3FA7]  }
0x2a: {  	p0 =	seq.s32 s5, $0x0;
	s5 =	sld [smem:$0x3FA8]  }
0x2b: {  	s6 =	sld [smem:$0x3FA9]  }
0x2c: {  	s7 =	sld [smem:$0x3FAA]  }
0x2d: {  	s3 =	simm.s32 $0x108;
	s8 =	sld [smem:$0x3FAB]  }
0x2e: {  	s3 =	simm.s32 @!p0 $0x1082;
	s9 =	sld [smem:$0x3FAC]  }
0x2f: {  	lr =	sadd.s32 s0, s3;
	s0 =	sld [smem:$0x3FA3]  }
0x30: {  	s3 =	sld [smem:$0x3FA6]  }
0x31: {  	[smem:$0x3FAF] =	sst s10  }
0x32: {  	s10 =	sld [smem:$0x3FAD];
	_ =	sdelay $0x3  }
0x33: {  	p0 =	seq.s32 s10, $0x1;
	s10 =	sld [smem:$0x3FAF];
	_ =	sdelay $0x3  }
0x34: {  	[smem:$0x3FAF] =	sst s10  }
0x35: {  	s10 =	sld [smem:$0x3FAE];
	_ =	sdelay $0x3  }
0x36: {  	p1 =	seq.s32 s10, $0x1;
	s10 =	sld [smem:$0x3FAF];
	_ =	sdelay $0x3  }
0x37: {  	[smem:$0x3FAF] =	sst s10  }
0x38: {  	s10 =	sld [smem:$0x3FB0]  }
0x39: {  	_ = 	snop;
	(pc) =	sbr.ind lr, $3  }
0x3a: {  	_ = 	snop  }
0x3b: {  	_ = 	snop  }
0x3c: {  	p2 =	seq.s32 s10, $0x1;
	s10 =	sld [smem:$0x3FAF]  }
0x3d: {  	_ =	shalt  }
0x3e: {  	_ =	shalt  }
0x3f: {  	_ =	shalt  }
0x40: {  	_ =	shalt  }
0x41: {  	_ =	shalt  }
0x42: {  	_ =	shalt  }
0x43: {  	_ =	shalt  }
0x44: {  	_ =	shalt  }
0x45: {  	_ =	shalt  }
0x46: {  	_ =	shalt  }
0x47: {  	_ =	shalt  }
0x48: {  	_ =	shalt  }
0x49: {  	_ =	shalt  }
0x4a: {  	_ =	shalt  }
0x4b: {  	_ =	shalt  }
0x4c: {  	_ =	shalt  }
0x4d: {  	_ =	shalt  }
0x4e: {  	_ =	shalt  }
0x4f: {  	_ =	shalt  }
0x50: {  	_ =	shalt  }
0x51: {  	_ =	shalt  }
0x52: {  	_ =	shalt  }
0x53: {  	_ =	shalt  }
0x54: {  	_ =	shalt  }
0x55: {  	_ =	shalt  }
0x56: {  	_ =	shalt  }
0x57: {  	_ =	shalt  }
0x58: {  	_ =	shalt  }
0x59: {  	_ =	shalt  }
0x5a: {  	_ =	shalt  }
0x5b: {  	_ =	shalt  }
0x5c: {  	_ =	shalt  }
0x5d: {  	_ =	shalt  }
0x5e: {  	_ =	shalt  }
0x5f: {  	_ =	shalt  }
0x60: {  	_ =	shalt  }
0x61: {  	_ =	shalt  }
0x62: {  	_ =	shalt  }
0x63: {  	_ =	shalt  }
0x64: {  	_ =	shalt  }
0x65: {  	_ =	shalt  }
0x66: {  	_ =	shalt  }
0x67: {  	_ =	shalt  }
0x68: {  	_ =	shalt  }
0x69: {  	_ =	shalt  }
0x6a: {  	_ =	shalt  }
0x6b: {  	_ =	shalt  }
0x6c: {  	_ =	shalt  }
0x6d: {  	_ =	shalt  }
0x6e: {  	_ =	shalt  }
0x6f: {  	_ =	shalt  }
0x70: {  	_ =	shalt  }
0x71: {  	_ =	shalt  }
0x72: {  	_ =	shalt  }
0x73: {  	_ =	shalt  }
0x74: {  	_ =	shalt  }
0x75: {  	_ =	shalt  }
0x76: {  	_ =	shalt  }
0x77: {  	_ =	shalt  }
0x78: {  	_ =	shalt  }
0x79: {  	_ =	shalt  }
0x7a: {  	_ =	shalt  }
0x7b: {  	_ =	shalt  }
0x7c: {  	_ =	shalt  }
0x7d: {  	_ =	shalt  }
0x7e: {  	_ =	shalt  }
0x7f: {  	_ =	shalt  }
0x80: {  	_ =	shalt  }
0x81: {  	_ =	shalt  }
0x82: {  	_ =	shalt  }
0x83: {  	_ =	shalt  }
0x84: {  	_ =	shalt  }
0x85: {  	_ =	shalt  }
0x86: {  	_ =	shalt  }
0x87: {  	_ =	shalt  }
.Lfunc_end0:
.L_simem_size_0:
called_computation_lowered:
.L_overlay_start_0:
0x88: {  	s2 =	sld [smem:$0x3FD9]  }
0x89: {  	s3 =	sld [smem:$0x3FFE];
	_ =	sdelay $0x1  }
0x8a: {  	s1 =	srdreg.scid  }
0x8b: {  	s0 =	sand.u32 $0x1, s1  }
0x8c: {  	s16 =	sshll.u32 s0, $0xA;
	s2 =	sadd.s32 s3, s2  }
0x8d: {  	s2 =	sadd.s32 s2, s16  }
0x8e: {  	[smem:$0x3FBB] =	sst s2  }
0x8f: {  	_ = 	snop  }
0x90: {  	(tm) =	ssettm $0x1  }
0x91: {  	s17 =	sld [smem:$0x3FFB];
	_ =	sdelay $0x3  }
0x92: {  	_ =	strace s17  }
0x93: {  	s2 =	sld [smem:$0x3FFC];
	_ =	sdelay $0x3  }
0x94: {  	_ =	strace s2  }
0x95: {  	s2 =	sld [smem:$0x3FFD];
	_ =	sdelay $0x3  }
0x96: {  	_ =	strace s2  }
0x97: {  	_ =	strace $0x8FFFFFFF  }
0x98: {  	s18 =	sld [smem:$0x3FDB];
	_ =	sdelay $0x1  }
0x99: {  	s19 =	simm.s32 $_scs_section_size  }
0x9a: {  	s4 =	simm.s32 $_size__tile_overlayer_lowered;
	s5 =	simm.s32 $_tile_overlayer_lowered  }
0x9b: {  	s22 =	simm.s32 $0x1BFF;
	s21 =	sshll.u32 s5, $0x1;
	s2 =	sadd.s32 s19, s18  }
0x9c: {  	s6 =	simm.s32 $0x0;
	s20 =	sshll.u32 s4, $0x1;
	s4 =	sadd.s32 s21, s2  }
0x9d: {  	[timem:s6], [sflag:s22] =	dma.local [hbm:s4], s20  }
0x9e: {  	_ =	swait.ge [sflag:s22], s20  }
0x9f: {  	s3 =	ssub.s32 $0x0, s20;
	[sflag:s22] =	ssyncset.done $0x0  }
0xa0: {  	[sflag:s22] =	ssyncadd.s32 s3;
	_ =	sdelay $0x1  }
0xa1: {  	s23 =	simm.s32 $0x1B8B  }
0xa2: {  	_ =	swait.ge [sflag:s23], $0x1  }
0xa3: {  	[sflag:s23] =	ssyncset.done $0x0  }
0xa4: {  	s25 =	simm.s32 $0x1B8E;
	s24 =	sld [smem:$0x3FFE];
	[sflag:s23] =	ssyncadd.s32 $0xFFFFFFFF  }
0xa5: {  	s26 =	simm.s32 $execute0_lowered;
	[smem:$0x3FD2] =	sst s25  }
0xa6: {  	s4 =	sshll.u32 s26, $0x1;
	_ =	strace $0x80000046;
	[dreg:$0x1] =	wrdreg $0xFFFFFFFF  }
0xa7: {  	s28 =	simm.s32 $_size_execute0_lowered;
	s2 =	sadd.s32 s2, s4;
	[dreg:$0x0] =	wrdreg $0x0  }
0xa8: {  	s4 =	sshll.u32 s28, $0x1;
	[dreg:$0x2] =	wrdreg s2  }
0xa9: {  	[dreg:$0x3] =	wrdreg s4  }
0xaa: {  	[dreg:$0x4] =	wrdreg $0xC0  }
0xab: {  	_ =	task [dreg:s6], $0x5FFFF  }
0xac: {  	[dreg:$0x1] =	wrdreg $0xFFFFFFFF  }
0xad: {  	[dreg:$0x0] =	wrdreg $0x60  }
0xae: {  	[dreg:$0x2] =	wrdreg s24  }
0xaf: {  	[dreg:$0x3] =	wrdreg $0x7A000  }
0xb0: {  	[dreg:$0x4] =	wrdreg $0x9  }
0xb1: {  	_ =	task.clear_ibuf [dreg:s6], $0x5FFFF;
	_ =	strace $0x90000046  }
0xb2: {  	s29 =	simm.s32 $0x9;
	_ =	strace $0x80000048  }
0xb3: {  	_ =	swait.ge [sflag:s29], $0x1  }
0xb4: {  	[sflag:s29] =	ssyncadd.s32 $0xFFFFFFFF  }
0xb5: {  	_ =	strace $0x90000048  }
0xb6: {  	_ =	sfence  }
0xb7: {  	s30 =	sld [smem:$0x0];
	_ =	sdelay $0x2  }
0xb8: {  	s31 =	sshll.u32 s1, $0xD;
	s1 =	sshrl.u32 s1, $0x2  }
0xb9: {  	s3 =	sand.u32 $0x4000, s31;
	s1 =	sadd.s32 s1, s30  }
0xba: {  	s0 =	sor.u32 s3, s0;
	s1 =	sshll.u32 s1, $0x11  }
0xbb: {  	s0 =	sor.u32 s1, s0  }
0xbc: {  	s0 =	sadd.s32 $0x8F2B, s0  }
0xbd: {  	[sflag:s0] =	ssyncadd.remote.s32 $0x1  }
0xbe: {  	_ =	sfence.sel $0xFFFF  }
0xbf: {  	[dreg:$0x0] =	wrdreg $0xFFFFFFFF;
	(pc) =	sbr.abs _section_cstart, $3  }
0xc0: {  	[dreg:$0x1] =	wrdreg $0xFFFFFFFF  }
0xc1: {  	_ =	task.clear_ibuf [dreg:s6], $0x2FFFF;
	_ =	strace $0x9FFFFFFF  }
0xc2: {  	(tm) =	ssettm $0x7FFFFFFF  }
0xc3: {  	_ =	shalt  }
tec
execute0_lowered:
.L_overlay_start_1:
0x0: {  	(tag) =	ssettag $0x1  }
0x1: {  	s6 =	rddreg [dreg:$0x0]  }
0x2: {  	s1 =	rddreg [dreg:$0x1]  }
0x3: {  	s2 =	srdreg.scid;
	s0 =	rddreg [dreg:$0x2]  }
0x4: {  	s3 =	simm.s32 $0x0;
	s14 =	simm.s32 $0x5;
	s15 =	simm.s32 $0x100  }
0x5: {  	s16 =	simm.s32 $0x1;
	s17 =	simm.s32 $0x78;
	s18 =	simm.s32 $0x200  }
0x6: {  	s19 =	simm.s32 $0x3;
	s20 =	simm.s32 $0x80;
	s7 =	sand.u32 $0x1, s2  }
0x7: {  	s21 =	simm.s32 $0x2;
	s2 =	stileid.u32;
	s8 =	smul.u32 $0x27100, s7  }
0x8: {  	s22 =	simm.s32 $0x180;
	s25 =	simm.s32 $0x0;
	s10 =	smul.u32 $0x7D000, s2  }
0x9: {  	[smem:$0x7FF] =	sst s3;
	s5 =	sadd.s32 $0x3800, s6;
	s12 =	smul.u32 $0x72000, s7  }
0xa: {  	s4 =	sshll.u32 s7, $0x4;
	_ =	strace $0x80000047;
	s30 =	smul.u32 $0x7200, s2  }
0xb: {  	s29 =	ssub.s32 $0x2, s7;
	p0 =	seq.s32 s7, $0x1;
	s24 =	smul.u32 $0x3E80, s2  }
0xc: {  	p1 =	slt.u32 s2, $0xA;
	p2 =	sgt.u32 s2, $0x9;
	s9 =	sor.u32 s2, s4  }
0xd: {  	s4 =	sadd.s32 $0x20000, s6;
	s11 =	sshrl.u32 s29, $0x1;
	s9 =	smul.u32 $0x7200, s9  }
0xe: {  	s8 =	sadd.s32 s8, s6;
	s11 =	ssub.s32 s29, s11;
	s10 =	sshrl.u32 s10, $0x2  }
0xf: {  	s12 =	sadd.s32 s30, s12;
	s23 =	sadd.s32 $0x48000, s8;
	s8 =	sadd.s32 s10, s1  }
.Ltmp0:
0x10: {  	s31 =	sadd.s32 $0x300, s12;
	s13 =	sor.u32 $0x100, s12;
	(pc) =	sbr.rel .LBB2_1-.Ltmp0, $4  }
0x11: {  	s9 =	sshrl.u32 s9, $0x3;
	s10 =	sshrl.u32 s31, $0x3;
	s13 =	sshrl.u32 s13, $0x3  }
0x12: {  	s23 =	sadd.s32 @!p2 s24, s23;
	s24 =	simm.s32 $0x4;
	s6 =	sadd.s32 s5, s9  }
0x13: {  	s9 =	smax.u32 s11, $0x1;
	s10 =	sadd.s32 s10, s5;
	s11 =	sadd.s32 $0x200, s12  }
0x14: {  	v0 =	vimm.f32 $0.0e+00;
	s12 =	sadd.s32 s13, s5;
	s13 =	simm.s32 $0x3E00;
	s7 =	sadd.s32 $0x20, s6  }
.LBB2_13:
0x15: {  	s28 =	sadd.s32 s28, s12;
	[sflag:s14] =	ssyncadd.s32 $0xFFFFC400  }
0x16: {  	[tilespmem:s15], [sflag:$0x2] =	stream.linear.gather [hbm4b:s28+s3], $0x100, $0x38;
	[tilespmem:$0x1B280] =	vst v63  }
0x17: {  	_ =	swait.ge [sflag:s16], $0x100  }
0x18: {  	[sflag:s16] =	ssyncset.done $0x0  }
0x19: {  	[sflag:s16] =	ssyncadd.s32 $0xFFFFFF00  }
0x1a: {  	[tilespmem:s18], [sflag:$0x3] =	stream.indirect.gather [hbm4b:s4+s17], $0x80, s3, s17, $0xb8;
	[tilespmem:$0x1B280] =	vst v63  }
0x1b: {  	_ =	swait.ge [sflag:s19], $0x3C00  }
0x1c: {  	[sflag:s19] =	ssyncset.done $0x0  }
0x1d: {  	[sflag:s19] =	ssyncadd.s32 $0xFFFFC400  }
0x1e: {  	[spmem:s1] =	stream.indirect.scatter.add.f32 [tilespmem:s18], [sflag:$0x5], $0x80, s20, s17, $0xb8;
	[tilespmem:$0x1B280] =	vst v63  }
0x1f: {  	_ =	swait.ge [sflag:s14], $0x3C00  }
0x20: {  	s26 =	sshrl.u32 s26, $0x3;
	[sflag:s14] =	ssyncset.done $0x0  }
0x21: {  	s26 =	sadd.s32 s5, s26;
	[sflag:s14] =	ssyncadd.s32 $0xFFFFC400  }
0x22: {  	[tilespmem:s3], [sflag:$0x1] =	stream.linear.gather [hbm4b:s26+s3], $0x100, $0x38;
	[tilespmem:$0x1B280] =	vst v63  }
0x23: {  	_ =	swait.ge [sflag:s21], $0x100  }
0x24: {  	[sflag:s21] =	ssyncset.done $0x0  }
0x25: {  	[sflag:s21] =	ssyncadd.s32 $0xFFFFFF00  }
0x26: {  	[tilespmem:s18], [sflag:$0x3] =	stream.indirect.gather [hbm4b:s4+s17], $0x80, s15, s17, $0xb8;
	[tilespmem:$0x1B280] =	vst v63  }
0x27: {  	_ =	swait.ge [sflag:s19], $0x3C00  }
0x28: {  	[sflag:s19] =	ssyncset.done $0x0  }
0x29: {  	[sflag:s19] =	ssyncadd.s32 $0xFFFFC400  }
0x2a: {  	[spmem:s1] =	stream.indirect.scatter.add.f32 [tilespmem:s18], [sflag:$0x5], $0x80, s22, s17, $0xb8;
	[tilespmem:$0x1B280] =	vst v63  }
0x2b: {  	_ =	swait.ge [sflag:s14], $0x3C00  }
0x2c: {  	[sflag:s14] =	ssyncset.done $0x0  }
0x2d: {  	[sflag:s14] =	ssyncadd.s32 $0xFFFFC400  }
0x2e: {  	_ =	swait.ge [sflag:s16], $0x100  }
0x2f: {  	[sflag:s16] =	ssyncset.done $0x0  }
0x30: {  	[sflag:s16] =	ssyncadd.s32 $0xFFFFFF00  }
.LBB2_14:
0x31: {  	s26 =	sshll.u32 @!p2 s2, $0x6;
	[bflag:$0x0] =	sbarrier.arrive $0xFFFF;
	s25 =	sadd.s32 $0x1, s25  }
0x32: {  	s28 =	sshrl.u32 @!p2 s8, $0x3;
	s26 =	sor.u32 @!p2 $0x1C05, s26;
	p3 =	sne.s32 s25, s9  }
0x33: {  	[hbm:s23], [sflag:s26] =	dma.local @!p2 [spmem:s28], $0x3E80  }
.Ltmp1:
0x34: {  	_ = 	snop;
	(pc) =	sbr.rel @!p3 .LBB2_15-.Ltmp1, $4  }
0x35: {  	s26 =	simm.s32 @!p2 $0x5  }
0x36: {  	_ =	swait.ge @!p2 [sflag:s26], $0x3E80  }
0x37: {  	[sflag:s26] =	ssyncset.done @!p2 $0x0  }
0x38: {  	[sflag:s26] =	ssyncadd.s32 @!p2 $0xFFFFC180  }
.LBB2_1:
.Ltmp2:
0x39: {  	(pc) =	sbr.rel @!p1 .LBB2_7-.Ltmp2, $1  }
0x3a: {  	_ =	sdelay $0x3  }
0x3b: {  	s26 =	sand.u32 $0x7E00, s3  }
0x3c: {  	s28 =	sand.u32 $0x70, s3;
	s29 =	sshrl.u32 s26, $0x2  }
0x3d: {  	s26 =	simm.s32 $0x40;
	s29 =	sor.u32 s28, s29;
	s28 =	simm.s32 $0x0  }
.LBB2_3:
0x3e: {  	p3 =	seq.s32 s26, $0x4FC0  }
0x3f: {  	[tilespmem:s29+$0x3E00] =	vst v0;
	s28 =	sadd.s32 $0x10, s28;
	s29 =	smov.u32 s26;
	s26 =	sadd.s32 $0x40, s26  }
.Ltmp3:
0x40: {  	(pc) =	sbr.rel @!p3 .LBB2_3-.Ltmp3, $4  }
0x41: {  	_ = 	snop  }
0x42: {  	s29 =	sand.u32 $0x7E00, s29  }
0x43: {  	s30 =	sand.u32 $0x70, s28;
	s29 =	sshrl.u32 s29, $0x2  }
0x44: {  	s29 =	sor.u32 s30, s29  }
0x45: {  	[tilespmem:s29+$0x3E00] =	vst v0;
	s26 =	sadd.s32 $0x0, s8  }
0x46: {  	[spmem:s26] =	stream.linear.scatter [tilespmem:s13], [sflag:$0x5], $0x1400, $0x38;
	[tilespmem:$0x1B280] =	vst v63  }
0x47: {  	s26 =	simm.s32 $0x5000;
	_ =	swait.ge [sflag:s14], $0x1400  }
.LBB2_5:
0x48: {  	s28 =	sshra.s32 s26, $0x2;
	[sflag:s14] =	ssyncset.done $0x0;
	p3 =	sne.s32 s26, $0x78000  }
.Ltmp4:
0x49: {  	s28 =	sadd.s32 s28, s8;
	[sflag:s14] =	ssyncadd.s32 $0xFFFFEC00;
	(pc) =	sbr.rel @p3 .LBB2_5-.Ltmp4, $3  }
0x4a: {  	[spmem:s28] =	stream.linear.scatter [tilespmem:s13], [sflag:$0x5], $0x1400, $0x38;
	[tilespmem:$0x1B280] =	vst v63  }
0x4b: {  	s26 =	sadd.s32 $0x5000, s26;
	_ =	sdelay $0x1  }
0x4c: {  	_ =	swait.ge [sflag:s14], $0x1400  }
0x4d: {  	[sflag:s14] =	ssyncset.done $0x0  }
0x4e: {  	[sflag:s14] =	ssyncadd.s32 $0xFFFFEC00  }
.LBB2_7:
.Ltmp5:
0x4f: {  	(pc) =	sbr.rel @!p0 .LBB2_8-.Ltmp5, $3  }
0x50: {  	_ =	sdelay $0x1  }
0x51: {  	[bflag:$0x0] =	sbarrier.arrive $0xFFFF;
	s26 =	simm.s32 $0x0  }
0x52: {  	[tilespmem:s26], [sflag:$0x1] =	stream.linear.gather [hbm4b:s6+s26], $0x100, $0x38;
	[tilespmem:$0x1B280] =	vst v63  }
0x53: {  	s26 =	sadd.s32 $0x0, s12  }
0x54: {  	[tilespmem:s15], [sflag:$0x2] =	stream.linear.gather [hbm4b:s26+s3], $0x100, $0x38;
	[tilespmem:$0x1B280] =	vst v63  }
0x55: {  	_ =	swait.ge [sflag:s16], $0x100  }
0x56: {  	[sflag:s16] =	ssyncset.done $0x0  }
0x57: {  	[sflag:s16] =	ssyncadd.s32 $0xFFFFFF00  }
0x58: {  	[tilespmem:s18], [sflag:$0x3] =	stream.indirect.gather [hbm4b:s4+s17], $0x80, s3, s17, $0xb8;
	[tilespmem:$0x1B280] =	vst v63  }
0x59: {  	_ =	swait.ge [sflag:s19], $0x3C00  }
0x5a: {  	[sflag:s19] =	ssyncset.done $0x0  }
0x5b: {  	[sflag:s19] =	ssyncadd.s32 $0xFFFFC400  }
0x5c: {  	[spmem:s1] =	stream.indirect.scatter.add.f32 [tilespmem:s18], [sflag:$0x5], $0x80, s20, s17, $0xb8;
	[tilespmem:$0x1B280] =	vst v63  }
0x5d: {  	_ =	swait.ge [sflag:s14], $0x3C00  }
0x5e: {  	s31 =	sshrl.u32 s11, $0x3;
	[sflag:s14] =	ssyncset.done $0x0  }
0x5f: {  	s26 =	sadd.s32 s5, s31;
	[sflag:s14] =	ssyncadd.s32 $0xFFFFC400  }
0x60: {  	[tilespmem:s3], [sflag:$0x1] =	stream.linear.gather [hbm4b:s26+s3], $0x100, $0x38;
	[tilespmem:$0x1B280] =	vst v63  }
0x61: {  	_ =	swait.ge [sflag:s21], $0x100  }
0x62: {  	[sflag:s21] =	ssyncset.done $0x0  }
0x63: {  	[sflag:s21] =	ssyncadd.s32 $0xFFFFFF00  }
0x64: {  	[tilespmem:s18], [sflag:$0x3] =	stream.indirect.gather [hbm4b:s4+s17], $0x80, s15, s17, $0xb8;
	[tilespmem:$0x1B280] =	vst v63  }
0x65: {  	_ =	swait.ge [sflag:s19], $0x3C00  }
0x66: {  	[sflag:s19] =	ssyncset.done $0x0  }
0x67: {  	[sflag:s19] =	ssyncadd.s32 $0xFFFFC400  }
0x68: {  	[spmem:s1] =	stream.indirect.scatter.add.f32 [tilespmem:s18], [sflag:$0x5], $0x80, s22, s17, $0xb8;
	[tilespmem:$0x1B280] =	vst v63  }
0x69: {  	s28 =	simm.s32 $0x40;
	_ =	swait.ge [sflag:s14], $0x3C00  }
0x6a: {  	s29 =	simm.s32 $0x80;
	s26 =	sadd.s32 $0x200, s11;
	[sflag:s14] =	ssyncset.done $0x0  }
.LBB2_12:
0x6b: {  	s30 =	sadd.s32 s28, s12  }
0x6c: {  	[sflag:s14] =	ssyncadd.s32 $0xFFFFC400;
	s28 =	smov.u32 s29;
	s31 =	sadd.s32 $0x40, s29  }
0x6d: {  	[tilespmem:s15], [sflag:$0x2] =	stream.linear.gather [hbm4b:s30+s3], $0x100, $0x38;
	[tilespmem:$0x1B280] =	vst v63  }
0x6e: {  	p3 =	sne.s32 s29, $0x6C0;
	_ =	swait.ge [sflag:s16], $0x100  }
0x6f: {  	[sflag:s16] =	ssyncset.done $0x0  }
0x70: {  	[sflag:s16] =	ssyncadd.s32 $0xFFFFFF00  }
0x71: {  	[tilespmem:s18], [sflag:$0x3] =	stream.indirect.gather [hbm4b:s4+s17], $0x80, s3, s17, $0xb8;
	[tilespmem:$0x1B280] =	vst v63  }
0x72: {  	_ =	swait.ge [sflag:s19], $0x3C00  }
0x73: {  	[sflag:s19] =	ssyncset.done $0x0  }
0x74: {  	[sflag:s19] =	ssyncadd.s32 $0xFFFFC400  }
0x75: {  	[spmem:s1] =	stream.indirect.scatter.add.f32 [tilespmem:s18], [sflag:$0x5], $0x80, s20, s17, $0xb8;
	[tilespmem:$0x1B280] =	vst v63  }
0x76: {  	_ =	swait.ge [sflag:s14], $0x3C00  }
0x77: {  	s29 =	sshrl.u32 s26, $0x3;
	[sflag:s14] =	ssyncset.done $0x0  }
0x78: {  	s29 =	sadd.s32 s5, s29;
	[sflag:s14] =	ssyncadd.s32 $0xFFFFC400  }
0x79: {  	[tilespmem:s3], [sflag:$0x1] =	stream.linear.gather [hbm4b:s29+s3], $0x100, $0x38;
	[tilespmem:$0x1B280] =	vst v63  }
0x7a: {  	_ =	swait.ge [sflag:s21], $0x100  }
0x7b: {  	[sflag:s21] =	ssyncset.done $0x0  }
0x7c: {  	[sflag:s21] =	ssyncadd.s32 $0xFFFFFF00  }
0x7d: {  	[tilespmem:s18], [sflag:$0x3] =	stream.indirect.gather [hbm4b:s4+s17], $0x80, s15, s17, $0xb8;
	[tilespmem:$0x1B280] =	vst v63  }
0x7e: {  	_ =	swait.ge [sflag:s19], $0x3C00  }
.Ltmp6:
0x7f: {  	[sflag:s19] =	ssyncset.done $0x0;
	(pc) =	sbr.rel @p3 .LBB2_12-.Ltmp6, $4  }
0x80: {  	[sflag:s19] =	ssyncadd.s32 $0xFFFFC400  }
0x81: {  	[spmem:s1] =	stream.indirect.scatter.add.f32 [tilespmem:s18], [sflag:$0x5], $0x80, s22, s17, $0xb8;
	[tilespmem:$0x1B280] =	vst v63  }
0x82: {  	_ =	swait.ge [sflag:s14], $0x3C00  }
0x83: {  	s26 =	sadd.s32 $0x200, s26;
	s29 =	smov.u32 s31;
	[sflag:s14] =	ssyncset.done $0x0  }
.Ltmp7:
0x84: {  	_ = 	snop;
	(pc) =	sbr.rel .LBB2_13-.Ltmp7, $1  }
0x85: {  	_ =	sdelay $0x3  }
.LBB2_8:
0x86: {  	[tilespmem:s15], [sflag:$0x2] =	stream.linear.gather [hbm4b:s7+s26], $0x100, $0x38;
	[tilespmem:$0x1B280] =	vst v63  }
0x87: {  	_ =	swait.ge [sflag:s16], $0x100  }
0x88: {  	[sflag:s16] =	ssyncset.done $0x0  }
0x89: {  	[sflag:s16] =	ssyncadd.s32 $0xFFFFFF00  }
0x8a: {  	[tilespmem:s18], [sflag:$0x3] =	stream.indirect.gather [hbm4b:s4+s17], $0x80, s26, s17, $0xb8;
	[tilespmem:$0x1B280] =	vst v63  }
0x8b: {  	_ =	swait.ge [sflag:s21], $0x100  }
0x8c: {  	[sflag:s21] =	ssyncset.done $0x0  }
0x8d: {  	[sflag:s21] =	ssyncadd.s32 $0xFFFFFF00  }
0x8e: {  	_ =	swait.ge [sflag:s19], $0x3C00  }
0x8f: {  	[sflag:s19] =	ssyncset.done $0x0  }
0x90: {  	[sflag:s19] =	ssyncadd.s32 $0xFFFFC400  }
0x91: {  	[tilespmem:s13], [sflag:$0x4] =	stream.indirect.gather [hbm4b:s4+s17], $0x80, s15, s17, $0xb8;
	[tilespmem:$0x1B280] =	vst v63  }
0x92: {  	_ = 	snop  }
0x93: {  	[spmem:s1] =	stream.indirect.scatter.add.f32 [tilespmem:s18], [sflag:$0x5], $0x80, s20, s17, $0xb8;
	[tilespmem:$0x1B280] =	vst v63  }
0x94: {  	_ =	swait.ge [sflag:s14], $0x3C00  }
0x95: {  	s31 =	sshrl.u32 s11, $0x3;
	[sflag:s14] =	ssyncset.done $0x0  }
0x96: {  	s26 =	sadd.s32 s5, s31;
	[sflag:s14] =	ssyncadd.s32 $0xFFFFC400  }
0x97: {  	[tilespmem:s3], [sflag:$0x1] =	stream.linear.gather [hbm4b:s26+s3], $0x100, $0x38;
	[tilespmem:$0x1B280] =	vst v63  }
0x98: {  	_ =	swait.ge [sflag:s24], $0x3C00  }
0x99: {  	[sflag:s24] =	ssyncset.done $0x0  }
0x9a: {  	[sflag:s24] =	ssyncadd.s32 $0xFFFFC400  }
0x9b: {  	_ =	swait.ge [sflag:s16], $0x100  }
0x9c: {  	[sflag:s16] =	ssyncset.done $0x0  }
0x9d: {  	[sflag:s16] =	ssyncadd.s32 $0xFFFFFF00  }
0x9e: {  	[tilespmem:s18], [sflag:$0x3] =	stream.indirect.gather [hbm4b:s4+s17], $0x80, s3, s17, $0xb8;
	[tilespmem:$0x1B280] =	vst v63  }
0x9f: {  	_ = 	snop  }
0xa0: {  	[spmem:s1] =	stream.indirect.scatter.add.f32 [tilespmem:s13], [sflag:$0x5], $0x80, s22, s17, $0xb8;
	[tilespmem:$0x1B280] =	vst v63  }
0xa1: {  	_ =	swait.ge [sflag:s14], $0x3C00  }
0xa2: {  	s29 =	sadd.s32 $0x0, s10;
	[sflag:s14] =	ssyncset.done $0x0  }
0xa3: {  	s28 =	sadd.s32 $0x200, s11;
	s26 =	simm.s32 $0x40;
	[sflag:s14] =	ssyncadd.s32 $0xFFFFC400  }
.LBB2_9:
0xa4: {  	[tilespmem:s15], [sflag:$0x2] =	stream.linear.gather [hbm4b:s29+s3], $0x100, $0x38;
	[tilespmem:$0x1B280] =	vst v63  }
0xa5: {  	s29 =	smov.u32 s26  }
0xa6: {  	p3 =	seq.s32 s26, $0xD80;
	s26 =	sadd.s32 $0x40, s26;
	_ =	swait.ge [sflag:s21], $0x100  }
0xa7: {  	[sflag:s21] =	ssyncset.done $0x0  }
0xa8: {  	[sflag:s21] =	ssyncadd.s32 $0xFFFFFF00  }
0xa9: {  	_ =	swait.ge [sflag:s19], $0x3C00  }
0xaa: {  	[sflag:s19] =	ssyncset.done $0x0  }
0xab: {  	[sflag:s19] =	ssyncadd.s32 $0xFFFFC400  }
0xac: {  	[tilespmem:s13], [sflag:$0x4] =	stream.indirect.gather [hbm4b:s4+s17], $0x80, s15, s17, $0xb8;
	[tilespmem:$0x1B280] =	vst v63  }
0xad: {  	_ = 	snop  }
0xae: {  	[spmem:s1] =	stream.indirect.scatter.add.f32 [tilespmem:s18], [sflag:$0x5], $0x80, s20, s17, $0xb8;
	[tilespmem:$0x1B280] =	vst v63  }
0xaf: {  	_ =	swait.ge [sflag:s14], $0x3C00  }
0xb0: {  	s30 =	sshrl.u32 s28, $0x3;
	[sflag:s14] =	ssyncset.done $0x0  }
0xb1: {  	s30 =	sadd.s32 s5, s30;
	[sflag:s14] =	ssyncadd.s32 $0xFFFFC400  }
0xb2: {  	[tilespmem:s3], [sflag:$0x1] =	stream.linear.gather [hbm4b:s30+s3], $0x100, $0x38;
	[tilespmem:$0x1B280] =	vst v63  }
0xb3: {  	_ =	swait.ge [sflag:s24], $0x3C00  }
0xb4: {  	[sflag:s24] =	ssyncset.done $0x0  }
0xb5: {  	[sflag:s24] =	ssyncadd.s32 $0xFFFFC400  }
0xb6: {  	_ =	swait.ge [sflag:s16], $0x100  }
0xb7: {  	[sflag:s16] =	ssyncset.done $0x0  }
0xb8: {  	[sflag:s16] =	ssyncadd.s32 $0xFFFFFF00  }
0xb9: {  	[tilespmem:s18], [sflag:$0x3] =	stream.indirect.gather [hbm4b:s4+s17], $0x80, s3, s17, $0xb8;
	[tilespmem:$0x1B280] =	vst v63  }
.Ltmp8:
0xba: {  	(pc) =	sbr.rel @!p3 .LBB2_9-.Ltmp8, $4  }
0xbb: {  	[spmem:s1] =	stream.indirect.scatter.add.f32 [tilespmem:s13], [sflag:$0x5], $0x80, s22, s17, $0xb8;
	[tilespmem:$0x1B280] =	vst v63  }
0xbc: {  	_ =	swait.ge [sflag:s14], $0x3C00  }
0xbd: {  	[sflag:s14] =	ssyncset.done $0x0  }
0xbe: {  	s28 =	sadd.s32 $0x200, s28;
	s29 =	sadd.s32 s29, s10;
	[sflag:s14] =	ssyncadd.s32 $0xFFFFC400  }
0xbf: {  	[tilespmem:s15], [sflag:$0x2] =	stream.linear.gather [hbm4b:s29+s3], $0x100, $0x38;
	[tilespmem:$0x1B280] =	vst v63  }
0xc0: {  	_ =	swait.ge [sflag:s21], $0x100  }
0xc1: {  	[sflag:s21] =	ssyncset.done $0x0  }
0xc2: {  	[sflag:s21] =	ssyncadd.s32 $0xFFFFFF00  }
0xc3: {  	_ =	swait.ge [sflag:s19], $0x3C00  }
0xc4: {  	[sflag:s19] =	ssyncset.done $0x0  }
0xc5: {  	[sflag:s19] =	ssyncadd.s32 $0xFFFFC400  }
0xc6: {  	[tilespmem:s13], [sflag:$0x4] =	stream.indirect.gather [hbm4b:s4+s17], $0x80, s15, s17, $0xb8;
	[tilespmem:$0x1B280] =	vst v63  }
0xc7: {  	_ = 	snop  }
0xc8: {  	[spmem:s1] =	stream.indirect.scatter.add.f32 [tilespmem:s18], [sflag:$0x5], $0x80, s20, s17, $0xb8;
	[tilespmem:$0x1B280] =	vst v63  }
0xc9: {  	_ =	swait.ge [sflag:s14], $0x3C00  }
0xca: {  	[sflag:s14] =	ssyncset.done $0x0  }
0xcb: {  	[sflag:s14] =	ssyncadd.s32 $0xFFFFC400  }
0xcc: {  	_ =	swait.ge [sflag:s24], $0x3C00  }
0xcd: {  	[sflag:s24] =	ssyncset.done $0x0  }
.Ltmp9:
0xce: {  	[sflag:s24] =	ssyncadd.s32 $0xFFFFC400;
	(pc) =	sbr.rel .LBB2_14-.Ltmp9, $4  }
0xcf: {  	[spmem:s1] =	stream.indirect.scatter.add.f32 [tilespmem:s13], [sflag:$0x5], $0x80, s22, s17, $0xb8;
	[tilespmem:$0x1B280] =	vst v63  }
0xd0: {  	_ =	swait.ge [sflag:s14], $0x3C00  }
0xd1: {  	[sflag:s14] =	ssyncset.done $0x0  }
0xd2: {  	[sflag:s14] =	ssyncadd.s32 $0xFFFFC400  }
.LBB2_15:
0xd3: {  	_ =	sfence.sel $0x180000  }
0xd4: {  	[bflag:$0x0] =	sbarrier.arrive $0xFFFF  }
0xd5: {  	p0 =	sne.s32 s2, $0x0;
	_ =	strace $0x90000047  }
0xd6: {  	s0 =	sadd.s32 @!p0 $0x100000, s0;
	[bflag:$0x2] =	sbarrier.arrive $0xFFFF  }
0xd7: {  	[sflag:s0] =	ssyncadd.tile.s32 @!p0 $0x1;
	_ =	shalt  }
.Lfunc_end2:
_tile_overlayer_lowered:
.L_overlay_start_2:
0xd8: {  	(tag) =	ssettag $0x2  }
0xd9: {  	s0 =	rddreg [dreg:$0x0];
	s2 =	stileid.u32  }
0xda: {  	s1 =	rddreg [dreg:$0x1];
	p0 =	sne.s32 s2, $0x0  }
0xdb: {  	s3 =	rddreg [dreg:$0x2];
	[bflag:$0x3] =	sbarrier.arrive $0xFFFF;
	s2 =	simm.s32 @!p0 $0x1C05  }
0xdc: {  	[timem:s3], [sflag:s2] =	dma.local @!p0 [hbm:s0], s1  }
0xdd: {  	s0 =	simm.s32 @!p0 $0x5  }
0xde: {  	_ =	swait.ge @!p0 [sflag:s0], s1  }
0xdf: {  	s1 =	ssub.s32 @!p0 $0x0, s1;
	[sflag:s0] =	ssyncset.done @!p0 $0x0  }
0xe0: {  	[sflag:s0] =	ssyncadd.s32 @!p0 s1  }
0xe1: {  	[bflag:$0x3] =	sbarrier.arrive $0xFFFF  }
0xe2: {  	_ =	shalt  }

</sc_bundles>
